<compile_context>
chip_gen: v7x
topology: tpu7x:2x2x1
jax: 0.10.2.dev20260603
libtpu: 0.0.44.dev20260713+nightly
codegen_flags: <defaults>
</compile_context>

<pallas_src>
import functools

import jax
import jax.numpy as jnp
from jax import lax
from jax.experimental import pallas as pl
from jax.experimental.pallas import tpu as pltpu
from jax.experimental.pallas import tpu_sc as plsc

M = 100000
D = 128
DM = 256
B = 16384
NW = 32
BPW = B // NW
L = 16

_SC_MESH = plsc.VectorSubcoreMesh(core_axis_name="c", subcore_axis_name="s")



def _copy_body(cache_in, cache_out):
    cache_out[...] = cache_in[...]


def _tc_copy(cache_table):
    return pl.pallas_call(
        _copy_body,
        grid=(10,),
        in_specs=[pl.BlockSpec((10000, D), lambda i: (i, 0))],
        out_specs=pl.BlockSpec((10000, D), lambda i: (i, 0)),
        out_shape=jax.ShapeDtypeStruct((M, D), jnp.float32),
    )(cache_table)



def _winner_body(ids_hbm, src_hbm, pos_v, ids_v, tmp_v):
    c = lax.axis_index("c")
    s = lax.axis_index("s")

    @pl.when(jnp.logical_and(c == 0, s == 0))
    def _():
        pltpu.sync_copy(ids_hbm, ids_v)
        lane = lax.iota(jnp.int32, L)
        perms = [jnp.minimum(lane + s, L - 1) for s in range(1, L)]

        @pl.loop(0, B // L, unroll=8)
        def _(i):
            vids = ids_v[pl.ds(i * L, L)]
            loser = lane < 0
            for p in perms:
                loser = jnp.logical_or(
                    loser, vids == plsc.load_gather(ids_v.at[pl.ds(i * L, L)],
                                                    [p]))
            winner = jnp.logical_or(jnp.logical_not(loser), lane == L - 1)
            plsc.store_scatter(pos_v, [vids], lane + i * L, mask=winner)

        @pl.loop(0, B // L, unroll=8)
        def _(i):
            vids = ids_v[pl.ds(i * L, L)]
            ids_v[pl.ds(i * L, L)] = plsc.load_gather(pos_v, [vids])

        pltpu.sync_copy(ids_v, src_hbm)


_winner_kernel = pl.kernel(
    _winner_body,
    out_type=jax.ShapeDtypeStruct((B,), jnp.int32),
    mesh=_SC_MESH,
    compiler_params=pltpu.CompilerParams(needs_layout_passes=False),
    scratch_types=[
        pltpu.VMEM((M,), jnp.int32),
        pltpu.VMEM((B,), jnp.int32),
        pltpu.VMEM((L,), jnp.int32),
    ],
)



_CH = BPW // 2


_GCH = BPW // 2


def _gather_body(ids_hbm, cache_hbm, h_hbm,
                 idx0, idx1, rows0, rows1, sem0, sem1):
    wid = lax.axis_index("s") * 2 + lax.axis_index("c")
    base = wid * BPW
    idxs = [idx0, idx1]
    rows = [rows0, rows1]
    sems = [sem0, sem1]
    for k in range(2):
        pltpu.sync_copy(ids_hbm.at[pl.ds(base + k * _GCH, _GCH)], idxs[k])
    gs = [pltpu.async_copy(cache_hbm.at[idxs[k]], rows[k], sems[k])
          for k in range(2)]
    ws = []
    for k in range(2):
        gs[k].wait()
        ws.append(pltpu.async_copy(rows[k],
                                   h_hbm.at[pl.ds(base + k * _GCH, _GCH)],
                                   sems[k]))
    for w in ws:
        w.wait()


_gather_kernel = pl.kernel(
    _gather_body,
    out_type=jax.ShapeDtypeStruct((B, D), jnp.float32),
    mesh=_SC_MESH,
    compiler_params=pltpu.CompilerParams(needs_layout_passes=False),
    scratch_types=[
        pltpu.VMEM((_GCH,), jnp.int32),
        pltpu.VMEM((_GCH,), jnp.int32),
        pltpu.VMEM((_GCH, D), jnp.float32),
        pltpu.VMEM((_GCH, D), jnp.float32),
        pltpu.SemaphoreType.DMA,
        pltpu.SemaphoreType.DMA,
    ],
)



_M_PAD = 102400
_LUS = _M_PAD // 16


def _lu_body(ids_hbm, ts_hbm, lu_hbm, src_hbm, lu_out_hbm,
             tab_v, ts_v, ida_v, srca_v):
    c = lax.axis_index("c")
    s = lax.axis_index("s")

    @pl.when(c == 1)
    def _():
        lo = s * _LUS
        pltpu.sync_copy(lu_hbm.at[pl.ds(lo, _LUS)], tab_v)
        pltpu.sync_copy(ts_hbm, ts_v)
        pltpu.sync_copy(ids_hbm, ida_v)
        pltpu.sync_copy(src_hbm, srca_v)

        @pl.loop(0, B // L, unroll=8)
        def _(i):
            svec = srca_v[pl.ds(i * L, L)]
            ivec = ida_v[pl.ds(i * L, L)] - lo
            inr = jnp.logical_and(ivec >= 0, ivec < _LUS)
            tsg = plsc.load_gather(ts_v, [svec])
            plsc.store_scatter(tab_v, [jnp.where(inr, ivec, 0)], tsg,
                               mask=inr)

        pltpu.sync_copy(tab_v, lu_out_hbm.at[pl.ds(lo, _LUS)])


_lu_kernel = pl.kernel(
    _lu_body,
    out_type=jax.ShapeDtypeStruct((_M_PAD,), jnp.float32),
    mesh=_SC_MESH,
    compiler_params=pltpu.CompilerParams(needs_layout_passes=False),
    scratch_types=[
        pltpu.VMEM((_LUS,), jnp.float32),
        pltpu.VMEM((B,), jnp.float32),
        pltpu.VMEM((B,), jnp.int32),
        pltpu.VMEM((B,), jnp.int32),
    ],
)



_GRU_BLK = 2048


def _gru_body(msg_ref, h_ref, wih_ref, whh_ref, bih_ref, bhh_ref, out_ref):
    msg = msg_ref[...]
    h = h_ref[...]
    gi = lax.dot_general(msg, wih_ref[...], (((1,), (1,)), ((), ())),
                         preferred_element_type=jnp.float32) + bih_ref[...]
    gh = lax.dot_general(h, whh_ref[...], (((1,), (1,)), ((), ())),
                         preferred_element_type=jnp.float32) + bhh_ref[...]
    r = jax.nn.sigmoid(gi[:, :D] + gh[:, :D])
    z = jax.nn.sigmoid(gi[:, D:2 * D] + gh[:, D:2 * D])
    n = jnp.tanh(gi[:, 2 * D:] + r * gh[:, 2 * D:])
    out_ref[...] = (1.0 - z) * n + z * h


def _tc_gru(messages, h, W_ih, W_hh, b_ih, b_hh):
    return pl.pallas_call(
        _gru_body,
        grid=(B // _GRU_BLK,),
        in_specs=[
            pl.BlockSpec((_GRU_BLK, DM), lambda i: (i, 0)),
            pl.BlockSpec((_GRU_BLK, D), lambda i: (i, 0)),
            pl.BlockSpec((3 * D, DM), lambda i: (0, 0)),
            pl.BlockSpec((3 * D, D), lambda i: (0, 0)),
            pl.BlockSpec((1, 3 * D), lambda i: (0, 0)),
            pl.BlockSpec((1, 3 * D), lambda i: (0, 0)),
        ],
        out_specs=pl.BlockSpec((_GRU_BLK, D), lambda i: (i, 0)),
        out_shape=jax.ShapeDtypeStruct((B, D), jnp.float32),
    )(messages, h, W_ih, W_hh, b_ih.reshape(1, 3 * D), b_hh.reshape(1, 3 * D))



def _scatter_body(ids_hbm, src_hbm, upd_hbm, cache_ref,
                  idx0, idx1, src0, src1, rows0, rows1,
                  sem_a, sem_b):
    wid = lax.axis_index("s") * 2 + lax.axis_index("c")
    base = wid * BPW
    pltpu.sync_copy(ids_hbm.at[pl.ds(base, _CH)], idx0)
    pltpu.sync_copy(ids_hbm.at[pl.ds(base + _CH, _CH)], idx1)
    pltpu.sync_copy(src_hbm.at[pl.ds(base, _CH)], src0)
    pltpu.sync_copy(src_hbm.at[pl.ds(base + _CH, _CH)], src1)
    gr0 = pltpu.async_copy(upd_hbm.at[src0], rows0, sem_a)
    gr1 = pltpu.async_copy(upd_hbm.at[src1], rows1, sem_b)
    gr0.wait()
    sr0 = pltpu.async_copy(rows0, cache_ref.at[idx0], sem_a)
    gr1.wait()
    sr1 = pltpu.async_copy(rows1, cache_ref.at[idx1], sem_b)
    sr0.wait()
    sr1.wait()


_scatter_kernel = pl.kernel(
    _scatter_body,
    out_type=(),
    mesh=_SC_MESH,
    compiler_params=pltpu.CompilerParams(needs_layout_passes=False),
    scratch_types=[
        pltpu.VMEM((_CH,), jnp.int32),
        pltpu.VMEM((_CH,), jnp.int32),
        pltpu.VMEM((_CH,), jnp.int32),
        pltpu.VMEM((_CH,), jnp.int32),
        pltpu.VMEM((_CH, D), jnp.float32),
        pltpu.VMEM((_CH, D), jnp.float32),
        pltpu.SemaphoreType.DMA,
        pltpu.SemaphoreType.DMA,
    ],
)



def kernel(unique_node_ids, unique_messages, timestamps, cache_table,
           last_update, W_ih, W_hh, b_ih, b_hh):
    ids = unique_node_ids.astype(jnp.int32)
    cache0 = _tc_copy(cache_table)
    src = _winner_kernel(ids)
    h = _gather_kernel(ids, cache_table)
    lu_pad = jnp.pad(last_update, (0, _M_PAD - M))
    lu_out = _lu_kernel(ids, timestamps, lu_pad, src)[:M]
    upd = _tc_gru(unique_messages, h, W_ih, W_hh, b_ih, b_hh)
    cache_ref = jax.new_ref(cache0)
    _scatter_kernel(ids, src, upd, cache_ref)
    return cache_ref[...], lu_out

# --- scband reference (transcript-rebuilt; emitter-appended) ---
"""Pipeline reference for scband-sequence-cache-updater-57638461112561 (READ-ONLY COPY).

The authoritative reference and input builder live on the scoring server;
editing this copy changes nothing except your own understanding.
"""

import jax, jax.numpy as jnp
import numpy as np

M = 100000   # number of nodes in cache
D = 128      # cache_dimension
DM = 256     # message_dimension
B = 16384    # batch of unique node updates


def gru_cell(x, h, W_ih, W_hh, b_ih, b_hh):
    # Faithful torch.nn.GRUCell math (the cache_updater used by SequenceCacheUpdater subclasses)
    gi = x @ W_ih.T + b_ih
    gh = h @ W_hh.T + b_hh
    i_r, i_z, i_n = jnp.split(gi, 3, axis=1)
    h_r, h_z, h_n = jnp.split(gh, 3, axis=1)
    r = jax.nn.sigmoid(i_r + h_r)
    z = jax.nn.sigmoid(i_z + h_z)
    n = jnp.tanh(i_n + r * h_n)
    return (1.0 - z) * n + z * h


def setup_inputs(seed: int = 0) -> dict:
    key = jax.random.key(seed)
    ks = jax.random.split(key, 10)
    return {
        "unique_node_ids": jax.random.randint(ks[0], (B,), 0, M),
        "unique_messages": jax.random.normal(ks[1], (B, DM), dtype=jnp.float32),
        "timestamps": jax.random.uniform(ks[2], (B,), dtype=jnp.float32) + 1.0,
        # learned / state parameters
        "cache_table": jax.random.normal(ks[3], (M, D), dtype=jnp.float32) * 0.1,
        "last_update": jnp.zeros((M,), dtype=jnp.float32),
        "W_ih": jax.random.normal(ks[4], (3 * D, DM), dtype=jnp.float32) * 0.05,
        "W_hh": jax.random.normal(ks[5], (3 * D, D), dtype=jnp.float32) * 0.05,
        "b_ih": jnp.zeros((3 * D,), dtype=jnp.float32),
        "b_hh": jnp.zeros((3 * D,), dtype=jnp.float32),
    }


def reference(unique_node_ids, unique_messages, timestamps, cache_table, last_update,
              W_ih, W_hh, b_ih, b_hh):
    # get_updated_cache: gather current cache rows for the unique nodes
    h = jnp.take(cache_table, unique_node_ids, axis=0)
    # cache_updater(unique_messages, cache) -> GRUCell update
    updated = gru_cell(unique_messages, h, W_ih, W_hh, b_ih, b_hh)
    # scatter-overwrite updated rows back into (a copy of) the cache
    updated_cache = cache_table.at[unique_node_ids].set(updated)
    # scatter-overwrite timestamps into last_update
    updated_last_update = last_update.at[unique_node_ids].set(timestamps)
    return updated_cache, updated_last_update

if __name__ == "__main__":
    import jax
    _d = setup_inputs()
    print(jax.jit(kernel)(*tuple(_d.values())))

</pallas_src>

<mosaic_0001>
#map = affine_map<(d0, d1) -> (0)>
#map1 = affine_map<(d0, d1) -> (0, 0)>
module attributes {stable_mosaic.version = 14 : i64} {
  func.func @_gather_body(%arg0: i32, %arg1: i32, %arg2: memref<16384xi32, #tpu.memory_space<hbm>>, %arg3: memref<100000x128xf32, #tpu.memory_space<hbm>>, %arg4: memref<16384x128xf32, #tpu.memory_space<hbm>>, %arg5: memref<256xi32, #tpu.memory_space<vmem>>, %arg6: memref<256xi32, #tpu.memory_space<vmem>>, %arg7: memref<256x128xf32, #tpu.memory_space<vmem>>, %arg8: memref<256x128xf32, #tpu.memory_space<vmem>>, %arg9: memref<!tpu.dma_semaphore, #tpu.memory_space<semaphore_mem>>, %arg10: memref<!tpu.dma_semaphore, #tpu.memory_space<semaphore_mem>>) attributes {dimension_semantics = [#tpu.dimension_semantics<core_parallel>, #tpu.dimension_semantics<subcore_parallel>], iteration_bounds = array<i64: 2, 16>, scalar_prefetch = 0 : i64, scratch_operands = 6 : i64, tpu.core_type = #tpu.core_type<sc_vector_subcore>, window_params = [{transform_indices = #map}, {transform_indices = #map1}, {transform_indices = #map1}]} {
    %mul3A = arith.constant 2 : i32
    %mul3A_0 = arith.muli %arg1, %mul3A : i32
    %add3A = arith.addi %mul3A_0, %arg0 : i32
    %mul3A_1 = arith.constant 512 : i32
    %mul3A_2 = arith.muli %add3A, %mul3A_1 : i32
    %add3A_3 = arith.constant 0 : i32
    %add3A_4 = arith.addi %mul3A_2, %add3A_3 : i32
    "tpu.region"() ({
      %run_scoped3A = tpu.sem_alloc : memref<!tpu.dma_semaphore, #tpu.memory_space<semaphore_mem>>
      %dma_start3A_37 = tpu.memref_slice %arg2[%add3A_4] : memref<16384xi32, #tpu.memory_space<hbm>> -> memref<256xi32, #tpu.memory_space<hbm>>
      %dma_start3A_38 = tpu.memref_slice %arg2[%add3A_4] : memref<16384xi32, #tpu.memory_space<hbm>> -> memref<256xi32, #tpu.memory_space<hbm>>
      tpu.enqueue_dma source(%dma_start3A_38 : memref<256xi32, #tpu.memory_space<hbm>>) target(%arg5 : memref<256xi32, #tpu.memory_space<vmem>>) target_semaphore(%run_scoped3A : memref<!tpu.dma_semaphore, #tpu.memory_space<semaphore_mem>>)
      %dma_wait3A_39 = tpu.memref_slice %arg2[%add3A_4] : memref<16384xi32, #tpu.memory_space<hbm>> -> memref<256xi32, #tpu.memory_space<hbm>>
      %dma_wait3A_40 = tpu.memref_slice %arg2[%add3A_4] : memref<16384xi32, #tpu.memory_space<hbm>> -> memref<256xi32, #tpu.memory_space<hbm>>
      tpu.wait_dma2 semaphore(%run_scoped3A : memref<!tpu.dma_semaphore, #tpu.memory_space<semaphore_mem>>) src(%dma_wait3A_40 : memref<256xi32, #tpu.memory_space<hbm>>) dst(%arg5 : memref<256xi32, #tpu.memory_space<vmem>>)
      tpu.yield
    }) : () -> ()
    %add3A_5 = arith.constant 256 : i32
    %add3A_6 = arith.addi %mul3A_2, %add3A_5 : i32
    "tpu.region"() ({
      %run_scoped3A = tpu.sem_alloc : memref<!tpu.dma_semaphore, #tpu.memory_space<semaphore_mem>>
      %dma_start3A_37 = tpu.memref_slice %arg2[%add3A_6] : memref<16384xi32, #tpu.memory_space<hbm>> -> memref<256xi32, #tpu.memory_space<hbm>>
      %dma_start3A_38 = tpu.memref_slice %arg2[%add3A_6] : memref<16384xi32, #tpu.memory_space<hbm>> -> memref<256xi32, #tpu.memory_space<hbm>>
      tpu.enqueue_dma source(%dma_start3A_38 : memref<256xi32, #tpu.memory_space<hbm>>) target(%arg6 : memref<256xi32, #tpu.memory_space<vmem>>) target_semaphore(%run_scoped3A : memref<!tpu.dma_semaphore, #tpu.memory_space<semaphore_mem>>)
      %dma_wait3A_39 = tpu.memref_slice %arg2[%add3A_6] : memref<16384xi32, #tpu.memory_space<hbm>> -> memref<256xi32, #tpu.memory_space<hbm>>
      %dma_wait3A_40 = tpu.memref_slice %arg2[%add3A_6] : memref<16384xi32, #tpu.memory_space<hbm>> -> memref<256xi32, #tpu.memory_space<hbm>>
      tpu.wait_dma2 semaphore(%run_scoped3A : memref<!tpu.dma_semaphore, #tpu.memory_space<semaphore_mem>>) src(%dma_wait3A_40 : memref<256xi32, #tpu.memory_space<hbm>>) dst(%arg6 : memref<256xi32, #tpu.memory_space<vmem>>)
      tpu.yield
    }) : () -> ()
    %dma_start3A = arith.constant 0 : i32
    %dma_start3A_7 = arith.constant 0 : i32
    %dma_start3A_8 = tpu.memref_slice %arg3[%dma_start3A, %dma_start3A_7] : memref<100000x128xf32, #tpu.memory_space<hbm>> -> memref<100000x128xf32, #tpu.memory_space<hbm>>
    tpu.enqueue_indirect_dma source(%dma_start3A_8 : memref<100000x128xf32, #tpu.memory_space<hbm>>) target(%arg7 : memref<256x128xf32, #tpu.memory_space<vmem>>) offsets(%arg5 : memref<256xi32, #tpu.memory_space<vmem>>) semaphore(%arg9 : memref<!tpu.dma_semaphore, #tpu.memory_space<semaphore_mem>>)
    %dma_start3A_9 = arith.constant 0 : i32
    %dma_start3A_10 = arith.constant 0 : i32
    %dma_start3A_11 = tpu.memref_slice %arg3[%dma_start3A_9, %dma_start3A_10] : memref<100000x128xf32, #tpu.memory_space<hbm>> -> memref<100000x128xf32, #tpu.memory_space<hbm>>
    tpu.enqueue_indirect_dma source(%dma_start3A_11 : memref<100000x128xf32, #tpu.memory_space<hbm>>) target(%arg8 : memref<256x128xf32, #tpu.memory_space<vmem>>) offsets(%arg6 : memref<256xi32, #tpu.memory_space<vmem>>) semaphore(%arg10 : memref<!tpu.dma_semaphore, #tpu.memory_space<semaphore_mem>>)
    %dma_wait3A = arith.constant 0 : i32
    %dma_wait3A_12 = arith.constant 0 : i32
    %dma_wait3A_13 = tpu.memref_slice %arg3[%dma_wait3A, %dma_wait3A_12] : memref<100000x128xf32, #tpu.memory_space<hbm>> -> memref<100000x128xf32, #tpu.memory_space<hbm>>
    tpu.wait_indirect_dma semaphore(%arg9 : memref<!tpu.dma_semaphore, #tpu.memory_space<semaphore_mem>>) src(%dma_wait3A_13 : memref<100000x128xf32, #tpu.memory_space<hbm>>) dst(%arg7 : memref<256x128xf32, #tpu.memory_space<vmem>>)
    %add3A_14 = arith.constant 0 : i32
    %add3A_15 = arith.addi %mul3A_2, %add3A_14 : i32
    %dma_start3A_16 = arith.constant 0 : i32
    %dma_start3A_17 = tpu.memref_slice %arg4[%add3A_15, %dma_start3A_16] : memref<16384x128xf32, #tpu.memory_space<hbm>> -> memref<256x128xf32, #tpu.memory_space<hbm>>
    %dma_start3A_18 = arith.constant 0 : i32
    %dma_start3A_19 = tpu.memref_slice %arg4[%add3A_15, %dma_start3A_18] : memref<16384x128xf32, #tpu.memory_space<hbm>> -> memref<256x128xf32, #tpu.memory_space<hbm>>
    tpu.enqueue_dma source(%arg7 : memref<256x128xf32, #tpu.memory_space<vmem>>) target(%dma_start3A_19 : memref<256x128xf32, #tpu.memory_space<hbm>>) target_semaphore(%arg9 : memref<!tpu.dma_semaphore, #tpu.memory_space<semaphore_mem>>)
    %dma_wait3A_20 = arith.constant 0 : i32
    %dma_wait3A_21 = arith.constant 0 : i32
    %dma_wait3A_22 = tpu.memref_slice %arg3[%dma_wait3A_20, %dma_wait3A_21] : memref<100000x128xf32, #tpu.memory_space<hbm>> -> memref<100000x128xf32, #tpu.memory_space<hbm>>
    tpu.wait_indirect_dma semaphore(%arg10 : memref<!tpu.dma_semaphore, #tpu.memory_space<semaphore_mem>>) src(%dma_wait3A_22 : memref<100000x128xf32, #tpu.memory_space<hbm>>) dst(%arg8 : memref<256x128xf32, #tpu.memory_space<vmem>>)
    %add3A_23 = arith.constant 256 : i32
    %add3A_24 = arith.addi %mul3A_2, %add3A_23 : i32
    %dma_start3A_25 = arith.constant 0 : i32
    %dma_start3A_26 = tpu.memref_slice %arg4[%add3A_24, %dma_start3A_25] : memref<16384x128xf32, #tpu.memory_space<hbm>> -> memref<256x128xf32, #tpu.memory_space<hbm>>
    %dma_start3A_27 = arith.constant 0 : i32
    %dma_start3A_28 = tpu.memref_slice %arg4[%add3A_24, %dma_start3A_27] : memref<16384x128xf32, #tpu.memory_space<hbm>> -> memref<256x128xf32, #tpu.memory_space<hbm>>
    tpu.enqueue_dma source(%arg8 : memref<256x128xf32, #tpu.memory_space<vmem>>) target(%dma_start3A_28 : memref<256x128xf32, #tpu.memory_space<hbm>>) target_semaphore(%arg10 : memref<!tpu.dma_semaphore, #tpu.memory_space<semaphore_mem>>)
    %dma_wait3A_29 = arith.constant 0 : i32
    %dma_wait3A_30 = tpu.memref_slice %arg4[%add3A_15, %dma_wait3A_29] : memref<16384x128xf32, #tpu.memory_space<hbm>> -> memref<256x128xf32, #tpu.memory_space<hbm>>
    %dma_wait3A_31 = arith.constant 0 : i32
    %dma_wait3A_32 = tpu.memref_slice %arg4[%add3A_15, %dma_wait3A_31] : memref<16384x128xf32, #tpu.memory_space<hbm>> -> memref<256x128xf32, #tpu.memory_space<hbm>>
    tpu.wait_dma2 semaphore(%arg9 : memref<!tpu.dma_semaphore, #tpu.memory_space<semaphore_mem>>) src(%arg7 : memref<256x128xf32, #tpu.memory_space<vmem>>) dst(%dma_wait3A_32 : memref<256x128xf32, #tpu.memory_space<hbm>>)
    %dma_wait3A_33 = arith.constant 0 : i32
    %dma_wait3A_34 = tpu.memref_slice %arg4[%add3A_24, %dma_wait3A_33] : memref<16384x128xf32, #tpu.memory_space<hbm>> -> memref<256x128xf32, #tpu.memory_space<hbm>>
    %dma_wait3A_35 = arith.constant 0 : i32
    %dma_wait3A_36 = tpu.memref_slice %arg4[%add3A_24, %dma_wait3A_35] : memref<16384x128xf32, #tpu.memory_space<hbm>> -> memref<256x128xf32, #tpu.memory_space<hbm>>
    tpu.wait_dma2 semaphore(%arg10 : memref<!tpu.dma_semaphore, #tpu.memory_space<semaphore_mem>>) src(%arg8 : memref<256x128xf32, #tpu.memory_space<vmem>>) dst(%dma_wait3A_36 : memref<256x128xf32, #tpu.memory_space<hbm>>)
    return
  }
}

#map = affine_map<(d0, d1) -> (0)>
#map1 = affine_map<(d0, d1) -> (0, 0)>
module attributes {stable_mosaic.version = 14 : i64} {
  func.func @new_body(%arg0: i32, %arg1: i32, %arg2: memref<16384xi32, #tpu.memory_space<hbm>>, %arg3: memref<16384xi32, #tpu.memory_space<hbm>>, %arg4: memref<16384x128xf32, #tpu.memory_space<hbm>>, %arg5: memref<100000x128xf32, #tpu.memory_space<hbm>>, %arg6: memref<100000x128xf32, #tpu.memory_space<hbm>>, %arg7: memref<256xi32, #tpu.memory_space<vmem>>, %arg8: memref<256xi32, #tpu.memory_space<vmem>>, %arg9: memref<256xi32, #tpu.memory_space<vmem>>, %arg10: memref<256xi32, #tpu.memory_space<vmem>>, %arg11: memref<256x128xf32, #tpu.memory_space<vmem>>, %arg12: memref<256x128xf32, #tpu.memory_space<vmem>>, %arg13: memref<!tpu.dma_semaphore, #tpu.memory_space<semaphore_mem>>, %arg14: memref<!tpu.dma_semaphore, #tpu.memory_space<semaphore_mem>>) attributes {dimension_semantics = [#tpu.dimension_semantics<core_parallel>, #tpu.dimension_semantics<subcore_parallel>], iteration_bounds = array<i64: 2, 16>, scalar_prefetch = 0 : i64, scratch_operands = 8 : i64, tpu.core_type = #tpu.core_type<sc_vector_subcore>, window_params = [{transform_indices = #map}, {transform_indices = #map}, {transform_indices = #map1}, {transform_indices = #map1}, {transform_indices = #map1}]} {
    %mul3A = arith.constant 2 : i32
    %mul3A_0 = arith.muli %arg1, %mul3A : i32
    %add3A = arith.addi %mul3A_0, %arg0 : i32
    %mul3A_1 = arith.constant 512 : i32
    %mul3A_2 = arith.muli %add3A, %mul3A_1 : i32
    "tpu.region"() ({
      %run_scoped3A = tpu.sem_alloc : memref<!tpu.dma_semaphore, #tpu.memory_space<semaphore_mem>>
      %dma_start3A_29 = tpu.memref_slice %arg2[%mul3A_2] : memref<16384xi32, #tpu.memory_space<hbm>> -> memref<256xi32, #tpu.memory_space<hbm>>
      %dma_start3A_30 = tpu.memref_slice %arg2[%mul3A_2] : memref<16384xi32, #tpu.memory_space<hbm>> -> memref<256xi32, #tpu.memory_space<hbm>>
      tpu.enqueue_dma source(%dma_start3A_30 : memref<256xi32, #tpu.memory_space<hbm>>) target(%arg7 : memref<256xi32, #tpu.memory_space<vmem>>) target_semaphore(%run_scoped3A : memref<!tpu.dma_semaphore, #tpu.memory_space<semaphore_mem>>)
      %dma_wait3A_31 = tpu.memref_slice %arg2[%mul3A_2] : memref<16384xi32, #tpu.memory_space<hbm>> -> memref<256xi32, #tpu.memory_space<hbm>>
      %dma_wait3A_32 = tpu.memref_slice %arg2[%mul3A_2] : memref<16384xi32, #tpu.memory_space<hbm>> -> memref<256xi32, #tpu.memory_space<hbm>>
      tpu.wait_dma2 semaphore(%run_scoped3A : memref<!tpu.dma_semaphore, #tpu.memory_space<semaphore_mem>>) src(%dma_wait3A_32 : memref<256xi32, #tpu.memory_space<hbm>>) dst(%arg7 : memref<256xi32, #tpu.memory_space<vmem>>)
      tpu.yield
    }) : () -> ()
    %add3A_3 = arith.constant 256 : i32
    %add3A_4 = arith.addi %mul3A_2, %add3A_3 : i32
    "tpu.region"() ({
      %run_scoped3A = tpu.sem_alloc : memref<!tpu.dma_semaphore, #tpu.memory_space<semaphore_mem>>
      %dma_start3A_29 = tpu.memref_slice %arg2[%add3A_4] : memref<16384xi32, #tpu.memory_space<hbm>> -> memref<256xi32, #tpu.memory_space<hbm>>
      %dma_start3A_30 = tpu.memref_slice %arg2[%add3A_4] : memref<16384xi32, #tpu.memory_space<hbm>> -> memref<256xi32, #tpu.memory_space<hbm>>
      tpu.enqueue_dma source(%dma_start3A_30 : memref<256xi32, #tpu.memory_space<hbm>>) target(%arg8 : memref<256xi32, #tpu.memory_space<vmem>>) target_semaphore(%run_scoped3A : memref<!tpu.dma_semaphore, #tpu.memory_space<semaphore_mem>>)
      %dma_wait3A_31 = tpu.memref_slice %arg2[%add3A_4] : memref<16384xi32, #tpu.memory_space<hbm>> -> memref<256xi32, #tpu.memory_space<hbm>>
      %dma_wait3A_32 = tpu.memref_slice %arg2[%add3A_4] : memref<16384xi32, #tpu.memory_space<hbm>> -> memref<256xi32, #tpu.memory_space<hbm>>
      tpu.wait_dma2 semaphore(%run_scoped3A : memref<!tpu.dma_semaphore, #tpu.memory_space<semaphore_mem>>) src(%dma_wait3A_32 : memref<256xi32, #tpu.memory_space<hbm>>) dst(%arg8 : memref<256xi32, #tpu.memory_space<vmem>>)
      tpu.yield
    }) : () -> ()
    "tpu.region"() ({
      %run_scoped3A = tpu.sem_alloc : memref<!tpu.dma_semaphore, #tpu.memory_space<semaphore_mem>>
      %dma_start3A_29 = tpu.memref_slice %arg3[%mul3A_2] : memref<16384xi32, #tpu.memory_space<hbm>> -> memref<256xi32, #tpu.memory_space<hbm>>
      %dma_start3A_30 = tpu.memref_slice %arg3[%mul3A_2] : memref<16384xi32, #tpu.memory_space<hbm>> -> memref<256xi32, #tpu.memory_space<hbm>>
      tpu.enqueue_dma source(%dma_start3A_30 : memref<256xi32, #tpu.memory_space<hbm>>) target(%arg9 : memref<256xi32, #tpu.memory_space<vmem>>) target_semaphore(%run_scoped3A : memref<!tpu.dma_semaphore, #tpu.memory_space<semaphore_mem>>)
      %dma_wait3A_31 = tpu.memref_slice %arg3[%mul3A_2] : memref<16384xi32, #tpu.memory_space<hbm>> -> memref<256xi32, #tpu.memory_space<hbm>>
      %dma_wait3A_32 = tpu.memref_slice %arg3[%mul3A_2] : memref<16384xi32, #tpu.memory_space<hbm>> -> memref<256xi32, #tpu.memory_space<hbm>>
      tpu.wait_dma2 semaphore(%run_scoped3A : memref<!tpu.dma_semaphore, #tpu.memory_space<semaphore_mem>>) src(%dma_wait3A_32 : memref<256xi32, #tpu.memory_space<hbm>>) dst(%arg9 : memref<256xi32, #tpu.memory_space<vmem>>)
      tpu.yield
    }) : () -> ()
    %add3A_5 = arith.constant 256 : i32
    %add3A_6 = arith.addi %mul3A_2, %add3A_5 : i32
    "tpu.region"() ({
      %run_scoped3A = tpu.sem_alloc : memref<!tpu.dma_semaphore, #tpu.memory_space<semaphore_mem>>
      %dma_start3A_29 = tpu.memref_slice %arg3[%add3A_6] : memref<16384xi32, #tpu.memory_space<hbm>> -> memref<256xi32, #tpu.memory_space<hbm>>
      %dma_start3A_30 = tpu.memref_slice %arg3[%add3A_6] : memref<16384xi32, #tpu.memory_space<hbm>> -> memref<256xi32, #tpu.memory_space<hbm>>
      tpu.enqueue_dma source(%dma_start3A_30 : memref<256xi32, #tpu.memory_space<hbm>>) target(%arg10 : memref<256xi32, #tpu.memory_space<vmem>>) target_semaphore(%run_scoped3A : memref<!tpu.dma_semaphore, #tpu.memory_space<semaphore_mem>>)
      %dma_wait3A_31 = tpu.memref_slice %arg3[%add3A_6] : memref<16384xi32, #tpu.memory_space<hbm>> -> memref<256xi32, #tpu.memory_space<hbm>>
      %dma_wait3A_32 = tpu.memref_slice %arg3[%add3A_6] : memref<16384xi32, #tpu.memory_space<hbm>> -> memref<256xi32, #tpu.memory_space<hbm>>
      tpu.wait_dma2 semaphore(%run_scoped3A : memref<!tpu.dma_semaphore, #tpu.memory_space<semaphore_mem>>) src(%dma_wait3A_32 : memref<256xi32, #tpu.memory_space<hbm>>) dst(%arg10 : memref<256xi32, #tpu.memory_space<vmem>>)
      tpu.yield
    }) : () -> ()
    %dma_start3A = arith.constant 0 : i32
    %dma_start3A_7 = arith.constant 0 : i32
    %dma_start3A_8 = tpu.memref_slice %arg4[%dma_start3A, %dma_start3A_7] : memref<16384x128xf32, #tpu.memory_space<hbm>> -> memref<16384x128xf32, #tpu.memory_space<hbm>>
    tpu.enqueue_indirect_dma source(%dma_start3A_8 : memref<16384x128xf32, #tpu.memory_space<hbm>>) target(%arg11 : memref<256x128xf32, #tpu.memory_space<vmem>>) offsets(%arg9 : memref<256xi32, #tpu.memory_space<vmem>>) semaphore(%arg13 : memref<!tpu.dma_semaphore, #tpu.memory_space<semaphore_mem>>)
    %dma_start3A_9 = arith.constant 0 : i32
    %dma_start3A_10 = arith.constant 0 : i32
    %dma_start3A_11 = tpu.memref_slice %arg4[%dma_start3A_9, %dma_start3A_10] : memref<16384x128xf32, #tpu.memory_space<hbm>> -> memref<16384x128xf32, #tpu.memory_space<hbm>>
    tpu.enqueue_indirect_dma source(%dma_start3A_11 : memref<16384x128xf32, #tpu.memory_space<hbm>>) target(%arg12 : memref<256x128xf32, #tpu.memory_space<vmem>>) offsets(%arg10 : memref<256xi32, #tpu.memory_space<vmem>>) semaphore(%arg14 : memref<!tpu.dma_semaphore, #tpu.memory_space<semaphore_mem>>)
    %dma_wait3A = arith.constant 0 : i32
    %dma_wait3A_12 = arith.constant 0 : i32
    %dma_wait3A_13 = tpu.memref_slice %arg4[%dma_wait3A, %dma_wait3A_12] : memref<16384x128xf32, #tpu.memory_space<hbm>> -> memref<16384x128xf32, #tpu.memory_space<hbm>>
    tpu.wait_indirect_dma semaphore(%arg13 : memref<!tpu.dma_semaphore, #tpu.memory_space<semaphore_mem>>) src(%dma_wait3A_13 : memref<16384x128xf32, #tpu.memory_space<hbm>>) dst(%arg11 : memref<256x128xf32, #tpu.memory_space<vmem>>)
    %dma_start3A_14 = arith.constant 0 : i32
    %dma_start3A_15 = arith.constant 0 : i32
    %dma_start3A_16 = tpu.memref_slice %arg5[%dma_start3A_14, %dma_start3A_15] : memref<100000x128xf32, #tpu.memory_space<hbm>> -> memref<100000x128xf32, #tpu.memory_space<hbm>>
    tpu.enqueue_indirect_dma source(%arg11 : memref<256x128xf32, #tpu.memory_space<vmem>>) target(%dma_start3A_16 : memref<100000x128xf32, #tpu.memory_space<hbm>>) offsets(%arg7 : memref<256xi32, #tpu.memory_space<vmem>>) semaphore(%arg13 : memref<!tpu.dma_semaphore, #tpu.memory_space<semaphore_mem>>)
    %dma_wait3A_17 = arith.constant 0 : i32
    %dma_wait3A_18 = arith.constant 0 : i32
    %dma_wait3A_19 = tpu.memref_slice %arg4[%dma_wait3A_17, %dma_wait3A_18] : memref<16384x128xf32, #tpu.memory_space<hbm>> -> memref<16384x128xf32, #tpu.memory_space<hbm>>
    tpu.wait_indirect_dma semaphore(%arg14 : memref<!tpu.dma_semaphore, #tpu.memory_space<semaphore_mem>>) src(%dma_wait3A_19 : memref<16384x128xf32, #tpu.memory_space<hbm>>) dst(%arg12 : memref<256x128xf32, #tpu.memory_space<vmem>>)
    %dma_start3A_20 = arith.constant 0 : i32
    %dma_start3A_21 = arith.constant 0 : i32
    %dma_start3A_22 = tpu.memref_slice %arg5[%dma_start3A_20, %dma_start3A_21] : memref<100000x128xf32, #tpu.memory_space<hbm>> -> memref<100000x128xf32, #tpu.memory_space<hbm>>
    tpu.enqueue_indirect_dma source(%arg12 : memref<256x128xf32, #tpu.memory_space<vmem>>) target(%dma_start3A_22 : memref<100000x128xf32, #tpu.memory_space<hbm>>) offsets(%arg8 : memref<256xi32, #tpu.memory_space<vmem>>) semaphore(%arg14 : memref<!tpu.dma_semaphore, #tpu.memory_space<semaphore_mem>>)
    %dma_wait3A_23 = arith.constant 0 : i32
    %dma_wait3A_24 = arith.constant 0 : i32
    %dma_wait3A_25 = tpu.memref_slice %arg5[%dma_wait3A_23, %dma_wait3A_24] : memref<100000x128xf32, #tpu.memory_space<hbm>> -> memref<100000x128xf32, #tpu.memory_space<hbm>>
    tpu.wait_indirect_dma semaphore(%arg13 : memref<!tpu.dma_semaphore, #tpu.memory_space<semaphore_mem>>) src(%arg11 : memref<256x128xf32, #tpu.memory_space<vmem>>) dst(%dma_wait3A_25 : memref<100000x128xf32, #tpu.memory_space<hbm>>)
    %dma_wait3A_26 = arith.constant 0 : i32
    %dma_wait3A_27 = arith.constant 0 : i32
    %dma_wait3A_28 = tpu.memref_slice %arg5[%dma_wait3A_26, %dma_wait3A_27] : memref<100000x128xf32, #tpu.memory_space<hbm>> -> memref<100000x128xf32, #tpu.memory_space<hbm>>
    tpu.wait_indirect_dma semaphore(%arg14 : memref<!tpu.dma_semaphore, #tpu.memory_space<semaphore_mem>>) src(%arg12 : memref<256x128xf32, #tpu.memory_space<vmem>>) dst(%dma_wait3A_28 : memref<100000x128xf32, #tpu.memory_space<hbm>>)
    return
  }
}

#map = affine_map<(d0, d1) -> (0)>
module attributes {stable_mosaic.version = 14 : i64} {
  func.func @_lu_body(%arg0: i32, %arg1: i32, %arg2: memref<16384xi32, #tpu.memory_space<hbm>>, %arg3: memref<16384xf32, #tpu.memory_space<hbm>>, %arg4: memref<102400xf32, #tpu.memory_space<hbm>>, %arg5: memref<16384xi32, #tpu.memory_space<hbm>>, %arg6: memref<102400xf32, #tpu.memory_space<hbm>>, %arg7: memref<6400xf32, #tpu.memory_space<vmem>>, %arg8: memref<16384xf32, #tpu.memory_space<vmem>>, %arg9: memref<16384xi32, #tpu.memory_space<vmem>>, %arg10: memref<16384xi32, #tpu.memory_space<vmem>>) attributes {dimension_semantics = [#tpu.dimension_semantics<core_parallel>, #tpu.dimension_semantics<subcore_parallel>], iteration_bounds = array<i64: 2, 16>, scalar_prefetch = 0 : i64, scratch_operands = 4 : i64, tpu.core_type = #tpu.core_type<sc_vector_subcore>, window_params = [{transform_indices = #map}, {transform_indices = #map}, {transform_indices = #map}, {transform_indices = #map}, {transform_indices = #map}]} {
    %eq3A = arith.constant 1 : i32
    %eq3A_0 = arith.cmpi eq, %arg0, %eq3A : i32
    %convert_element_type3A = arith.extui %eq3A_0 : i1 to i32
    %cond3A = arith.constant 0 : i32
    %cond3A_1 = arith.cmpi ne, %convert_element_type3A, %cond3A : i32
    scf.if %cond3A_1 {
      %mul3A = arith.constant 6400 : i32
      %mul3A_2 = arith.muli %arg1, %mul3A : i32
      "tpu.region"() ({
        %run_scoped3A = tpu.sem_alloc : memref<!tpu.dma_semaphore, #tpu.memory_space<semaphore_mem>>
        %dma_start3A = tpu.memref_slice %arg4[%mul3A_2] : memref<102400xf32, #tpu.memory_space<hbm>> -> memref<6400xf32, #tpu.memory_space<hbm>>
        %dma_start3A_7 = tpu.memref_slice %arg4[%mul3A_2] : memref<102400xf32, #tpu.memory_space<hbm>> -> memref<6400xf32, #tpu.memory_space<hbm>>
        tpu.enqueue_dma source(%dma_start3A_7 : memref<6400xf32, #tpu.memory_space<hbm>>) target(%arg7 : memref<6400xf32, #tpu.memory_space<vmem>>) target_semaphore(%run_scoped3A : memref<!tpu.dma_semaphore, #tpu.memory_space<semaphore_mem>>)
        %dma_wait3A = tpu.memref_slice %arg4[%mul3A_2] : memref<102400xf32, #tpu.memory_space<hbm>> -> memref<6400xf32, #tpu.memory_space<hbm>>
        %dma_wait3A_8 = tpu.memref_slice %arg4[%mul3A_2] : memref<102400xf32, #tpu.memory_space<hbm>> -> memref<6400xf32, #tpu.memory_space<hbm>>
        tpu.wait_dma2 semaphore(%run_scoped3A : memref<!tpu.dma_semaphore, #tpu.memory_space<semaphore_mem>>) src(%dma_wait3A_8 : memref<6400xf32, #tpu.memory_space<hbm>>) dst(%arg7 : memref<6400xf32, #tpu.memory_space<vmem>>)
        tpu.yield
      }) : () -> ()
      "tpu.region"() ({
        %run_scoped3A = tpu.sem_alloc : memref<!tpu.dma_semaphore, #tpu.memory_space<semaphore_mem>>
        tpu.enqueue_dma source(%arg3 : memref<16384xf32, #tpu.memory_space<hbm>>) target(%arg8 : memref<16384xf32, #tpu.memory_space<vmem>>) target_semaphore(%run_scoped3A : memref<!tpu.dma_semaphore, #tpu.memory_space<semaphore_mem>>)
        tpu.wait_dma2 semaphore(%run_scoped3A : memref<!tpu.dma_semaphore, #tpu.memory_space<semaphore_mem>>) src(%arg3 : memref<16384xf32, #tpu.memory_space<hbm>>) dst(%arg8 : memref<16384xf32, #tpu.memory_space<vmem>>)
        tpu.yield
      }) : () -> ()
      "tpu.region"() ({
        %run_scoped3A = tpu.sem_alloc : memref<!tpu.dma_semaphore, #tpu.memory_space<semaphore_mem>>
        tpu.enqueue_dma source(%arg2 : memref<16384xi32, #tpu.memory_space<hbm>>) target(%arg9 : memref<16384xi32, #tpu.memory_space<vmem>>) target_semaphore(%run_scoped3A : memref<!tpu.dma_semaphore, #tpu.memory_space<semaphore_mem>>)
        tpu.wait_dma2 semaphore(%run_scoped3A : memref<!tpu.dma_semaphore, #tpu.memory_space<semaphore_mem>>) src(%arg2 : memref<16384xi32, #tpu.memory_space<hbm>>) dst(%arg9 : memref<16384xi32, #tpu.memory_space<vmem>>)
        tpu.yield
      }) : () -> ()
      "tpu.region"() ({
        %run_scoped3A = tpu.sem_alloc : memref<!tpu.dma_semaphore, #tpu.memory_space<semaphore_mem>>
        tpu.enqueue_dma source(%arg5 : memref<16384xi32, #tpu.memory_space<hbm>>) target(%arg10 : memref<16384xi32, #tpu.memory_space<vmem>>) target_semaphore(%run_scoped3A : memref<!tpu.dma_semaphore, #tpu.memory_space<semaphore_mem>>)
        tpu.wait_dma2 semaphore(%run_scoped3A : memref<!tpu.dma_semaphore, #tpu.memory_space<semaphore_mem>>) src(%arg5 : memref<16384xi32, #tpu.memory_space<hbm>>) dst(%arg10 : memref<16384xi32, #tpu.memory_space<vmem>>)
        tpu.yield
      }) : () -> ()
      %scan3A = arith.constant 0 : i32
      %scan3A_3 = arith.constant 1024 : i32
      %scan3A_4 = arith.addi %scan3A, %scan3A_3 : i32
      %scan3A_5 = arith.constant 8 : i32
      scf.for %scan3A_7 = %scan3A to %scan3A_4 step %scan3A_5  : i32 {
        %mul3A_8 = arith.constant 1 : i32
        %mul3A_9 = arith.muli %scan3A_7, %mul3A_8 : i32
        %add3A = arith.constant 0 : i32
        %add3A_10 = arith.addi %add3A, %mul3A_9 : i32
        %mul3A_11 = arith.constant 16 : i32
        %mul3A_12 = arith.muli %add3A_10, %mul3A_11 : i32
        %get3A = arith.index_cast %mul3A_12 : i32 to index
        %get3A_13 = tpu.vector_load %arg10[%get3A] {strides = array<i32>} : memref<16384xi32, #tpu.memory_space<vmem>>, vector<16xi32>,
        %mul3A_14 = arith.constant 16 : i32
        %mul3A_15 = arith.muli %add3A_10, %mul3A_14 : i32
        %get3A_16 = arith.index_cast %mul3A_15 : i32 to index
        %get3A_17 = tpu.vector_load %arg9[%get3A_16] {strides = array<i32>} : memref<16384xi32, #tpu.memory_space<vmem>>, vector<16xi32>,
        %sub3A = vector.broadcast %mul3A_2 : i32 to vector<16xi32>
        %sub3A_18 = arith.subi %get3A_17, %sub3A : vector<16xi32>
        %ge3A = arith.constant 0 : i32
        %ge3A_19 = vector.broadcast %ge3A : i32 to vector<16xi32>
        %ge3A_20 = arith.cmpi sge, %sub3A_18, %ge3A_19 : vector<16xi32>
        %lt3A = arith.constant 6400 : i32
        %lt3A_21 = vector.broadcast %lt3A : i32 to vector<16xi32>
        %lt3A_22 = arith.cmpi slt, %sub3A_18, %lt3A_21 : vector<16xi32>
        %and3A = arith.andi %ge3A_20, %lt3A_22 : vector<16xi1>
        %gather3A = tpu.vector_load_idx %arg8[%get3A_13] : memref<16384xf32, #tpu.memory_space<vmem>>[vector<16xi32>], vector<16xf32>,
        %jit3A = arith.constant 0 : i32
        %broadcast_in_dim3A = vector.broadcast %jit3A : i32 to vector<16xi32>
        %select_n3A = arith.select %and3A, %sub3A_18, %broadcast_in_dim3A : vector<16xi1>, vector<16xi32>
        tpu.vector_store_idx %arg7[%select_n3A], %gather3A masked %and3A : memref<6400xf32, #tpu.memory_space<vmem>>[vector<16xi32>], vector<16xf32>, vector<16xi1>
        %scan3A_23 = arith.constant 1 : i32
        %scan3A_24 = arith.addi %scan3A_7, %scan3A_23 : i32
        %mul3A_25 = arith.constant 1 : i32
        %mul3A_26 = arith.muli %scan3A_24, %mul3A_25 : i32
        %add3A_27 = arith.constant 0 : i32
        %add3A_28 = arith.addi %add3A_27, %mul3A_26 : i32
        %mul3A_29 = arith.constant 16 : i32
        %mul3A_30 = arith.muli %add3A_28, %mul3A_29 : i32
        %get3A_31 = arith.index_cast %mul3A_30 : i32 to index
        %get3A_32 = tpu.vector_load %arg10[%get3A_31] {strides = array<i32>} : memref<16384xi32, #tpu.memory_space<vmem>>, vector<16xi32>,
        %mul3A_33 = arith.constant 16 : i32
        %mul3A_34 = arith.muli %add3A_28, %mul3A_33 : i32
        %get3A_35 = arith.index_cast %mul3A_34 : i32 to index
        %get3A_36 = tpu.vector_load %arg9[%get3A_35] {strides = array<i32>} : memref<16384xi32, #tpu.memory_space<vmem>>, vector<16xi32>,
        %sub3A_37 = vector.broadcast %mul3A_2 : i32 to vector<16xi32>
        %sub3A_38 = arith.subi %get3A_36, %sub3A_37 : vector<16xi32>
        %ge3A_39 = arith.constant 0 : i32
        %ge3A_40 = vector.broadcast %ge3A_39 : i32 to vector<16xi32>
        %ge3A_41 = arith.cmpi sge, %sub3A_38, %ge3A_40 : vector<16xi32>
        %lt3A_42 = arith.constant 6400 : i32
        %lt3A_43 = vector.broadcast %lt3A_42 : i32 to vector<16xi32>
        %lt3A_44 = arith.cmpi slt, %sub3A_38, %lt3A_43 : vector<16xi32>
        %and3A_45 = arith.andi %ge3A_41, %lt3A_44 : vector<16xi1>
        %gather3A_46 = tpu.vector_load_idx %arg8[%get3A_32] : memref<16384xf32, #tpu.memory_space<vmem>>[vector<16xi32>], vector<16xf32>,
        %jit3A_47 = arith.constant 0 : i32
        %broadcast_in_dim3A_48 = vector.broadcast %jit3A_47 : i32 to vector<16xi32>
        %select_n3A_49 = arith.select %and3A_45, %sub3A_38, %broadcast_in_dim3A_48 : vector<16xi1>, vector<16xi32>
        tpu.vector_store_idx %arg7[%select_n3A_49], %gather3A_46 masked %and3A_45 : memref<6400xf32, #tpu.memory_space<vmem>>[vector<16xi32>], vector<16xf32>, vector<16xi1>
        %scan3A_50 = arith.constant 2 : i32
        %scan3A_51 = arith.addi %scan3A_7, %scan3A_50 : i32
        %mul3A_52 = arith.constant 1 : i32
        %mul3A_53 = arith.muli %scan3A_51, %mul3A_52 : i32
        %add3A_54 = arith.constant 0 : i32
        %add3A_55 = arith.addi %add3A_54, %mul3A_53 : i32
        %mul3A_56 = arith.constant 16 : i32
        %mul3A_57 = arith.muli %add3A_55, %mul3A_56 : i32
        %get3A_58 = arith.index_cast %mul3A_57 : i32 to index
        %get3A_59 = tpu.vector_load %arg10[%get3A_58] {strides = array<i32>} : memref<16384xi32, #tpu.memory_space<vmem>>, vector<16xi32>,
        %mul3A_60 = arith.constant 16 : i32
        %mul3A_61 = arith.muli %add3A_55, %mul3A_60 : i32
        %get3A_62 = arith.index_cast %mul3A_61 : i32 to index
        %get3A_63 = tpu.vector_load %arg9[%get3A_62] {strides = array<i32>} : memref<16384xi32, #tpu.memory_space<vmem>>, vector<16xi32>,
        %sub3A_64 = vector.broadcast %mul3A_2 : i32 to vector<16xi32>
        %sub3A_65 = arith.subi %get3A_63, %sub3A_64 : vector<16xi32>
        %ge3A_66 = arith.constant 0 : i32
        %ge3A_67 = vector.broadcast %ge3A_66 : i32 to vector<16xi32>
        %ge3A_68 = arith.cmpi sge, %sub3A_65, %ge3A_67 : vector<16xi32>
        %lt3A_69 = arith.constant 6400 : i32
        %lt3A_70 = vector.broadcast %lt3A_69 : i32 to vector<16xi32>
        %lt3A_71 = arith.cmpi slt, %sub3A_65, %lt3A_70 : vector<16xi32>
        %and3A_72 = arith.andi %ge3A_68, %lt3A_71 : vector<16xi1>
        %gather3A_73 = tpu.vector_load_idx %arg8[%get3A_59] : memref<16384xf32, #tpu.memory_space<vmem>>[vector<16xi32>], vector<16xf32>,
        %jit3A_74 = arith.constant 0 : i32
        %broadcast_in_dim3A_75 = vector.broadcast %jit3A_74 : i32 to vector<16xi32>
        %select_n3A_76 = arith.select %and3A_72, %sub3A_65, %broadcast_in_dim3A_75 : vector<16xi1>, vector<16xi32>
        tpu.vector_store_idx %arg7[%select_n3A_76], %gather3A_73 masked %and3A_72 : memref<6400xf32, #tpu.memory_space<vmem>>[vector<16xi32>], vector<16xf32>, vector<16xi1>
        %scan3A_77 = arith.constant 3 : i32
        %scan3A_78 = arith.addi %scan3A_7, %scan3A_77 : i32
        %mul3A_79 = arith.constant 1 : i32
        %mul3A_80 = arith.muli %scan3A_78, %mul3A_79 : i32
        %add3A_81 = arith.constant 0 : i32
        %add3A_82 = arith.addi %add3A_81, %mul3A_80 : i32
        %mul3A_83 = arith.constant 16 : i32
        %mul3A_84 = arith.muli %add3A_82, %mul3A_83 : i32
        %get3A_85 = arith.index_cast %mul3A_84 : i32 to index
        %get3A_86 = tpu.vector_load %arg10[%get3A_85] {strides = array<i32>} : memref<16384xi32, #tpu.memory_space<vmem>>, vector<16xi32>,
        %mul3A_87 = arith.constant 16 : i32
        %mul3A_88 = arith.muli %add3A_82, %mul3A_87 : i32
        %get3A_89 = arith.index_cast %mul3A_88 : i32 to index
        %get3A_90 = tpu.vector_load %arg9[%get3A_89] {strides = array<i32>} : memref<16384xi32, #tpu.memory_space<vmem>>, vector<16xi32>,
        %sub3A_91 = vector.broadcast %mul3A_2 : i32 to vector<16xi32>
        %sub3A_92 = arith.subi %get3A_90, %sub3A_91 : vector<16xi32>
        %ge3A_93 = arith.constant 0 : i32
        %ge3A_94 = vector.broadcast %ge3A_93 : i32 to vector<16xi32>
        %ge3A_95 = arith.cmpi sge, %sub3A_92, %ge3A_94 : vector<16xi32>
        %lt3A_96 = arith.constant 6400 : i32
        %lt3A_97 = vector.broadcast %lt3A_96 : i32 to vector<16xi32>
        %lt3A_98 = arith.cmpi slt, %sub3A_92, %lt3A_97 : vector<16xi32>
        %and3A_99 = arith.andi %ge3A_95, %lt3A_98 : vector<16xi1>
        %gather3A_100 = tpu.vector_load_idx %arg8[%get3A_86] : memref<16384xf32, #tpu.memory_space<vmem>>[vector<16xi32>], vector<16xf32>,
        %jit3A_101 = arith.constant 0 : i32
        %broadcast_in_dim3A_102 = vector.broadcast %jit3A_101 : i32 to vector<16xi32>
        %select_n3A_103 = arith.select %and3A_99, %sub3A_92, %broadcast_in_dim3A_102 : vector<16xi1>, vector<16xi32>
        tpu.vector_store_idx %arg7[%select_n3A_103], %gather3A_100 masked %and3A_99 : memref<6400xf32, #tpu.memory_space<vmem>>[vector<16xi32>], vector<16xf32>, vector<16xi1>
        %scan3A_104 = arith.constant 4 : i32
        %scan3A_105 = arith.addi %scan3A_7, %scan3A_104 : i32
        %mul3A_106 = arith.constant 1 : i32
        %mul3A_107 = arith.muli %scan3A_105, %mul3A_106 : i32
        %add3A_108 = arith.constant 0 : i32
        %add3A_109 = arith.addi %add3A_108, %mul3A_107 : i32
        %mul3A_110 = arith.constant 16 : i32
        %mul3A_111 = arith.muli %add3A_109, %mul3A_110 : i32
        %get3A_112 = arith.index_cast %mul3A_111 : i32 to index
        %get3A_113 = tpu.vector_load %arg10[%get3A_112] {strides = array<i32>} : memref<16384xi32, #tpu.memory_space<vmem>>, vector<16xi32>,
        %mul3A_114 = arith.constant 16 : i32
        %mul3A_115 = arith.muli %add3A_109, %mul3A_114 : i32
        %get3A_116 = arith.index_cast %mul3A_115 : i32 to index
        %get3A_117 = tpu.vector_load %arg9[%get3A_116] {strides = array<i32>} : memref<16384xi32, #tpu.memory_space<vmem>>, vector<16xi32>,
        %sub3A_118 = vector.broadcast %mul3A_2 : i32 to vector<16xi32>
        %sub3A_119 = arith.subi %get3A_117, %sub3A_118 : vector<16xi32>
        %ge3A_120 = arith.constant 0 : i32
        %ge3A_121 = vector.broadcast %ge3A_120 : i32 to vector<16xi32>
        %ge3A_122 = arith.cmpi sge, %sub3A_119, %ge3A_121 : vector<16xi32>
        %lt3A_123 = arith.constant 6400 : i32
        %lt3A_124 = vector.broadcast %lt3A_123 : i32 to vector<16xi32>
        %lt3A_125 = arith.cmpi slt, %sub3A_119, %lt3A_124 : vector<16xi32>
        %and3A_126 = arith.andi %ge3A_122, %lt3A_125 : vector<16xi1>
        %gather3A_127 = tpu.vector_load_idx %arg8[%get3A_113] : memref<16384xf32, #tpu.memory_space<vmem>>[vector<16xi32>], vector<16xf32>,
        %jit3A_128 = arith.constant 0 : i32
        %broadcast_in_dim3A_129 = vector.broadcast %jit3A_128 : i32 to vector<16xi32>
        %select_n3A_130 = arith.select %and3A_126, %sub3A_119, %broadcast_in_dim3A_129 : vector<16xi1>, vector<16xi32>
        tpu.vector_store_idx %arg7[%select_n3A_130], %gather3A_127 masked %and3A_126 : memref<6400xf32, #tpu.memory_space<vmem>>[vector<16xi32>], vector<16xf32>, vector<16xi1>
        %scan3A_131 = arith.constant 5 : i32
        %scan3A_132 = arith.addi %scan3A_7, %scan3A_131 : i32
        %mul3A_133 = arith.constant 1 : i32
        %mul3A_134 = arith.muli %scan3A_132, %mul3A_133 : i32
        %add3A_135 = arith.constant 0 : i32
        %add3A_136 = arith.addi %add3A_135, %mul3A_134 : i32
        %mul3A_137 = arith.constant 16 : i32
        %mul3A_138 = arith.muli %add3A_136, %mul3A_137 : i32
        %get3A_139 = arith.index_cast %mul3A_138 : i32 to index
        %get3A_140 = tpu.vector_load %arg10[%get3A_139] {strides = array<i32>} : memref<16384xi32, #tpu.memory_space<vmem>>, vector<16xi32>,
        %mul3A_141 = arith.constant 16 : i32
        %mul3A_142 = arith.muli %add3A_136, %mul3A_141 : i32
        %get3A_143 = arith.index_cast %mul3A_142 : i32 to index
        %get3A_144 = tpu.vector_load %arg9[%get3A_143] {strides = array<i32>} : memref<16384xi32, #tpu.memory_space<vmem>>, vector<16xi32>,
        %sub3A_145 = vector.broadcast %mul3A_2 : i32 to vector<16xi32>
        %sub3A_146 = arith.subi %get3A_144, %sub3A_145 : vector<16xi32>
        %ge3A_147 = arith.constant 0 : i32
        %ge3A_148 = vector.broadcast %ge3A_147 : i32 to vector<16xi32>
        %ge3A_149 = arith.cmpi sge, %sub3A_146, %ge3A_148 : vector<16xi32>
        %lt3A_150 = arith.constant 6400 : i32
        %lt3A_151 = vector.broadcast %lt3A_150 : i32 to vector<16xi32>
        %lt3A_152 = arith.cmpi slt, %sub3A_146, %lt3A_151 : vector<16xi32>
        %and3A_153 = arith.andi %ge3A_149, %lt3A_152 : vector<16xi1>
        %gather3A_154 = tpu.vector_load_idx %arg8[%get3A_140] : memref<16384xf32, #tpu.memory_space<vmem>>[vector<16xi32>], vector<16xf32>,
        %jit3A_155 = arith.constant 0 : i32
        %broadcast_in_dim3A_156 = vector.broadcast %jit3A_155 : i32 to vector<16xi32>
        %select_n3A_157 = arith.select %and3A_153, %sub3A_146, %broadcast_in_dim3A_156 : vector<16xi1>, vector<16xi32>
        tpu.vector_store_idx %arg7[%select_n3A_157], %gather3A_154 masked %and3A_153 : memref<6400xf32, #tpu.memory_space<vmem>>[vector<16xi32>], vector<16xf32>, vector<16xi1>
        %scan3A_158 = arith.constant 6 : i32
        %scan3A_159 = arith.addi %scan3A_7, %scan3A_158 : i32
        %mul3A_160 = arith.constant 1 : i32
        %mul3A_161 = arith.muli %scan3A_159, %mul3A_160 : i32
        %add3A_162 = arith.constant 0 : i32
        %add3A_163 = arith.addi %add3A_162, %mul3A_161 : i32
        %mul3A_164 = arith.constant 16 : i32
        %mul3A_165 = arith.muli %add3A_163, %mul3A_164 : i32
        %get3A_166 = arith.index_cast %mul3A_165 : i32 to index
        %get3A_167 = tpu.vector_load %arg10[%get3A_166] {strides = array<i32>} : memref<16384xi32, #tpu.memory_space<vmem>>, vector<16xi32>,
        %mul3A_168 = arith.constant 16 : i32
        %mul3A_169 = arith.muli %add3A_163, %mul3A_168 : i32
        %get3A_170 = arith.index_cast %mul3A_169 : i32 to index
        %get3A_171 = tpu.vector_load %arg9[%get3A_170] {strides = array<i32>} : memref<16384xi32, #tpu.memory_space<vmem>>, vector<16xi32>,
        %sub3A_172 = vector.broadcast %mul3A_2 : i32 to vector<16xi32>
        %sub3A_173 = arith.subi %get3A_171, %sub3A_172 : vector<16xi32>
        %ge3A_174 = arith.constant 0 : i32
        %ge3A_175 = vector.broadcast %ge3A_174 : i32 to vector<16xi32>
        %ge3A_176 = arith.cmpi sge, %sub3A_173, %ge3A_175 : vector<16xi32>
        %lt3A_177 = arith.constant 6400 : i32
        %lt3A_178 = vector.broadcast %lt3A_177 : i32 to vector<16xi32>
        %lt3A_179 = arith.cmpi slt, %sub3A_173, %lt3A_178 : vector<16xi32>
        %and3A_180 = arith.andi %ge3A_176, %lt3A_179 : vector<16xi1>
        %gather3A_181 = tpu.vector_load_idx %arg8[%get3A_167] : memref<16384xf32, #tpu.memory_space<vmem>>[vector<16xi32>], vector<16xf32>,
        %jit3A_182 = arith.constant 0 : i32
        %broadcast_in_dim3A_183 = vector.broadcast %jit3A_182 : i32 to vector<16xi32>
        %select_n3A_184 = arith.select %and3A_180, %sub3A_173, %broadcast_in_dim3A_183 : vector<16xi1>, vector<16xi32>
        tpu.vector_store_idx %arg7[%select_n3A_184], %gather3A_181 masked %and3A_180 : memref<6400xf32, #tpu.memory_space<vmem>>[vector<16xi32>], vector<16xf32>, vector<16xi1>
        %scan3A_185 = arith.constant 7 : i32
        %scan3A_186 = arith.addi %scan3A_7, %scan3A_185 : i32
        %mul3A_187 = arith.constant 1 : i32
        %mul3A_188 = arith.muli %scan3A_186, %mul3A_187 : i32
        %add3A_189 = arith.constant 0 : i32
        %add3A_190 = arith.addi %add3A_189, %mul3A_188 : i32
        %mul3A_191 = arith.constant 16 : i32
        %mul3A_192 = arith.muli %add3A_190, %mul3A_191 : i32
        %get3A_193 = arith.index_cast %mul3A_192 : i32 to index
        %get3A_194 = tpu.vector_load %arg10[%get3A_193] {strides = array<i32>} : memref<16384xi32, #tpu.memory_space<vmem>>, vector<16xi32>,
        %mul3A_195 = arith.constant 16 : i32
        %mul3A_196 = arith.muli %add3A_190, %mul3A_195 : i32
        %get3A_197 = arith.index_cast %mul3A_196 : i32 to index
        %get3A_198 = tpu.vector_load %arg9[%get3A_197] {strides = array<i32>} : memref<16384xi32, #tpu.memory_space<vmem>>, vector<16xi32>,
        %sub3A_199 = vector.broadcast %mul3A_2 : i32 to vector<16xi32>
        %sub3A_200 = arith.subi %get3A_198, %sub3A_199 : vector<16xi32>
        %ge3A_201 = arith.constant 0 : i32
        %ge3A_202 = vector.broadcast %ge3A_201 : i32 to vector<16xi32>
        %ge3A_203 = arith.cmpi sge, %sub3A_200, %ge3A_202 : vector<16xi32>
        %lt3A_204 = arith.constant 6400 : i32
        %lt3A_205 = vector.broadcast %lt3A_204 : i32 to vector<16xi32>
        %lt3A_206 = arith.cmpi slt, %sub3A_200, %lt3A_205 : vector<16xi32>
        %and3A_207 = arith.andi %ge3A_203, %lt3A_206 : vector<16xi1>
        %gather3A_208 = tpu.vector_load_idx %arg8[%get3A_194] : memref<16384xf32, #tpu.memory_space<vmem>>[vector<16xi32>], vector<16xf32>,
        %jit3A_209 = arith.constant 0 : i32
        %broadcast_in_dim3A_210 = vector.broadcast %jit3A_209 : i32 to vector<16xi32>
        %select_n3A_211 = arith.select %and3A_207, %sub3A_200, %broadcast_in_dim3A_210 : vector<16xi1>, vector<16xi32>
        tpu.vector_store_idx %arg7[%select_n3A_211], %gather3A_208 masked %and3A_207 : memref<6400xf32, #tpu.memory_space<vmem>>[vector<16xi32>], vector<16xf32>, vector<16xi1>
      }
      %scan3A_6 = arith.constant 1024 : i32
      "tpu.region"() ({
        %run_scoped3A = tpu.sem_alloc : memref<!tpu.dma_semaphore, #tpu.memory_space<semaphore_mem>>
        %dma_start3A = tpu.memref_slice %arg6[%mul3A_2] : memref<102400xf32, #tpu.memory_space<hbm>> -> memref<6400xf32, #tpu.memory_space<hbm>>
        %dma_start3A_7 = tpu.memref_slice %arg6[%mul3A_2] : memref<102400xf32, #tpu.memory_space<hbm>> -> memref<6400xf32, #tpu.memory_space<hbm>>
        tpu.enqueue_dma source(%arg7 : memref<6400xf32, #tpu.memory_space<vmem>>) target(%dma_start3A_7 : memref<6400xf32, #tpu.memory_space<hbm>>) target_semaphore(%run_scoped3A : memref<!tpu.dma_semaphore, #tpu.memory_space<semaphore_mem>>)
        %dma_wait3A = tpu.memref_slice %arg6[%mul3A_2] : memref<102400xf32, #tpu.memory_space<hbm>> -> memref<6400xf32, #tpu.memory_space<hbm>>
        %dma_wait3A_8 = tpu.memref_slice %arg6[%mul3A_2] : memref<102400xf32, #tpu.memory_space<hbm>> -> memref<6400xf32, #tpu.memory_space<hbm>>
        tpu.wait_dma2 semaphore(%run_scoped3A : memref<!tpu.dma_semaphore, #tpu.memory_space<semaphore_mem>>) src(%arg7 : memref<6400xf32, #tpu.memory_space<vmem>>) dst(%dma_wait3A_8 : memref<6400xf32, #tpu.memory_space<hbm>>)
        tpu.yield
      }) : () -> ()
    } else {
    }
    return
  }
}

#map = affine_map<(d0, d1) -> (0)>
module attributes {stable_mosaic.version = 14 : i64} {
  func.func @_winner_body(%arg0: i32, %arg1: i32, %arg2: memref<16384xi32, #tpu.memory_space<hbm>>, %arg3: memref<16384xi32, #tpu.memory_space<hbm>>, %arg4: memref<100000xi32, #tpu.memory_space<vmem>>, %arg5: memref<16384xi32, #tpu.memory_space<vmem>>, %arg6: memref<16xi32, #tpu.memory_space<vmem>>) attributes {dimension_semantics = [#tpu.dimension_semantics<core_parallel>, #tpu.dimension_semantics<subcore_parallel>], iteration_bounds = array<i64: 2, 16>, scalar_prefetch = 0 : i64, scratch_operands = 3 : i64, tpu.core_type = #tpu.core_type<sc_vector_subcore>, window_params = [{transform_indices = #map}, {transform_indices = #map}]} {
    %eq3A = arith.constant 0 : i32
    %eq3A_0 = arith.cmpi eq, %arg0, %eq3A : i32
    %eq3A_1 = arith.constant 0 : i32
    %eq3A_2 = arith.cmpi eq, %arg1, %eq3A_1 : i32
    %and3A = arith.andi %eq3A_0, %eq3A_2 : i1
    %convert_element_type3A = arith.extui %and3A : i1 to i32
    %cond3A = arith.constant 0 : i32
    %cond3A_3 = arith.cmpi ne, %convert_element_type3A, %cond3A : i32
    scf.if %cond3A_3 {
      "tpu.region"() ({
        %run_scoped3A = tpu.sem_alloc : memref<!tpu.dma_semaphore, #tpu.memory_space<semaphore_mem>>
        tpu.enqueue_dma source(%arg2 : memref<16384xi32, #tpu.memory_space<hbm>>) target(%arg5 : memref<16384xi32, #tpu.memory_space<vmem>>) target_semaphore(%run_scoped3A : memref<!tpu.dma_semaphore, #tpu.memory_space<semaphore_mem>>)
        tpu.wait_dma2 semaphore(%run_scoped3A : memref<!tpu.dma_semaphore, #tpu.memory_space<semaphore_mem>>) src(%arg2 : memref<16384xi32, #tpu.memory_space<hbm>>) dst(%arg5 : memref<16384xi32, #tpu.memory_space<vmem>>)
        tpu.yield
      }) : () -> ()
      %iota3A = tpu.iota {dimensions = array<i32: 0>} : vector<16xi32>
      %add3A = arith.constant 1 : i32
      %add3A_4 = vector.broadcast %add3A : i32 to vector<16xi32>
      %add3A_5 = arith.addi %iota3A, %add3A_4 : vector<16xi32>
      %min3A = arith.constant 15 : i32
      %min3A_6 = vector.broadcast %min3A : i32 to vector<16xi32>
      %min3A_7 = arith.minsi %add3A_5, %min3A_6 : vector<16xi32>
      %add3A_8 = arith.constant 2 : i32
      %add3A_9 = vector.broadcast %add3A_8 : i32 to vector<16xi32>
      %add3A_10 = arith.addi %iota3A, %add3A_9 : vector<16xi32>
      %min3A_11 = arith.constant 15 : i32
      %min3A_12 = vector.broadcast %min3A_11 : i32 to vector<16xi32>
      %min3A_13 = arith.minsi %add3A_10, %min3A_12 : vector<16xi32>
      %add3A_14 = arith.constant 3 : i32
      %add3A_15 = vector.broadcast %add3A_14 : i32 to vector<16xi32>
      %add3A_16 = arith.addi %iota3A, %add3A_15 : vector<16xi32>
      %min3A_17 = arith.constant 15 : i32
      %min3A_18 = vector.broadcast %min3A_17 : i32 to vector<16xi32>
      %min3A_19 = arith.minsi %add3A_16, %min3A_18 : vector<16xi32>
      %add3A_20 = arith.constant 4 : i32
      %add3A_21 = vector.broadcast %add3A_20 : i32 to vector<16xi32>
      %add3A_22 = arith.addi %iota3A, %add3A_21 : vector<16xi32>
      %min3A_23 = arith.constant 15 : i32
      %min3A_24 = vector.broadcast %min3A_23 : i32 to vector<16xi32>
      %min3A_25 = arith.minsi %add3A_22, %min3A_24 : vector<16xi32>
      %add3A_26 = arith.constant 5 : i32
      %add3A_27 = vector.broadcast %add3A_26 : i32 to vector<16xi32>
      %add3A_28 = arith.addi %iota3A, %add3A_27 : vector<16xi32>
      %min3A_29 = arith.constant 15 : i32
      %min3A_30 = vector.broadcast %min3A_29 : i32 to vector<16xi32>
      %min3A_31 = arith.minsi %add3A_28, %min3A_30 : vector<16xi32>
      %add3A_32 = arith.constant 6 : i32
      %add3A_33 = vector.broadcast %add3A_32 : i32 to vector<16xi32>
      %add3A_34 = arith.addi %iota3A, %add3A_33 : vector<16xi32>
      %min3A_35 = arith.constant 15 : i32
      %min3A_36 = vector.broadcast %min3A_35 : i32 to vector<16xi32>
      %min3A_37 = arith.minsi %add3A_34, %min3A_36 : vector<16xi32>
      %add3A_38 = arith.constant 7 : i32
      %add3A_39 = vector.broadcast %add3A_38 : i32 to vector<16xi32>
      %add3A_40 = arith.addi %iota3A, %add3A_39 : vector<16xi32>
      %min3A_41 = arith.constant 15 : i32
      %min3A_42 = vector.broadcast %min3A_41 : i32 to vector<16xi32>
      %min3A_43 = arith.minsi %add3A_40, %min3A_42 : vector<16xi32>
      %add3A_44 = arith.constant 8 : i32
      %add3A_45 = vector.broadcast %add3A_44 : i32 to vector<16xi32>
      %add3A_46 = arith.addi %iota3A, %add3A_45 : vector<16xi32>
      %min3A_47 = arith.constant 15 : i32
      %min3A_48 = vector.broadcast %min3A_47 : i32 to vector<16xi32>
      %min3A_49 = arith.minsi %add3A_46, %min3A_48 : vector<16xi32>
      %add3A_50 = arith.constant 9 : i32
      %add3A_51 = vector.broadcast %add3A_50 : i32 to vector<16xi32>
      %add3A_52 = arith.addi %iota3A, %add3A_51 : vector<16xi32>
      %min3A_53 = arith.constant 15 : i32
      %min3A_54 = vector.broadcast %min3A_53 : i32 to vector<16xi32>
      %min3A_55 = arith.minsi %add3A_52, %min3A_54 : vector<16xi32>
      %add3A_56 = arith.constant 10 : i32
      %add3A_57 = vector.broadcast %add3A_56 : i32 to vector<16xi32>
      %add3A_58 = arith.addi %iota3A, %add3A_57 : vector<16xi32>
      %min3A_59 = arith.constant 15 : i32
      %min3A_60 = vector.broadcast %min3A_59 : i32 to vector<16xi32>
      %min3A_61 = arith.minsi %add3A_58, %min3A_60 : vector<16xi32>
      %add3A_62 = arith.constant 11 : i32
      %add3A_63 = vector.broadcast %add3A_62 : i32 to vector<16xi32>
      %add3A_64 = arith.addi %iota3A, %add3A_63 : vector<16xi32>
      %min3A_65 = arith.constant 15 : i32
      %min3A_66 = vector.broadcast %min3A_65 : i32 to vector<16xi32>
      %min3A_67 = arith.minsi %add3A_64, %min3A_66 : vector<16xi32>
      %add3A_68 = arith.constant 12 : i32
      %add3A_69 = vector.broadcast %add3A_68 : i32 to vector<16xi32>
      %add3A_70 = arith.addi %iota3A, %add3A_69 : vector<16xi32>
      %min3A_71 = arith.constant 15 : i32
      %min3A_72 = vector.broadcast %min3A_71 : i32 to vector<16xi32>
      %min3A_73 = arith.minsi %add3A_70, %min3A_72 : vector<16xi32>
      %add3A_74 = arith.constant 13 : i32
      %add3A_75 = vector.broadcast %add3A_74 : i32 to vector<16xi32>
      %add3A_76 = arith.addi %iota3A, %add3A_75 : vector<16xi32>
      %min3A_77 = arith.constant 15 : i32
      %min3A_78 = vector.broadcast %min3A_77 : i32 to vector<16xi32>
      %min3A_79 = arith.minsi %add3A_76, %min3A_78 : vector<16xi32>
      %add3A_80 = arith.constant 14 : i32
      %add3A_81 = vector.broadcast %add3A_80 : i32 to vector<16xi32>
      %add3A_82 = arith.addi %iota3A, %add3A_81 : vector<16xi32>
      %min3A_83 = arith.constant 15 : i32
      %min3A_84 = vector.broadcast %min3A_83 : i32 to vector<16xi32>
      %min3A_85 = arith.minsi %add3A_82, %min3A_84 : vector<16xi32>
      %add3A_86 = arith.constant 15 : i32
      %add3A_87 = vector.broadcast %add3A_86 : i32 to vector<16xi32>
      %add3A_88 = arith.addi %iota3A, %add3A_87 : vector<16xi32>
      %min3A_89 = arith.constant 15 : i32
      %min3A_90 = vector.broadcast %min3A_89 : i32 to vector<16xi32>
      %min3A_91 = arith.minsi %add3A_88, %min3A_90 : vector<16xi32>
      %scan3A = arith.constant 0 : i32
      %scan3A_92 = arith.constant 1024 : i32
      %scan3A_93 = arith.addi %scan3A, %scan3A_92 : i32
      %scan3A_94 = arith.constant 8 : i32
      scf.for %scan3A_101 = %scan3A to %scan3A_93 step %scan3A_94  : i32 {
        %mul3A = arith.constant 1 : i32
        %mul3A_102 = arith.muli %scan3A_101, %mul3A : i32
        %add3A_103 = arith.constant 0 : i32
        %add3A_104 = arith.addi %add3A_103, %mul3A_102 : i32
        %mul3A_105 = arith.constant 16 : i32
        %mul3A_106 = arith.muli %add3A_104, %mul3A_105 : i32
        %get3A = arith.index_cast %mul3A_106 : i32 to index
        %get3A_107 = tpu.vector_load %arg5[%get3A] {strides = array<i32>} : memref<16384xi32, #tpu.memory_space<vmem>>, vector<16xi32>,
        %lt3A = arith.constant 0 : i32
        %lt3A_108 = vector.broadcast %lt3A : i32 to vector<16xi32>
        %lt3A_109 = arith.cmpi slt, %iota3A, %lt3A_108 : vector<16xi32>
        %mul3A_110 = arith.constant 16 : i32
        %mul3A_111 = arith.muli %add3A_104, %mul3A_110 : i32
        %gather3A = tpu.memref_slice %arg5[%mul3A_111] : memref<16384xi32, #tpu.memory_space<vmem>> -> memref<16xi32, #tpu.memory_space<vmem>>
        %gather3A_112 = tpu.vector_load_idx %gather3A[%min3A_7] : memref<16xi32, #tpu.memory_space<vmem>>[vector<16xi32>], vector<16xi32>,
        %eq3A_113 = arith.cmpi eq, %get3A_107, %gather3A_112 : vector<16xi32>
        %or3A = arith.ori %lt3A_109, %eq3A_113 : vector<16xi1>
        %mul3A_114 = arith.constant 16 : i32
        %mul3A_115 = arith.muli %add3A_104, %mul3A_114 : i32
        %gather3A_116 = tpu.memref_slice %arg5[%mul3A_115] : memref<16384xi32, #tpu.memory_space<vmem>> -> memref<16xi32, #tpu.memory_space<vmem>>
        %gather3A_117 = tpu.vector_load_idx %gather3A_116[%min3A_13] : memref<16xi32, #tpu.memory_space<vmem>>[vector<16xi32>], vector<16xi32>,
        %eq3A_118 = arith.cmpi eq, %get3A_107, %gather3A_117 : vector<16xi32>
        %or3A_119 = arith.ori %or3A, %eq3A_118 : vector<16xi1>
        %mul3A_120 = arith.constant 16 : i32
        %mul3A_121 = arith.muli %add3A_104, %mul3A_120 : i32
        %gather3A_122 = tpu.memref_slice %arg5[%mul3A_121] : memref<16384xi32, #tpu.memory_space<vmem>> -> memref<16xi32, #tpu.memory_space<vmem>>
        %gather3A_123 = tpu.vector_load_idx %gather3A_122[%min3A_19] : memref<16xi32, #tpu.memory_space<vmem>>[vector<16xi32>], vector<16xi32>,
        %eq3A_124 = arith.cmpi eq, %get3A_107, %gather3A_123 : vector<16xi32>
        %or3A_125 = arith.ori %or3A_119, %eq3A_124 : vector<16xi1>
        %mul3A_126 = arith.constant 16 : i32
        %mul3A_127 = arith.muli %add3A_104, %mul3A_126 : i32
        %gather3A_128 = tpu.memref_slice %arg5[%mul3A_127] : memref<16384xi32, #tpu.memory_space<vmem>> -> memref<16xi32, #tpu.memory_space<vmem>>
        %gather3A_129 = tpu.vector_load_idx %gather3A_128[%min3A_25] : memref<16xi32, #tpu.memory_space<vmem>>[vector<16xi32>], vector<16xi32>,
        %eq3A_130 = arith.cmpi eq, %get3A_107, %gather3A_129 : vector<16xi32>
        %or3A_131 = arith.ori %or3A_125, %eq3A_130 : vector<16xi1>
        %mul3A_132 = arith.constant 16 : i32
        %mul3A_133 = arith.muli %add3A_104, %mul3A_132 : i32
        %gather3A_134 = tpu.memref_slice %arg5[%mul3A_133] : memref<16384xi32, #tpu.memory_space<vmem>> -> memref<16xi32, #tpu.memory_space<vmem>>
        %gather3A_135 = tpu.vector_load_idx %gather3A_134[%min3A_31] : memref<16xi32, #tpu.memory_space<vmem>>[vector<16xi32>], vector<16xi32>,
        %eq3A_136 = arith.cmpi eq, %get3A_107, %gather3A_135 : vector<16xi32>
        %or3A_137 = arith.ori %or3A_131, %eq3A_136 : vector<16xi1>
        %mul3A_138 = arith.constant 16 : i32
        %mul3A_139 = arith.muli %add3A_104, %mul3A_138 : i32
        %gather3A_140 = tpu.memref_slice %arg5[%mul3A_139] : memref<16384xi32, #tpu.memory_space<vmem>> -> memref<16xi32, #tpu.memory_space<vmem>>
        %gather3A_141 = tpu.vector_load_idx %gather3A_140[%min3A_37] : memref<16xi32, #tpu.memory_space<vmem>>[vector<16xi32>], vector<16xi32>,
        %eq3A_142 = arith.cmpi eq, %get3A_107, %gather3A_141 : vector<16xi32>
        %or3A_143 = arith.ori %or3A_137, %eq3A_142 : vector<16xi1>
        %mul3A_144 = arith.constant 16 : i32
        %mul3A_145 = arith.muli %add3A_104, %mul3A_144 : i32
        %gather3A_146 = tpu.memref_slice %arg5[%mul3A_145] : memref<16384xi32, #tpu.memory_space<vmem>> -> memref<16xi32, #tpu.memory_space<vmem>>
        %gather3A_147 = tpu.vector_load_idx %gather3A_146[%min3A_43] : memref<16xi32, #tpu.memory_space<vmem>>[vector<16xi32>], vector<16xi32>,
        %eq3A_148 = arith.cmpi eq, %get3A_107, %gather3A_147 : vector<16xi32>
        %or3A_149 = arith.ori %or3A_143, %eq3A_148 : vector<16xi1>
        %mul3A_150 = arith.constant 16 : i32
        %mul3A_151 = arith.muli %add3A_104, %mul3A_150 : i32
        %gather3A_152 = tpu.memref_slice %arg5[%mul3A_151] : memref<16384xi32, #tpu.memory_space<vmem>> -> memref<16xi32, #tpu.memory_space<vmem>>
        %gather3A_153 = tpu.vector_load_idx %gather3A_152[%min3A_49] : memref<16xi32, #tpu.memory_space<vmem>>[vector<16xi32>], vector<16xi32>,
        %eq3A_154 = arith.cmpi eq, %get3A_107, %gather3A_153 : vector<16xi32>
        %or3A_155 = arith.ori %or3A_149, %eq3A_154 : vector<16xi1>
        %mul3A_156 = arith.constant 16 : i32
        %mul3A_157 = arith.muli %add3A_104, %mul3A_156 : i32
        %gather3A_158 = tpu.memref_slice %arg5[%mul3A_157] : memref<16384xi32, #tpu.memory_space<vmem>> -> memref<16xi32, #tpu.memory_space<vmem>>
        %gather3A_159 = tpu.vector_load_idx %gather3A_158[%min3A_55] : memref<16xi32, #tpu.memory_space<vmem>>[vector<16xi32>], vector<16xi32>,
        %eq3A_160 = arith.cmpi eq, %get3A_107, %gather3A_159 : vector<16xi32>
        %or3A_161 = arith.ori %or3A_155, %eq3A_160 : vector<16xi1>
        %mul3A_162 = arith.constant 16 : i32
        %mul3A_163 = arith.muli %add3A_104, %mul3A_162 : i32
        %gather3A_164 = tpu.memref_slice %arg5[%mul3A_163] : memref<16384xi32, #tpu.memory_space<vmem>> -> memref<16xi32, #tpu.memory_space<vmem>>
        %gather3A_165 = tpu.vector_load_idx %gather3A_164[%min3A_61] : memref<16xi32, #tpu.memory_space<vmem>>[vector<16xi32>], vector<16xi32>,
        %eq3A_166 = arith.cmpi eq, %get3A_107, %gather3A_165 : vector<16xi32>
        %or3A_167 = arith.ori %or3A_161, %eq3A_166 : vector<16xi1>
        %mul3A_168 = arith.constant 16 : i32
        %mul3A_169 = arith.muli %add3A_104, %mul3A_168 : i32
        %gather3A_170 = tpu.memref_slice %arg5[%mul3A_169] : memref<16384xi32, #tpu.memory_space<vmem>> -> memref<16xi32, #tpu.memory_space<vmem>>
        %gather3A_171 = tpu.vector_load_idx %gather3A_170[%min3A_67] : memref<16xi32, #tpu.memory_space<vmem>>[vector<16xi32>], vector<16xi32>,
        %eq3A_172 = arith.cmpi eq, %get3A_107, %gather3A_171 : vector<16xi32>
        %or3A_173 = arith.ori %or3A_167, %eq3A_172 : vector<16xi1>
        %mul3A_174 = arith.constant 16 : i32
        %mul3A_175 = arith.muli %add3A_104, %mul3A_174 : i32
        %gather3A_176 = tpu.memref_slice %arg5[%mul3A_175] : memref<16384xi32, #tpu.memory_space<vmem>> -> memref<16xi32, #tpu.memory_space<vmem>>
        %gather3A_177 = tpu.vector_load_idx %gather3A_176[%min3A_73] : memref<16xi32, #tpu.memory_space<vmem>>[vector<16xi32>], vector<16xi32>,
        %eq3A_178 = arith.cmpi eq, %get3A_107, %gather3A_177 : vector<16xi32>
        %or3A_179 = arith.ori %or3A_173, %eq3A_178 : vector<16xi1>
        %mul3A_180 = arith.constant 16 : i32
        %mul3A_181 = arith.muli %add3A_104, %mul3A_180 : i32
        %gather3A_182 = tpu.memref_slice %arg5[%mul3A_181] : memref<16384xi32, #tpu.memory_space<vmem>> -> memref<16xi32, #tpu.memory_space<vmem>>
        %gather3A_183 = tpu.vector_load_idx %gather3A_182[%min3A_79] : memref<16xi32, #tpu.memory_space<vmem>>[vector<16xi32>], vector<16xi32>,
        %eq3A_184 = arith.cmpi eq, %get3A_107, %gather3A_183 : vector<16xi32>
        %or3A_185 = arith.ori %or3A_179, %eq3A_184 : vector<16xi1>
        %mul3A_186 = arith.constant 16 : i32
        %mul3A_187 = arith.muli %add3A_104, %mul3A_186 : i32
        %gather3A_188 = tpu.memref_slice %arg5[%mul3A_187] : memref<16384xi32, #tpu.memory_space<vmem>> -> memref<16xi32, #tpu.memory_space<vmem>>
        %gather3A_189 = tpu.vector_load_idx %gather3A_188[%min3A_85] : memref<16xi32, #tpu.memory_space<vmem>>[vector<16xi32>], vector<16xi32>,
        %eq3A_190 = arith.cmpi eq, %get3A_107, %gather3A_189 : vector<16xi32>
        %or3A_191 = arith.ori %or3A_185, %eq3A_190 : vector<16xi1>
        %mul3A_192 = arith.constant 16 : i32
        %mul3A_193 = arith.muli %add3A_104, %mul3A_192 : i32
        %gather3A_194 = tpu.memref_slice %arg5[%mul3A_193] : memref<16384xi32, #tpu.memory_space<vmem>> -> memref<16xi32, #tpu.memory_space<vmem>>
        %gather3A_195 = tpu.vector_load_idx %gather3A_194[%min3A_91] : memref<16xi32, #tpu.memory_space<vmem>>[vector<16xi32>], vector<16xi32>,
        %eq3A_196 = arith.cmpi eq, %get3A_107, %gather3A_195 : vector<16xi32>
        %or3A_197 = arith.ori %or3A_191, %eq3A_196 : vector<16xi1>
        %not3A = arith.constant dense<true> : vector<16xi1>
        %not3A_198 = arith.xori %or3A_197, %not3A : vector<16xi1>
        %eq3A_199 = arith.constant 15 : i32
        %eq3A_200 = vector.broadcast %eq3A_199 : i32 to vector<16xi32>
        %eq3A_201 = arith.cmpi eq, %iota3A, %eq3A_200 : vector<16xi32>
        %or3A_202 = arith.ori %not3A_198, %eq3A_201 : vector<16xi1>
        %mul3A_203 = arith.constant 16 : i32
        %mul3A_204 = arith.muli %add3A_104, %mul3A_203 : i32
        %add3A_205 = vector.broadcast %mul3A_204 : i32 to vector<16xi32>
        %add3A_206 = arith.addi %iota3A, %add3A_205 : vector<16xi32>
        tpu.vector_store_idx %arg4[%get3A_107], %add3A_206 masked %or3A_202 : memref<100000xi32, #tpu.memory_space<vmem>>[vector<16xi32>], vector<16xi32>, vector<16xi1>
        %scan3A_207 = arith.constant 1 : i32
        %scan3A_208 = arith.addi %scan3A_101, %scan3A_207 : i32
        %mul3A_209 = arith.constant 1 : i32
        %mul3A_210 = arith.muli %scan3A_208, %mul3A_209 : i32
        %add3A_211 = arith.constant 0 : i32
        %add3A_212 = arith.addi %add3A_211, %mul3A_210 : i32
        %mul3A_213 = arith.constant 16 : i32
        %mul3A_214 = arith.muli %add3A_212, %mul3A_213 : i32
        %get3A_215 = arith.index_cast %mul3A_214 : i32 to index
        %get3A_216 = tpu.vector_load %arg5[%get3A_215] {strides = array<i32>} : memref<16384xi32, #tpu.memory_space<vmem>>, vector<16xi32>,
        %lt3A_217 = arith.constant 0 : i32
        %lt3A_218 = vector.broadcast %lt3A_217 : i32 to vector<16xi32>
        %lt3A_219 = arith.cmpi slt, %iota3A, %lt3A_218 : vector<16xi32>
        %mul3A_220 = arith.constant 16 : i32
        %mul3A_221 = arith.muli %add3A_212, %mul3A_220 : i32
        %gather3A_222 = tpu.memref_slice %arg5[%mul3A_221] : memref<16384xi32, #tpu.memory_space<vmem>> -> memref<16xi32, #tpu.memory_space<vmem>>
        %gather3A_223 = tpu.vector_load_idx %gather3A_222[%min3A_7] : memref<16xi32, #tpu.memory_space<vmem>>[vector<16xi32>], vector<16xi32>,
        %eq3A_224 = arith.cmpi eq, %get3A_216, %gather3A_223 : vector<16xi32>
        %or3A_225 = arith.ori %lt3A_219, %eq3A_224 : vector<16xi1>
        %mul3A_226 = arith.constant 16 : i32
        %mul3A_227 = arith.muli %add3A_212, %mul3A_226 : i32
        %gather3A_228 = tpu.memref_slice %arg5[%mul3A_227] : memref<16384xi32, #tpu.memory_space<vmem>> -> memref<16xi32, #tpu.memory_space<vmem>>
        %gather3A_229 = tpu.vector_load_idx %gather3A_228[%min3A_13] : memref<16xi32, #tpu.memory_space<vmem>>[vector<16xi32>], vector<16xi32>,
        %eq3A_230 = arith.cmpi eq, %get3A_216, %gather3A_229 : vector<16xi32>
        %or3A_231 = arith.ori %or3A_225, %eq3A_230 : vector<16xi1>
        %mul3A_232 = arith.constant 16 : i32
        %mul3A_233 = arith.muli %add3A_212, %mul3A_232 : i32
        %gather3A_234 = tpu.memref_slice %arg5[%mul3A_233] : memref<16384xi32, #tpu.memory_space<vmem>> -> memref<16xi32, #tpu.memory_space<vmem>>
        %gather3A_235 = tpu.vector_load_idx %gather3A_234[%min3A_19] : memref<16xi32, #tpu.memory_space<vmem>>[vector<16xi32>], vector<16xi32>,
        %eq3A_236 = arith.cmpi eq, %get3A_216, %gather3A_235 : vector<16xi32>
        %or3A_237 = arith.ori %or3A_231, %eq3A_236 : vector<16xi1>
        %mul3A_238 = arith.constant 16 : i32
        %mul3A_239 = arith.muli %add3A_212, %mul3A_238 : i32
        %gather3A_240 = tpu.memref_slice %arg5[%mul3A_239] : memref<16384xi32, #tpu.memory_space<vmem>> -> memref<16xi32, #tpu.memory_space<vmem>>
        %gather3A_241 = tpu.vector_load_idx %gather3A_240[%min3A_25] : memref<16xi32, #tpu.memory_space<vmem>>[vector<16xi32>], vector<16xi32>,
        %eq3A_242 = arith.cmpi eq, %get3A_216, %gather3A_241 : vector<16xi32>
        %or3A_243 = arith.ori %or3A_237, %eq3A_242 : vector<16xi1>
        %mul3A_244 = arith.constant 16 : i32
        %mul3A_245 = arith.muli %add3A_212, %mul3A_244 : i32
        %gather3A_246 = tpu.memref_slice %arg5[%mul3A_245] : memref<16384xi32, #tpu.memory_space<vmem>> -> memref<16xi32, #tpu.memory_space<vmem>>
        %gather3A_247 = tpu.vector_load_idx %gather3A_246[%min3A_31] : memref<16xi32, #tpu.memory_space<vmem>>[vector<16xi32>], vector<16xi32>,
        %eq3A_248 = arith.cmpi eq, %get3A_216, %gather3A_247 : vector<16xi32>
        %or3A_249 = arith.ori %or3A_243, %eq3A_248 : vector<16xi1>
        %mul3A_250 = arith.constant 16 : i32
        %mul3A_251 = arith.muli %add3A_212, %mul3A_250 : i32
        %gather3A_252 = tpu.memref_slice %arg5[%mul3A_251] : memref<16384xi32, #tpu.memory_space<vmem>> -> memref<16xi32, #tpu.memory_space<vmem>>
        %gather3A_253 = tpu.vector_load_idx %gather3A_252[%min3A_37] : memref<16xi32, #tpu.memory_space<vmem>>[vector<16xi32>], vector<16xi32>,
        %eq3A_254 = arith.cmpi eq, %get3A_216, %gather3A_253 : vector<16xi32>
        %or3A_255 = arith.ori %or3A_249, %eq3A_254 : vector<16xi1>
        %mul3A_256 = arith.constant 16 : i32
        %mul3A_257 = arith.muli %add3A_212, %mul3A_256 : i32
        %gather3A_258 = tpu.memref_slice %arg5[%mul3A_257] : memref<16384xi32, #tpu.memory_space<vmem>> -> memref<16xi32, #tpu.memory_space<vmem>>
        %gather3A_259 = tpu.vector_load_idx %gather3A_258[%min3A_43] : memref<16xi32, #tpu.memory_space<vmem>>[vector<16xi32>], vector<16xi32>,
        %eq3A_260 = arith.cmpi eq, %get3A_216, %gather3A_259 : vector<16xi32>
        %or3A_261 = arith.ori %or3A_255, %eq3A_260 : vector<16xi1>
        %mul3A_262 = arith.constant 16 : i32
        %mul3A_263 = arith.muli %add3A_212, %mul3A_262 : i32
        %gather3A_264 = tpu.memref_slice %arg5[%mul3A_263] : memref<16384xi32, #tpu.memory_space<vmem>> -> memref<16xi32, #tpu.memory_space<vmem>>
        %gather3A_265 = tpu.vector_load_idx %gather3A_264[%min3A_49] : memref<16xi32, #tpu.memory_space<vmem>>[vector<16xi32>], vector<16xi32>,
        %eq3A_266 = arith.cmpi eq, %get3A_216, %gather3A_265 : vector<16xi32>
        %or3A_267 = arith.ori %or3A_261, %eq3A_266 : vector<16xi1>
        %mul3A_268 = arith.constant 16 : i32
        %mul3A_269 = arith.muli %add3A_212, %mul3A_268 : i32
        %gather3A_270 = tpu.memref_slice %arg5[%mul3A_269] : memref<16384xi32, #tpu.memory_space<vmem>> -> memref<16xi32, #tpu.memory_space<vmem>>
        %gather3A_271 = tpu.vector_load_idx %gather3A_270[%min3A_55] : memref<16xi32, #tpu.memory_space<vmem>>[vector<16xi32>], vector<16xi32>,
        %eq3A_272 = arith.cmpi eq, %get3A_216, %gather3A_271 : vector<16xi32>
        %or3A_273 = arith.ori %or3A_267, %eq3A_272 : vector<16xi1>
        %mul3A_274 = arith.constant 16 : i32
        %mul3A_275 = arith.muli %add3A_212, %mul3A_274 : i32
        %gather3A_276 = tpu.memref_slice %arg5[%mul3A_275] : memref<16384xi32, #tpu.memory_space<vmem>> -> memref<16xi32, #tpu.memory_space<vmem>>
        %gather3A_277 = tpu.vector_load_idx %gather3A_276[%min3A_61] : memref<16xi32, #tpu.memory_space<vmem>>[vector<16xi32>], vector<16xi32>,
        %eq3A_278 = arith.cmpi eq, %get3A_216, %gather3A_277 : vector<16xi32>
        %or3A_279 = arith.ori %or3A_273, %eq3A_278 : vector<16xi1>
        %mul3A_280 = arith.constant 16 : i32
        %mul3A_281 = arith.muli %add3A_212, %mul3A_280 : i32
        %gather3A_282 = tpu.memref_slice %arg5[%mul3A_281] : memref<16384xi32, #tpu.memory_space<vmem>> -> memref<16xi32, #tpu.memory_space<vmem>>
        %gather3A_283 = tpu.vector_load_idx %gather3A_282[%min3A_67] : memref<16xi32, #tpu.memory_space<vmem>>[vector<16xi32>], vector<16xi32>,
        %eq3A_284 = arith.cmpi eq, %get3A_216, %gather3A_283 : vector<16xi32>
        %or3A_285 = arith.ori %or3A_279, %eq3A_284 : vector<16xi1>
        %mul3A_286 = arith.constant 16 : i32
        %mul3A_287 = arith.muli %add3A_212, %mul3A_286 : i32
        %gather3A_288 = tpu.memref_slice %arg5[%mul3A_287] : memref<16384xi32, #tpu.memory_space<vmem>> -> memref<16xi32, #tpu.memory_space<vmem>>
        %gather3A_289 = tpu.vector_load_idx %gather3A_288[%min3A_73] : memref<16xi32, #tpu.memory_space<vmem>>[vector<16xi32>], vector<16xi32>,
        %eq3A_290 = arith.cmpi eq, %get3A_216, %gather3A_289 : vector<16xi32>
        %or3A_291 = arith.ori %or3A_285, %eq3A_290 : vector<16xi1>
        %mul3A_292 = arith.constant 16 : i32
        %mul3A_293 = arith.muli %add3A_212, %mul3A_292 : i32
        %gather3A_294 = tpu.memref_slice %arg5[%mul3A_293] : memref<16384xi32, #tpu.memory_space<vmem>> -> memref<16xi32, #tpu.memory_space<vmem>>
        %gather3A_295 = tpu.vector_load_idx %gather3A_294[%min3A_79] : memref<16xi32, #tpu.memory_space<vmem>>[vector<16xi32>], vector<16xi32>,
        %eq3A_296 = arith.cmpi eq, %get3A_216, %gather3A_295 : vector<16xi32>
        %or3A_297 = arith.ori %or3A_291, %eq3A_296 : vector<16xi1>
        %mul3A_298 = arith.constant 16 : i32
        %mul3A_299 = arith.muli %add3A_212, %mul3A_298 : i32
        %gather3A_300 = tpu.memref_slice %arg5[%mul3A_299] : memref<16384xi32, #tpu.memory_space<vmem>> -> memref<16xi32, #tpu.memory_space<vmem>>
        %gather3A_301 = tpu.vector_load_idx %gather3A_300[%min3A_85] : memref<16xi32, #tpu.memory_space<vmem>>[vector<16xi32>], vector<16xi32>,
        %eq3A_302 = arith.cmpi eq, %get3A_216, %gather3A_301 : vector<16xi32>
        %or3A_303 = arith.ori %or3A_297, %eq3A_302 : vector<16xi1>
        %mul3A_304 = arith.constant 16 : i32
        %mul3A_305 = arith.muli %add3A_212, %mul3A_304 : i32
        %gather3A_306 = tpu.memref_slice %arg5[%mul3A_305] : memref<16384xi32, #tpu.memory_space<vmem>> -> memref<16xi32, #tpu.memory_space<vmem>>
        %gather3A_307 = tpu.vector_load_idx %gather3A_306[%min3A_91] : memref<16xi32, #tpu.memory_space<vmem>>[vector<16xi32>], vector<16xi32>,
        %eq3A_308 = arith.cmpi eq, %get3A_216, %gather3A_307 : vector<16xi32>
        %or3A_309 = arith.ori %or3A_303, %eq3A_308 : vector<16xi1>
        %not3A_310 = arith.constant dense<true> : vector<16xi1>
        %not3A_311 = arith.xori %or3A_309, %not3A_310 : vector<16xi1>
        %eq3A_312 = arith.constant 15 : i32
        %eq3A_313 = vector.broadcast %eq3A_312 : i32 to vector<16xi32>
        %eq3A_314 = arith.cmpi eq, %iota3A, %eq3A_313 : vector<16xi32>
        %or3A_315 = arith.ori %not3A_311, %eq3A_314 : vector<16xi1>
        %mul3A_316 = arith.constant 16 : i32
        %mul3A_317 = arith.muli %add3A_212, %mul3A_316 : i32
        %add3A_318 = vector.broadcast %mul3A_317 : i32 to vector<16xi32>
        %add3A_319 = arith.addi %iota3A, %add3A_318 : vector<16xi32>
        tpu.vector_store_idx %arg4[%get3A_216], %add3A_319 masked %or3A_315 : memref<100000xi32, #tpu.memory_space<vmem>>[vector<16xi32>], vector<16xi32>, vector<16xi1>
        %scan3A_320 = arith.constant 2 : i32
        %scan3A_321 = arith.addi %scan3A_101, %scan3A_320 : i32
        %mul3A_322 = arith.constant 1 : i32
        %mul3A_323 = arith.muli %scan3A_321, %mul3A_322 : i32
        %add3A_324 = arith.constant 0 : i32
        %add3A_325 = arith.addi %add3A_324, %mul3A_323 : i32
        %mul3A_326 = arith.constant 16 : i32
        %mul3A_327 = arith.muli %add3A_325, %mul3A_326 : i32
        %get3A_328 = arith.index_cast %mul3A_327 : i32 to index
        %get3A_329 = tpu.vector_load %arg5[%get3A_328] {strides = array<i32>} : memref<16384xi32, #tpu.memory_space<vmem>>, vector<16xi32>,
        %lt3A_330 = arith.constant 0 : i32
        %lt3A_331 = vector.broadcast %lt3A_330 : i32 to vector<16xi32>
        %lt3A_332 = arith.cmpi slt, %iota3A, %lt3A_331 : vector<16xi32>
        %mul3A_333 = arith.constant 16 : i32
        %mul3A_334 = arith.muli %add3A_325, %mul3A_333 : i32
        %gather3A_335 = tpu.memref_slice %arg5[%mul3A_334] : memref<16384xi32, #tpu.memory_space<vmem>> -> memref<16xi32, #tpu.memory_space<vmem>>
        %gather3A_336 = tpu.vector_load_idx %gather3A_335[%min3A_7] : memref<16xi32, #tpu.memory_space<vmem>>[vector<16xi32>], vector<16xi32>,
        %eq3A_337 = arith.cmpi eq, %get3A_329, %gather3A_336 : vector<16xi32>
        %or3A_338 = arith.ori %lt3A_332, %eq3A_337 : vector<16xi1>
        %mul3A_339 = arith.constant 16 : i32
        %mul3A_340 = arith.muli %add3A_325, %mul3A_339 : i32
        %gather3A_341 = tpu.memref_slice %arg5[%mul3A_340] : memref<16384xi32, #tpu.memory_space<vmem>> -> memref<16xi32, #tpu.memory_space<vmem>>
        %gather3A_342 = tpu.vector_load_idx %gather3A_341[%min3A_13] : memref<16xi32, #tpu.memory_space<vmem>>[vector<16xi32>], vector<16xi32>,
        %eq3A_343 = arith.cmpi eq, %get3A_329, %gather3A_342 : vector<16xi32>
        %or3A_344 = arith.ori %or3A_338, %eq3A_343 : vector<16xi1>
        %mul3A_345 = arith.constant 16 : i32
        %mul3A_346 = arith.muli %add3A_325, %mul3A_345 : i32
        %gather3A_347 = tpu.memref_slice %arg5[%mul3A_346] : memref<16384xi32, #tpu.memory_space<vmem>> -> memref<16xi32, #tpu.memory_space<vmem>>
        %gather3A_348 = tpu.vector_load_idx %gather3A_347[%min3A_19] : memref<16xi32, #tpu.memory_space<vmem>>[vector<16xi32>], vector<16xi32>,
        %eq3A_349 = arith.cmpi eq, %get3A_329, %gather3A_348 : vector<16xi32>
        %or3A_350 = arith.ori %or3A_344, %eq3A_349 : vector<16xi1>
        %mul3A_351 = arith.constant 16 : i32
        %mul3A_352 = arith.muli %add3A_325, %mul3A_351 : i32
        %gather3A_353 = tpu.memref_slice %arg5[%mul3A_352] : memref<16384xi32, #tpu.memory_space<vmem>> -> memref<16xi32, #tpu.memory_space<vmem>>
        %gather3A_354 = tpu.vector_load_idx %gather3A_353[%min3A_25] : memref<16xi32, #tpu.memory_space<vmem>>[vector<16xi32>], vector<16xi32>,
        %eq3A_355 = arith.cmpi eq, %get3A_329, %gather3A_354 : vector<16xi32>
        %or3A_356 = arith.ori %or3A_350, %eq3A_355 : vector<16xi1>
        %mul3A_357 = arith.constant 16 : i32
        %mul3A_358 = arith.muli %add3A_325, %mul3A_357 : i32
        %gather3A_359 = tpu.memref_slice %arg5[%mul3A_358] : memref<16384xi32, #tpu.memory_space<vmem>> -> memref<16xi32, #tpu.memory_space<vmem>>
        %gather3A_360 = tpu.vector_load_idx %gather3A_359[%min3A_31] : memref<16xi32, #tpu.memory_space<vmem>>[vector<16xi32>], vector<16xi32>,
        %eq3A_361 = arith.cmpi eq, %get3A_329, %gather3A_360 : vector<16xi32>
        %or3A_362 = arith.ori %or3A_356, %eq3A_361 : vector<16xi1>
        %mul3A_363 = arith.constant 16 : i32
        %mul3A_364 = arith.muli %add3A_325, %mul3A_363 : i32
        %gather3A_365 = tpu.memref_slice %arg5[%mul3A_364] : memref<16384xi32, #tpu.memory_space<vmem>> -> memref<16xi32, #tpu.memory_space<vmem>>
        %gather3A_366 = tpu.vector_load_idx %gather3A_365[%min3A_37] : memref<16xi32, #tpu.memory_space<vmem>>[vector<16xi32>], vector<16xi32>,
        %eq3A_367 = arith.cmpi eq, %get3A_329, %gather3A_366 : vector<16xi32>
        %or3A_368 = arith.ori %or3A_362, %eq3A_367 : vector<16xi1>
        %mul3A_369 = arith.constant 16 : i32
        %mul3A_370 = arith.muli %add3A_325, %mul3A_369 : i32
        %gather3A_371 = tpu.memref_slice %arg5[%mul3A_370] : memref<16384xi32, #tpu.memory_space<vmem>> -> memref<16xi32, #tpu.memory_space<vmem>>
        %gather3A_372 = tpu.vector_load_idx %gather3A_371[%min3A_43] : memref<16xi32, #tpu.memory_space<vmem>>[vector<16xi32>], vector<16xi32>,
        %eq3A_373 = arith.cmpi eq, %get3A_329, %gather3A_372 : vector<16xi32>
        %or3A_374 = arith.ori %or3A_368, %eq3A_373 : vector<16xi1>
        %mul3A_375 = arith.constant 16 : i32
        %mul3A_376 = arith.muli %add3A_325, %mul3A_375 : i32
        %gather3A_377 = tpu.memref_slice %arg5[%mul3A_376] : memref<16384xi32, #tpu.memory_space<vmem>> -> memref<16xi32, #tpu.memory_space<vmem>>
        %gather3A_378 = tpu.vector_load_idx %gather3A_377[%min3A_49] : memref<16xi32, #tpu.memory_space<vmem>>[vector<16xi32>], vector<16xi32>,
        %eq3A_379 = arith.cmpi eq, %get3A_329, %gather3A_378 : vector<16xi32>
        %or3A_380 = arith.ori %or3A_374, %eq3A_379 : vector<16xi1>
        %mul3A_381 = arith.constant 16 : i32
        %mul3A_382 = arith.muli %add3A_325, %mul3A_381 : i32
        %gather3A_383 = tpu.memref_slice %arg5[%mul3A_382] : memref<16384xi32, #tpu.memory_space<vmem>> -> memref<16xi32, #tpu.memory_space<vmem>>
        %gather3A_384 = tpu.vector_load_idx %gather3A_383[%min3A_55] : memref<16xi32, #tpu.memory_space<vmem>>[vector<16xi32>], vector<16xi32>,
        %eq3A_385 = arith.cmpi eq, %get3A_329, %gather3A_384 : vector<16xi32>
        %or3A_386 = arith.ori %or3A_380, %eq3A_385 : vector<16xi1>
        %mul3A_387 = arith.constant 16 : i32
        %mul3A_388 = arith.muli %add3A_325, %mul3A_387 : i32
        %gather3A_389 = tpu.memref_slice %arg5[%mul3A_388] : memref<16384xi32, #tpu.memory_space<vmem>> -> memref<16xi32, #tpu.memory_space<vmem>>
        %gather3A_390 = tpu.vector_load_idx %gather3A_389[%min3A_61] : memref<16xi32, #tpu.memory_space<vmem>>[vector<16xi32>], vector<16xi32>,
        %eq3A_391 = arith.cmpi eq, %get3A_329, %gather3A_390 : vector<16xi32>
        %or3A_392 = arith.ori %or3A_386, %eq3A_391 : vector<16xi1>
        %mul3A_393 = arith.constant 16 : i32
        %mul3A_394 = arith.muli %add3A_325, %mul3A_393 : i32
        %gather3A_395 = tpu.memref_slice %arg5[%mul3A_394] : memref<16384xi32, #tpu.memory_space<vmem>> -> memref<16xi32, #tpu.memory_space<vmem>>
        %gather3A_396 = tpu.vector_load_idx %gather3A_395[%min3A_67] : memref<16xi32, #tpu.memory_space<vmem>>[vector<16xi32>], vector<16xi32>,
        %eq3A_397 = arith.cmpi eq, %get3A_329, %gather3A_396 : vector<16xi32>
        %or3A_398 = arith.ori %or3A_392, %eq3A_397 : vector<16xi1>
        %mul3A_399 = arith.constant 16 : i32
        %mul3A_400 = arith.muli %add3A_325, %mul3A_399 : i32
        %gather3A_401 = tpu.memref_slice %arg5[%mul3A_400] : memref<16384xi32, #tpu.memory_space<vmem>> -> memref<16xi32, #tpu.memory_space<vmem>>
        %gather3A_402 = tpu.vector_load_idx %gather3A_401[%min3A_73] : memref<16xi32, #tpu.memory_space<vmem>>[vector<16xi32>], vector<16xi32>,
        %eq3A_403 = arith.cmpi eq, %get3A_329, %gather3A_402 : vector<16xi32>
        %or3A_404 = arith.ori %or3A_398, %eq3A_403 : vector<16xi1>
        %mul3A_405 = arith.constant 16 : i32
        %mul3A_406 = arith.muli %add3A_325, %mul3A_405 : i32
        %gather3A_407 = tpu.memref_slice %arg5[%mul3A_406] : memref<16384xi32, #tpu.memory_space<vmem>> -> memref<16xi32, #tpu.memory_space<vmem>>
        %gather3A_408 = tpu.vector_load_idx %gather3A_407[%min3A_79] : memref<16xi32, #tpu.memory_space<vmem>>[vector<16xi32>], vector<16xi32>,
        %eq3A_409 = arith.cmpi eq, %get3A_329, %gather3A_408 : vector<16xi32>
        %or3A_410 = arith.ori %or3A_404, %eq3A_409 : vector<16xi1>
        %mul3A_411 = arith.constant 16 : i32
        %mul3A_412 = arith.muli %add3A_325, %mul3A_411 : i32
        %gather3A_413 = tpu.memref_slice %arg5[%mul3A_412] : memref<16384xi32, #tpu.memory_space<vmem>> -> memref<16xi32, #tpu.memory_space<vmem>>
        %gather3A_414 = tpu.vector_load_idx %gather3A_413[%min3A_85] : memref<16xi32, #tpu.memory_space<vmem>>[vector<16xi32>], vector<16xi32>,
        %eq3A_415 = arith.cmpi eq, %get3A_329, %gather3A_414 : vector<16xi32>
        %or3A_416 = arith.ori %or3A_410, %eq3A_415 : vector<16xi1>
        %mul3A_417 = arith.constant 16 : i32
        %mul3A_418 = arith.muli %add3A_325, %mul3A_417 : i32
        %gather3A_419 = tpu.memref_slice %arg5[%mul3A_418] : memref<16384xi32, #tpu.memory_space<vmem>> -> memref<16xi32, #tpu.memory_space<vmem>>
        %gather3A_420 = tpu.vector_load_idx %gather3A_419[%min3A_91] : memref<16xi32, #tpu.memory_space<vmem>>[vector<16xi32>], vector<16xi32>,
        %eq3A_421 = arith.cmpi eq, %get3A_329, %gather3A_420 : vector<16xi32>
        %or3A_422 = arith.ori %or3A_416, %eq3A_421 : vector<16xi1>
        %not3A_423 = arith.constant dense<true> : vector<16xi1>
        %not3A_424 = arith.xori %or3A_422, %not3A_423 : vector<16xi1>
        %eq3A_425 = arith.constant 15 : i32
        %eq3A_426 = vector.broadcast %eq3A_425 : i32 to vector<16xi32>
        %eq3A_427 = arith.cmpi eq, %iota3A, %eq3A_426 : vector<16xi32>
        %or3A_428 = arith.ori %not3A_424, %eq3A_427 : vector<16xi1>
        %mul3A_429 = arith.constant 16 : i32
        %mul3A_430 = arith.muli %add3A_325, %mul3A_429 : i32
        %add3A_431 = vector.broadcast %mul3A_430 : i32 to vector<16xi32>
        %add3A_432 = arith.addi %iota3A, %add3A_431 : vector<16xi32>
        tpu.vector_store_idx %arg4[%get3A_329], %add3A_432 masked %or3A_428 : memref<100000xi32, #tpu.memory_space<vmem>>[vector<16xi32>], vector<16xi32>, vector<16xi1>
        %scan3A_433 = arith.constant 3 : i32
        %scan3A_434 = arith.addi %scan3A_101, %scan3A_433 : i32
        %mul3A_435 = arith.constant 1 : i32
        %mul3A_436 = arith.muli %scan3A_434, %mul3A_435 : i32
        %add3A_437 = arith.constant 0 : i32
        %add3A_438 = arith.addi %add3A_437, %mul3A_436 : i32
        %mul3A_439 = arith.constant 16 : i32
        %mul3A_440 = arith.muli %add3A_438, %mul3A_439 : i32
        %get3A_441 = arith.index_cast %mul3A_440 : i32 to index
        %get3A_442 = tpu.vector_load %arg5[%get3A_441] {strides = array<i32>} : memref<16384xi32, #tpu.memory_space<vmem>>, vector<16xi32>,
        %lt3A_443 = arith.constant 0 : i32
        %lt3A_444 = vector.broadcast %lt3A_443 : i32 to vector<16xi32>
        %lt3A_445 = arith.cmpi slt, %iota3A, %lt3A_444 : vector<16xi32>
        %mul3A_446 = arith.constant 16 : i32
        %mul3A_447 = arith.muli %add3A_438, %mul3A_446 : i32
        %gather3A_448 = tpu.memref_slice %arg5[%mul3A_447] : memref<16384xi32, #tpu.memory_space<vmem>> -> memref<16xi32, #tpu.memory_space<vmem>>
        %gather3A_449 = tpu.vector_load_idx %gather3A_448[%min3A_7] : memref<16xi32, #tpu.memory_space<vmem>>[vector<16xi32>], vector<16xi32>,
        %eq3A_450 = arith.cmpi eq, %get3A_442, %gather3A_449 : vector<16xi32>
        %or3A_451 = arith.ori %lt3A_445, %eq3A_450 : vector<16xi1>
        %mul3A_452 = arith.constant 16 : i32
        %mul3A_453 = arith.muli %add3A_438, %mul3A_452 : i32
        %gather3A_454 = tpu.memref_slice %arg5[%mul3A_453] : memref<16384xi32, #tpu.memory_space<vmem>> -> memref<16xi32, #tpu.memory_space<vmem>>
        %gather3A_455 = tpu.vector_load_idx %gather3A_454[%min3A_13] : memref<16xi32, #tpu.memory_space<vmem>>[vector<16xi32>], vector<16xi32>,
        %eq3A_456 = arith.cmpi eq, %get3A_442, %gather3A_455 : vector<16xi32>
        %or3A_457 = arith.ori %or3A_451, %eq3A_456 : vector<16xi1>
        %mul3A_458 = arith.constant 16 : i32
        %mul3A_459 = arith.muli %add3A_438, %mul3A_458 : i32
        %gather3A_460 = tpu.memref_slice %arg5[%mul3A_459] : memref<16384xi32, #tpu.memory_space<vmem>> -> memref<16xi32, #tpu.memory_space<vmem>>
        %gather3A_461 = tpu.vector_load_idx %gather3A_460[%min3A_19] : memref<16xi32, #tpu.memory_space<vmem>>[vector<16xi32>], vector<16xi32>,
        %eq3A_462 = arith.cmpi eq, %get3A_442, %gather3A_461 : vector<16xi32>
        %or3A_463 = arith.ori %or3A_457, %eq3A_462 : vector<16xi1>
        %mul3A_464 = arith.constant 16 : i32
        %mul3A_465 = arith.muli %add3A_438, %mul3A_464 : i32
        %gather3A_466 = tpu.memref_slice %arg5[%mul3A_465] : memref<16384xi32, #tpu.memory_space<vmem>> -> memref<16xi32, #tpu.memory_space<vmem>>
        %gather3A_467 = tpu.vector_load_idx %gather3A_466[%min3A_25] : memref<16xi32, #tpu.memory_space<vmem>>[vector<16xi32>], vector<16xi32>,
        %eq3A_468 = arith.cmpi eq, %get3A_442, %gather3A_467 : vector<16xi32>
        %or3A_469 = arith.ori %or3A_463, %eq3A_468 : vector<16xi1>
        %mul3A_470 = arith.constant 16 : i32
        %mul3A_471 = arith.muli %add3A_438, %mul3A_470 : i32
        %gather3A_472 = tpu.memref_slice %arg5[%mul3A_471] : memref<16384xi32, #tpu.memory_space<vmem>> -> memref<16xi32, #tpu.memory_space<vmem>>
        %gather3A_473 = tpu.vector_load_idx %gather3A_472[%min3A_31] : memref<16xi32, #tpu.memory_space<vmem>>[vector<16xi32>], vector<16xi32>,
        %eq3A_474 = arith.cmpi eq, %get3A_442, %gather3A_473 : vector<16xi32>
        %or3A_475 = arith.ori %or3A_469, %eq3A_474 : vector<16xi1>
        %mul3A_476 = arith.constant 16 : i32
        %mul3A_477 = arith.muli %add3A_438, %mul3A_476 : i32
        %gather3A_478 = tpu.memref_slice %arg5[%mul3A_477] : memref<16384xi32, #tpu.memory_space<vmem>> -> memref<16xi32, #tpu.memory_space<vmem>>
        %gather3A_479 = tpu.vector_load_idx %gather3A_478[%min3A_37] : memref<16xi32, #tpu.memory_space<vmem>>[vector<16xi32>], vector<16xi32>,
        %eq3A_480 = arith.cmpi eq, %get3A_442, %gather3A_479 : vector<16xi32>
        %or3A_481 = arith.ori %or3A_475, %eq3A_480 : vector<16xi1>
        %mul3A_482 = arith.constant 16 : i32
        %mul3A_483 = arith.muli %add3A_438, %mul3A_482 : i32
        %gather3A_484 = tpu.memref_slice %arg5[%mul3A_483] : memref<16384xi32, #tpu.memory_space<vmem>> -> memref<16xi32, #tpu.memory_space<vmem>>
        %gather3A_485 = tpu.vector_load_idx %gather3A_484[%min3A_43] : memref<16xi32, #tpu.memory_space<vmem>>[vector<16xi32>], vector<16xi32>,
        %eq3A_486 = arith.cmpi eq, %get3A_442, %gather3A_485 : vector<16xi32>
        %or3A_487 = arith.ori %or3A_481, %eq3A_486 : vector<16xi1>
        %mul3A_488 = arith.constant 16 : i32
        %mul3A_489 = arith.muli %add3A_438, %mul3A_488 : i32
        %gather3A_490 = tpu.memref_slice %arg5[%mul3A_489] : memref<16384xi32, #tpu.memory_space<vmem>> -> memref<16xi32, #tpu.memory_space<vmem>>
        %gather3A_491 = tpu.vector_load_idx %gather3A_490[%min3A_49] : memref<16xi32, #tpu.memory_space<vmem>>[vector<16xi32>], vector<16xi32>,
        %eq3A_492 = arith.cmpi eq, %get3A_442, %gather3A_491 : vector<16xi32>
        %or3A_493 = arith.ori %or3A_487, %eq3A_492 : vector<16xi1>
        %mul3A_494 = arith.constant 16 : i32
        %mul3A_495 = arith.muli %add3A_438, %mul3A_494 : i32
        %gather3A_496 = tpu.memref_slice %arg5[%mul3A_495] : memref<16384xi32, #tpu.memory_space<vmem>> -> memref<16xi32, #tpu.memory_space<vmem>>
        %gather3A_497 = tpu.vector_load_idx %gather3A_496[%min3A_55] : memref<16xi32, #tpu.memory_space<vmem>>[vector<16xi32>], vector<16xi32>,
        %eq3A_498 = arith.cmpi eq, %get3A_442, %gather3A_497 : vector<16xi32>
        %or3A_499 = arith.ori %or3A_493, %eq3A_498 : vector<16xi1>
        %mul3A_500 = arith.constant 16 : i32
        %mul3A_501 = arith.muli %add3A_438, %mul3A_500 : i32
        %gather3A_502 = tpu.memref_slice %arg5[%mul3A_501] : memref<16384xi32, #tpu.memory_space<vmem>> -> memref<16xi32, #tpu.memory_space<vmem>>
        %gather3A_503 = tpu.vector_load_idx %gather3A_502[%min3A_61] : memref<16xi32, #tpu.memory_space<vmem>>[vector<16xi32>], vector<16xi32>,
        %eq3A_504 = arith.cmpi eq, %get3A_442, %gather3A_503 : vector<16xi32>
        %or3A_505 = arith.ori %or3A_499, %eq3A_504 : vector<16xi1>
        %mul3A_506 = arith.constant 16 : i32
        %mul3A_507 = arith.muli %add3A_438, %mul3A_506 : i32
        %gather3A_508 = tpu.memref_slice %arg5[%mul3A_507] : memref<16384xi32, #tpu.memory_space<vmem>> -> memref<16xi32, #tpu.memory_space<vmem>>
        %gather3A_509 = tpu.vector_load_idx %gather3A_508[%min3A_67] : memref<16xi32, #tpu.memory_space<vmem>>[vector<16xi32>], vector<16xi32>,
        %eq3A_510 = arith.cmpi eq, %get3A_442, %gather3A_509 : vector<16xi32>
        %or3A_511 = arith.ori %or3A_505, %eq3A_510 : vector<16xi1>
        %mul3A_512 = arith.constant 16 : i32
        %mul3A_513 = arith.muli %add3A_438, %mul3A_512 : i32
        %gather3A_514 = tpu.memref_slice %arg5[%mul3A_513] : memref<16384xi32, #tpu.memory_space<vmem>> -> memref<16xi32, #tpu.memory_space<vmem>>
        %gather3A_515 = tpu.vector_load_idx %gather3A_514[%min3A_73] : memref<16xi32, #tpu.memory_space<vmem>>[vector<16xi32>], vector<16xi32>,
        %eq3A_516 = arith.cmpi eq, %get3A_442, %gather3A_515 : vector<16xi32>
        %or3A_517 = arith.ori %or3A_511, %eq3A_516 : vector<16xi1>
        %mul3A_518 = arith.constant 16 : i32
        %mul3A_519 = arith.muli %add3A_438, %mul3A_518 : i32
        %gather3A_520 = tpu.memref_slice %arg5[%mul3A_519] : memref<16384xi32, #tpu.memory_space<vmem>> -> memref<16xi32, #tpu.memory_space<vmem>>
        %gather3A_521 = tpu.vector_load_idx %gather3A_520[%min3A_79] : memref<16xi32, #tpu.memory_space<vmem>>[vector<16xi32>], vector<16xi32>,
        %eq3A_522 = arith.cmpi eq, %get3A_442, %gather3A_521 : vector<16xi32>
        %or3A_523 = arith.ori %or3A_517, %eq3A_522 : vector<16xi1>
        %mul3A_524 = arith.constant 16 : i32
        %mul3A_525 = arith.muli %add3A_438, %mul3A_524 : i32
        %gather3A_526 = tpu.memref_slice %arg5[%mul3A_525] : memref<16384xi32, #tpu.memory_space<vmem>> -> memref<16xi32, #tpu.memory_space<vmem>>
        %gather3A_527 = tpu.vector_load_idx %gather3A_526[%min3A_85] : memref<16xi32, #tpu.memory_space<vmem>>[vector<16xi32>], vector<16xi32>,
        %eq3A_528 = arith.cmpi eq, %get3A_442, %gather3A_527 : vector<16xi32>
        %or3A_529 = arith.ori %or3A_523, %eq3A_528 : vector<16xi1>
        %mul3A_530 = arith.constant 16 : i32
        %mul3A_531 = arith.muli %add3A_438, %mul3A_530 : i32
        %gather3A_532 = tpu.memref_slice %arg5[%mul3A_531] : memref<16384xi32, #tpu.memory_space<vmem>> -> memref<16xi32, #tpu.memory_space<vmem>>
        %gather3A_533 = tpu.vector_load_idx %gather3A_532[%min3A_91] : memref<16xi32, #tpu.memory_space<vmem>>[vector<16xi32>], vector<16xi32>,
        %eq3A_534 = arith.cmpi eq, %get3A_442, %gather3A_533 : vector<16xi32>
        %or3A_535 = arith.ori %or3A_529, %eq3A_534 : vector<16xi1>
        %not3A_536 = arith.constant dense<true> : vector<16xi1>
        %not3A_537 = arith.xori %or3A_535, %not3A_536 : vector<16xi1>
        %eq3A_538 = arith.constant 15 : i32
        %eq3A_539 = vector.broadcast %eq3A_538 : i32 to vector<16xi32>
        %eq3A_540 = arith.cmpi eq, %iota3A, %eq3A_539 : vector<16xi32>
        %or3A_541 = arith.ori %not3A_537, %eq3A_540 : vector<16xi1>
        %mul3A_542 = arith.constant 16 : i32
        %mul3A_543 = arith.muli %add3A_438, %mul3A_542 : i32
        %add3A_544 = vector.broadcast %mul3A_543 : i32 to vector<16xi32>
        %add3A_545 = arith.addi %iota3A, %add3A_544 : vector<16xi32>
        tpu.vector_store_idx %arg4[%get3A_442], %add3A_545 masked %or3A_541 : memref<100000xi32, #tpu.memory_space<vmem>>[vector<16xi32>], vector<16xi32>, vector<16xi1>
        %scan3A_546 = arith.constant 4 : i32
        %scan3A_547 = arith.addi %scan3A_101, %scan3A_546 : i32
        %mul3A_548 = arith.constant 1 : i32
        %mul3A_549 = arith.muli %scan3A_547, %mul3A_548 : i32
        %add3A_550 = arith.constant 0 : i32
        %add3A_551 = arith.addi %add3A_550, %mul3A_549 : i32
        %mul3A_552 = arith.constant 16 : i32
        %mul3A_553 = arith.muli %add3A_551, %mul3A_552 : i32
        %get3A_554 = arith.index_cast %mul3A_553 : i32 to index
        %get3A_555 = tpu.vector_load %arg5[%get3A_554] {strides = array<i32>} : memref<16384xi32, #tpu.memory_space<vmem>>, vector<16xi32>,
        %lt3A_556 = arith.constant 0 : i32
        %lt3A_557 = vector.broadcast %lt3A_556 : i32 to vector<16xi32>
        %lt3A_558 = arith.cmpi slt, %iota3A, %lt3A_557 : vector<16xi32>
        %mul3A_559 = arith.constant 16 : i32
        %mul3A_560 = arith.muli %add3A_551, %mul3A_559 : i32
        %gather3A_561 = tpu.memref_slice %arg5[%mul3A_560] : memref<16384xi32, #tpu.memory_space<vmem>> -> memref<16xi32, #tpu.memory_space<vmem>>
        %gather3A_562 = tpu.vector_load_idx %gather3A_561[%min3A_7] : memref<16xi32, #tpu.memory_space<vmem>>[vector<16xi32>], vector<16xi32>,
        %eq3A_563 = arith.cmpi eq, %get3A_555, %gather3A_562 : vector<16xi32>
        %or3A_564 = arith.ori %lt3A_558, %eq3A_563 : vector<16xi1>
        %mul3A_565 = arith.constant 16 : i32
        %mul3A_566 = arith.muli %add3A_551, %mul3A_565 : i32
        %gather3A_567 = tpu.memref_slice %arg5[%mul3A_566] : memref<16384xi32, #tpu.memory_space<vmem>> -> memref<16xi32, #tpu.memory_space<vmem>>
        %gather3A_568 = tpu.vector_load_idx %gather3A_567[%min3A_13] : memref<16xi32, #tpu.memory_space<vmem>>[vector<16xi32>], vector<16xi32>,
        %eq3A_569 = arith.cmpi eq, %get3A_555, %gather3A_568 : vector<16xi32>
        %or3A_570 = arith.ori %or3A_564, %eq3A_569 : vector<16xi1>
        %mul3A_571 = arith.constant 16 : i32
        %mul3A_572 = arith.muli %add3A_551, %mul3A_571 : i32
        %gather3A_573 = tpu.memref_slice %arg5[%mul3A_572] : memref<16384xi32, #tpu.memory_space<vmem>> -> memref<16xi32, #tpu.memory_space<vmem>>
        %gather3A_574 = tpu.vector_load_idx %gather3A_573[%min3A_19] : memref<16xi32, #tpu.memory_space<vmem>>[vector<16xi32>], vector<16xi32>,
        %eq3A_575 = arith.cmpi eq, %get3A_555, %gather3A_574 : vector<16xi32>
        %or3A_576 = arith.ori %or3A_570, %eq3A_575 : vector<16xi1>
        %mul3A_577 = arith.constant 16 : i32
        %mul3A_578 = arith.muli %add3A_551, %mul3A_577 : i32
        %gather3A_579 = tpu.memref_slice %arg5[%mul3A_578] : memref<16384xi32, #tpu.memory_space<vmem>> -> memref<16xi32, #tpu.memory_space<vmem>>
        %gather3A_580 = tpu.vector_load_idx %gather3A_579[%min3A_25] : memref<16xi32, #tpu.memory_space<vmem>>[vector<16xi32>], vector<16xi32>,
        %eq3A_581 = arith.cmpi eq, %get3A_555, %gather3A_580 : vector<16xi32>
        %or3A_582 = arith.ori %or3A_576, %eq3A_581 : vector<16xi1>
        %mul3A_583 = arith.constant 16 : i32
        %mul3A_584 = arith.muli %add3A_551, %mul3A_583 : i32
        %gather3A_585 = tpu.memref_slice %arg5[%mul3A_584] : memref<16384xi32, #tpu.memory_space<vmem>> -> memref<16xi32, #tpu.memory_space<vmem>>
        %gather3A_586 = tpu.vector_load_idx %gather3A_585[%min3A_31] : memref<16xi32, #tpu.memory_space<vmem>>[vector<16xi32>], vector<16xi32>,
        %eq3A_587 = arith.cmpi eq, %get3A_555, %gather3A_586 : vector<16xi32>
        %or3A_588 = arith.ori %or3A_582, %eq3A_587 : vector<16xi1>
        %mul3A_589 = arith.constant 16 : i32
        %mul3A_590 = arith.muli %add3A_551, %mul3A_589 : i32
        %gather3A_591 = tpu.memref_slice %arg5[%mul3A_590] : memref<16384xi32, #tpu.memory_space<vmem>> -> memref<16xi32, #tpu.memory_space<vmem>>
        %gather3A_592 = tpu.vector_load_idx %gather3A_591[%min3A_37] : memref<16xi32, #tpu.memory_space<vmem>>[vector<16xi32>], vector<16xi32>,
        %eq3A_593 = arith.cmpi eq, %get3A_555, %gather3A_592 : vector<16xi32>
        %or3A_594 = arith.ori %or3A_588, %eq3A_593 : vector<16xi1>
        %mul3A_595 = arith.constant 16 : i32
        %mul3A_596 = arith.muli %add3A_551, %mul3A_595 : i32
        %gather3A_597 = tpu.memref_slice %arg5[%mul3A_596] : memref<16384xi32, #tpu.memory_space<vmem>> -> memref<16xi32, #tpu.memory_space<vmem>>
        %gather3A_598 = tpu.vector_load_idx %gather3A_597[%min3A_43] : memref<16xi32, #tpu.memory_space<vmem>>[vector<16xi32>], vector<16xi32>,
        %eq3A_599 = arith.cmpi eq, %get3A_555, %gather3A_598 : vector<16xi32>
        %or3A_600 = arith.ori %or3A_594, %eq3A_599 : vector<16xi1>
        %mul3A_601 = arith.constant 16 : i32
        %mul3A_602 = arith.muli %add3A_551, %mul3A_601 : i32
        %gather3A_603 = tpu.memref_slice %arg5[%mul3A_602] : memref<16384xi32, #tpu.memory_space<vmem>> -> memref<16xi32, #tpu.memory_space<vmem>>
        %gather3A_604 = tpu.vector_load_idx %gather3A_603[%min3A_49] : memref<16xi32, #tpu.memory_space<vmem>>[vector<16xi32>], vector<16xi32>,
        %eq3A_605 = arith.cmpi eq, %get3A_555, %gather3A_604 : vector<16xi32>
        %or3A_606 = arith.ori %or3A_600, %eq3A_605 : vector<16xi1>
        %mul3A_607 = arith.constant 16 : i32
        %mul3A_608 = arith.muli %add3A_551, %mul3A_607 : i32
        %gather3A_609 = tpu.memref_slice %arg5[%mul3A_608] : memref<16384xi32, #tpu.memory_space<vmem>> -> memref<16xi32, #tpu.memory_space<vmem>>
        %gather3A_610 = tpu.vector_load_idx %gather3A_609[%min3A_55] : memref<16xi32, #tpu.memory_space<vmem>>[vector<16xi32>], vector<16xi32>,
        %eq3A_611 = arith.cmpi eq, %get3A_555, %gather3A_610 : vector<16xi32>
        %or3A_612 = arith.ori %or3A_606, %eq3A_611 : vector<16xi1>
        %mul3A_613 = arith.constant 16 : i32
        %mul3A_614 = arith.muli %add3A_551, %mul3A_613 : i32
        %gather3A_615 = tpu.memref_slice %arg5[%mul3A_614] : memref<16384xi32, #tpu.memory_space<vmem>> -> memref<16xi32, #tpu.memory_space<vmem>>
        %gather3A_616 = tpu.vector_load_idx %gather3A_615[%min3A_61] : memref<16xi32, #tpu.memory_space<vmem>>[vector<16xi32>], vector<16xi32>,
        %eq3A_617 = arith.cmpi eq, %get3A_555, %gather3A_616 : vector<16xi32>
        %or3A_618 = arith.ori %or3A_612, %eq3A_617 : vector<16xi1>
        %mul3A_619 = arith.constant 16 : i32
        %mul3A_620 = arith.muli %add3A_551, %mul3A_619 : i32
        %gather3A_621 = tpu.memref_slice %arg5[%mul3A_620] : memref<16384xi32, #tpu.memory_space<vmem>> -> memref<16xi32, #tpu.memory_space<vmem>>
        %gather3A_622 = tpu.vector_load_idx %gather3A_621[%min3A_67] : memref<16xi32, #tpu.memory_space<vmem>>[vector<16xi32>], vector<16xi32>,
        %eq3A_623 = arith.cmpi eq, %get3A_555, %gather3A_622 : vector<16xi32>
        %or3A_624 = arith.ori %or3A_618, %eq3A_623 : vector<16xi1>
        %mul3A_625 = arith.constant 16 : i32
        %mul3A_626 = arith.muli %add3A_551, %mul3A_625 : i32
        %gather3A_627 = tpu.memref_slice %arg5[%mul3A_626] : memref<16384xi32, #tpu.memory_space<vmem>> -> memref<16xi32, #tpu.memory_space<vmem>>
        %gather3A_628 = tpu.vector_load_idx %gather3A_627[%min3A_73] : memref<16xi32, #tpu.memory_space<vmem>>[vector<16xi32>], vector<16xi32>,
        %eq3A_629 = arith.cmpi eq, %get3A_555, %gather3A_628 : vector<16xi32>
        %or3A_630 = arith.ori %or3A_624, %eq3A_629 : vector<16xi1>
        %mul3A_631 = arith.constant 16 : i32
        %mul3A_632 = arith.muli %add3A_551, %mul3A_631 : i32
        %gather3A_633 = tpu.memref_slice %arg5[%mul3A_632] : memref<16384xi32, #tpu.memory_space<vmem>> -> memref<16xi32, #tpu.memory_space<vmem>>
        %gather3A_634 = tpu.vector_load_idx %gather3A_633[%min3A_79] : memref<16xi32, #tpu.memory_space<vmem>>[vector<16xi32>], vector<16xi32>,
        %eq3A_635 = arith.cmpi eq, %get3A_555, %gather3A_634 : vector<16xi32>
        %or3A_636 = arith.ori %or3A_630, %eq3A_635 : vector<16xi1>
        %mul3A_637 = arith.constant 16 : i32
        %mul3A_638 = arith.muli %add3A_551, %mul3A_637 : i32
        %gather3A_639 = tpu.memref_slice %arg5[%mul3A_638] : memref<16384xi32, #tpu.memory_space<vmem>> -> memref<16xi32, #tpu.memory_space<vmem>>
        %gather3A_640 = tpu.vector_load_idx %gather3A_639[%min3A_85] : memref<16xi32, #tpu.memory_space<vmem>>[vector<16xi32>], vector<16xi32>,
        %eq3A_641 = arith.cmpi eq, %get3A_555, %gather3A_640 : vector<16xi32>
        %or3A_642 = arith.ori %or3A_636, %eq3A_641 : vector<16xi1>
        %mul3A_643 = arith.constant 16 : i32
        %mul3A_644 = arith.muli %add3A_551, %mul3A_643 : i32
        %gather3A_645 = tpu.memref_slice %arg5[%mul3A_644] : memref<16384xi32, #tpu.memory_space<vmem>> -> memref<16xi32, #tpu.memory_space<vmem>>
        %gather3A_646 = tpu.vector_load_idx %gather3A_645[%min3A_91] : memref<16xi32, #tpu.memory_space<vmem>>[vector<16xi32>], vector<16xi32>,
        %eq3A_647 = arith.cmpi eq, %get3A_555, %gather3A_646 : vector<16xi32>
        %or3A_648 = arith.ori %or3A_642, %eq3A_647 : vector<16xi1>
        %not3A_649 = arith.constant dense<true> : vector<16xi1>
        %not3A_650 = arith.xori %or3A_648, %not3A_649 : vector<16xi1>
        %eq3A_651 = arith.constant 15 : i32
        %eq3A_652 = vector.broadcast %eq3A_651 : i32 to vector<16xi32>
        %eq3A_653 = arith.cmpi eq, %iota3A, %eq3A_652 : vector<16xi32>
        %or3A_654 = arith.ori %not3A_650, %eq3A_653 : vector<16xi1>
        %mul3A_655 = arith.constant 16 : i32
        %mul3A_656 = arith.muli %add3A_551, %mul3A_655 : i32
        %add3A_657 = vector.broadcast %mul3A_656 : i32 to vector<16xi32>
        %add3A_658 = arith.addi %iota3A, %add3A_657 : vector<16xi32>
        tpu.vector_store_idx %arg4[%get3A_555], %add3A_658 masked %or3A_654 : memref<100000xi32, #tpu.memory_space<vmem>>[vector<16xi32>], vector<16xi32>, vector<16xi1>
        %scan3A_659 = arith.constant 5 : i32
        %scan3A_660 = arith.addi %scan3A_101, %scan3A_659 : i32
        %mul3A_661 = arith.constant 1 : i32
        %mul3A_662 = arith.muli %scan3A_660, %mul3A_661 : i32
        %add3A_663 = arith.constant 0 : i32
        %add3A_664 = arith.addi %add3A_663, %mul3A_662 : i32
        %mul3A_665 = arith.constant 16 : i32
        %mul3A_666 = arith.muli %add3A_664, %mul3A_665 : i32
        %get3A_667 = arith.index_cast %mul3A_666 : i32 to index
        %get3A_668 = tpu.vector_load %arg5[%get3A_667] {strides = array<i32>} : memref<16384xi32, #tpu.memory_space<vmem>>, vector<16xi32>,
        %lt3A_669 = arith.constant 0 : i32
        %lt3A_670 = vector.broadcast %lt3A_669 : i32 to vector<16xi32>
        %lt3A_671 = arith.cmpi slt, %iota3A, %lt3A_670 : vector<16xi32>
        %mul3A_672 = arith.constant 16 : i32
        %mul3A_673 = arith.muli %add3A_664, %mul3A_672 : i32
        %gather3A_674 = tpu.memref_slice %arg5[%mul3A_673] : memref<16384xi32, #tpu.memory_space<vmem>> -> memref<16xi32, #tpu.memory_space<vmem>>
        %gather3A_675 = tpu.vector_load_idx %gather3A_674[%min3A_7] : memref<16xi32, #tpu.memory_space<vmem>>[vector<16xi32>], vector<16xi32>,
        %eq3A_676 = arith.cmpi eq, %get3A_668, %gather3A_675 : vector<16xi32>
        %or3A_677 = arith.ori %lt3A_671, %eq3A_676 : vector<16xi1>
        %mul3A_678 = arith.constant 16 : i32
        %mul3A_679 = arith.muli %add3A_664, %mul3A_678 : i32
        %gather3A_680 = tpu.memref_slice %arg5[%mul3A_679] : memref<16384xi32, #tpu.memory_space<vmem>> -> memref<16xi32, #tpu.memory_space<vmem>>
        %gather3A_681 = tpu.vector_load_idx %gather3A_680[%min3A_13] : memref<16xi32, #tpu.memory_space<vmem>>[vector<16xi32>], vector<16xi32>,
        %eq3A_682 = arith.cmpi eq, %get3A_668, %gather3A_681 : vector<16xi32>
        %or3A_683 = arith.ori %or3A_677, %eq3A_682 : vector<16xi1>
        %mul3A_684 = arith.constant 16 : i32
        %mul3A_685 = arith.muli %add3A_664, %mul3A_684 : i32
        %gather3A_686 = tpu.memref_slice %arg5[%mul3A_685] : memref<16384xi32, #tpu.memory_space<vmem>> -> memref<16xi32, #tpu.memory_space<vmem>>
        %gather3A_687 = tpu.vector_load_idx %gather3A_686[%min3A_19] : memref<16xi32, #tpu.memory_space<vmem>>[vector<16xi32>], vector<16xi32>,
        %eq3A_688 = arith.cmpi eq, %get3A_668, %gather3A_687 : vector<16xi32>
        %or3A_689 = arith.ori %or3A_683, %eq3A_688 : vector<16xi1>
        %mul3A_690 = arith.constant 16 : i32
        %mul3A_691 = arith.muli %add3A_664, %mul3A_690 : i32
        %gather3A_692 = tpu.memref_slice %arg5[%mul3A_691] : memref<16384xi32, #tpu.memory_space<vmem>> -> memref<16xi32, #tpu.memory_space<vmem>>
        %gather3A_693 = tpu.vector_load_idx %gather3A_692[%min3A_25] : memref<16xi32, #tpu.memory_space<vmem>>[vector<16xi32>], vector<16xi32>,
        %eq3A_694 = arith.cmpi eq, %get3A_668, %gather3A_693 : vector<16xi32>
        %or3A_695 = arith.ori %or3A_689, %eq3A_694 : vector<16xi1>
        %mul3A_696 = arith.constant 16 : i32
        %mul3A_697 = arith.muli %add3A_664, %mul3A_696 : i32
        %gather3A_698 = tpu.memref_slice %arg5[%mul3A_697] : memref<16384xi32, #tpu.memory_space<vmem>> -> memref<16xi32, #tpu.memory_space<vmem>>
        %gather3A_699 = tpu.vector_load_idx %gather3A_698[%min3A_31] : memref<16xi32, #tpu.memory_space<vmem>>[vector<16xi32>], vector<16xi32>,
        %eq3A_700 = arith.cmpi eq, %get3A_668, %gather3A_699 : vector<16xi32>
        %or3A_701 = arith.ori %or3A_695, %eq3A_700 : vector<16xi1>
        %mul3A_702 = arith.constant 16 : i32
        %mul3A_703 = arith.muli %add3A_664, %mul3A_702 : i32
        %gather3A_704 = tpu.memref_slice %arg5[%mul3A_703] : memref<16384xi32, #tpu.memory_space<vmem>> -> memref<16xi32, #tpu.memory_space<vmem>>
        %gather3A_705 = tpu.vector_load_idx %gather3A_704[%min3A_37] : memref<16xi32, #tpu.memory_space<vmem>>[vector<16xi32>], vector<16xi32>,
        %eq3A_706 = arith.cmpi eq, %get3A_668, %gather3A_705 : vector<16xi32>
        %or3A_707 = arith.ori %or3A_701, %eq3A_706 : vector<16xi1>
        %mul3A_708 = arith.constant 16 : i32
        %mul3A_709 = arith.muli %add3A_664, %mul3A_708 : i32
        %gather3A_710 = tpu.memref_slice %arg5[%mul3A_709] : memref<16384xi32, #tpu.memory_space<vmem>> -> memref<16xi32, #tpu.memory_space<vmem>>
        %gather3A_711 = tpu.vector_load_idx %gather3A_710[%min3A_43] : memref<16xi32, #tpu.memory_space<vmem>>[vector<16xi32>], vector<16xi32>,
        %eq3A_712 = arith.cmpi eq, %get3A_668, %gather3A_711 : vector<16xi32>
        %or3A_713 = arith.ori %or3A_707, %eq3A_712 : vector<16xi1>
        %mul3A_714 = arith.constant 16 : i32
        %mul3A_715 = arith.muli %add3A_664, %mul3A_714 : i32
        %gather3A_716 = tpu.memref_slice %arg5[%mul3A_715] : memref<16384xi32, #tpu.memory_space<vmem>> -> memref<16xi32, #tpu.memory_space<vmem>>
        %gather3A_717 = tpu.vector_load_idx %gather3A_716[%min3A_49] : memref<16xi32, #tpu.memory_space<vmem>>[vector<16xi32>], vector<16xi32>,
        %eq3A_718 = arith.cmpi eq, %get3A_668, %gather3A_717 : vector<16xi32>
        %or3A_719 = arith.ori %or3A_713, %eq3A_718 : vector<16xi1>
        %mul3A_720 = arith.constant 16 : i32
        %mul3A_721 = arith.muli %add3A_664, %mul3A_720 : i32
        %gather3A_722 = tpu.memref_slice %arg5[%mul3A_721] : memref<16384xi32, #tpu.memory_space<vmem>> -> memref<16xi32, #tpu.memory_space<vmem>>
        %gather3A_723 = tpu.vector_load_idx %gather3A_722[%min3A_55] : memref<16xi32, #tpu.memory_space<vmem>>[vector<16xi32>], vector<16xi32>,
        %eq3A_724 = arith.cmpi eq, %get3A_668, %gather3A_723 : vector<16xi32>
        %or3A_725 = arith.ori %or3A_719, %eq3A_724 : vector<16xi1>
        %mul3A_726 = arith.constant 16 : i32
        %mul3A_727 = arith.muli %add3A_664, %mul3A_726 : i32
        %gather3A_728 = tpu.memref_slice %arg5[%mul3A_727] : memref<16384xi32, #tpu.memory_space<vmem>> -> memref<16xi32, #tpu.memory_space<vmem>>
        %gather3A_729 = tpu.vector_load_idx %gather3A_728[%min3A_61] : memref<16xi32, #tpu.memory_space<vmem>>[vector<16xi32>], vector<16xi32>,
        %eq3A_730 = arith.cmpi eq, %get3A_668, %gather3A_729 : vector<16xi32>
        %or3A_731 = arith.ori %or3A_725, %eq3A_730 : vector<16xi1>
        %mul3A_732 = arith.constant 16 : i32
        %mul3A_733 = arith.muli %add3A_664, %mul3A_732 : i32
        %gather3A_734 = tpu.memref_slice %arg5[%mul3A_733] : memref<16384xi32, #tpu.memory_space<vmem>> -> memref<16xi32, #tpu.memory_space<vmem>>
        %gather3A_735 = tpu.vector_load_idx %gather3A_734[%min3A_67] : memref<16xi32, #tpu.memory_space<vmem>>[vector<16xi32>], vector<16xi32>,
        %eq3A_736 = arith.cmpi eq, %get3A_668, %gather3A_735 : vector<16xi32>
        %or3A_737 = arith.ori %or3A_731, %eq3A_736 : vector<16xi1>
        %mul3A_738 = arith.constant 16 : i32
        %mul3A_739 = arith.muli %add3A_664, %mul3A_738 : i32
        %gather3A_740 = tpu.memref_slice %arg5[%mul3A_739] : memref<16384xi32, #tpu.memory_space<vmem>> -> memref<16xi32, #tpu.memory_space<vmem>>
        %gather3A_741 = tpu.vector_load_idx %gather3A_740[%min3A_73] : memref<16xi32, #tpu.memory_space<vmem>>[vector<16xi32>], vector<16xi32>,
        %eq3A_742 = arith.cmpi eq, %get3A_668, %gather3A_741 : vector<16xi32>
        %or3A_743 = arith.ori %or3A_737, %eq3A_742 : vector<16xi1>
        %mul3A_744 = arith.constant 16 : i32
        %mul3A_745 = arith.muli %add3A_664, %mul3A_744 : i32
        %gather3A_746 = tpu.memref_slice %arg5[%mul3A_745] : memref<16384xi32, #tpu.memory_space<vmem>> -> memref<16xi32, #tpu.memory_space<vmem>>
        %gather3A_747 = tpu.vector_load_idx %gather3A_746[%min3A_79] : memref<16xi32, #tpu.memory_space<vmem>>[vector<16xi32>], vector<16xi32>,
        %eq3A_748 = arith.cmpi eq, %get3A_668, %gather3A_747 : vector<16xi32>
        %or3A_749 = arith.ori %or3A_743, %eq3A_748 : vector<16xi1>
        %mul3A_750 = arith.constant 16 : i32
        %mul3A_751 = arith.muli %add3A_664, %mul3A_750 : i32
        %gather3A_752 = tpu.memref_slice %arg5[%mul3A_751] : memref<16384xi32, #tpu.memory_space<vmem>> -> memref<16xi32, #tpu.memory_space<vmem>>
        %gather3A_753 = tpu.vector_load_idx %gather3A_752[%min3A_85] : memref<16xi32, #tpu.memory_space<vmem>>[vector<16xi32>], vector<16xi32>,
        %eq3A_754 = arith.cmpi eq, %get3A_668, %gather3A_753 : vector<16xi32>
        %or3A_755 = arith.ori %or3A_749, %eq3A_754 : vector<16xi1>
        %mul3A_756 = arith.constant 16 : i32
        %mul3A_757 = arith.muli %add3A_664, %mul3A_756 : i32
        %gather3A_758 = tpu.memref_slice %arg5[%mul3A_757] : memref<16384xi32, #tpu.memory_space<vmem>> -> memref<16xi32, #tpu.memory_space<vmem>>
        %gather3A_759 = tpu.vector_load_idx %gather3A_758[%min3A_91] : memref<16xi32, #tpu.memory_space<vmem>>[vector<16xi32>], vector<16xi32>,
        %eq3A_760 = arith.cmpi eq, %get3A_668, %gather3A_759 : vector<16xi32>
        %or3A_761 = arith.ori %or3A_755, %eq3A_760 : vector<16xi1>
        %not3A_762 = arith.constant dense<true> : vector<16xi1>
        %not3A_763 = arith.xori %or3A_761, %not3A_762 : vector<16xi1>
        %eq3A_764 = arith.constant 15 : i32
        %eq3A_765 = vector.broadcast %eq3A_764 : i32 to vector<16xi32>
        %eq3A_766 = arith.cmpi eq, %iota3A, %eq3A_765 : vector<16xi32>
        %or3A_767 = arith.ori %not3A_763, %eq3A_766 : vector<16xi1>
        %mul3A_768 = arith.constant 16 : i32
        %mul3A_769 = arith.muli %add3A_664, %mul3A_768 : i32
        %add3A_770 = vector.broadcast %mul3A_769 : i32 to vector<16xi32>
        %add3A_771 = arith.addi %iota3A, %add3A_770 : vector<16xi32>
        tpu.vector_store_idx %arg4[%get3A_668], %add3A_771 masked %or3A_767 : memref<100000xi32, #tpu.memory_space<vmem>>[vector<16xi32>], vector<16xi32>, vector<16xi1>
        %scan3A_772 = arith.constant 6 : i32
        %scan3A_773 = arith.addi %scan3A_101, %scan3A_772 : i32
        %mul3A_774 = arith.constant 1 : i32
        %mul3A_775 = arith.muli %scan3A_773, %mul3A_774 : i32
        %add3A_776 = arith.constant 0 : i32
        %add3A_777 = arith.addi %add3A_776, %mul3A_775 : i32
        %mul3A_778 = arith.constant 16 : i32
        %mul3A_779 = arith.muli %add3A_777, %mul3A_778 : i32
        %get3A_780 = arith.index_cast %mul3A_779 : i32 to index
        %get3A_781 = tpu.vector_load %arg5[%get3A_780] {strides = array<i32>} : memref<16384xi32, #tpu.memory_space<vmem>>, vector<16xi32>,
        %lt3A_782 = arith.constant 0 : i32
        %lt3A_783 = vector.broadcast %lt3A_782 : i32 to vector<16xi32>
        %lt3A_784 = arith.cmpi slt, %iota3A, %lt3A_783 : vector<16xi32>
        %mul3A_785 = arith.constant 16 : i32
        %mul3A_786 = arith.muli %add3A_777, %mul3A_785 : i32
        %gather3A_787 = tpu.memref_slice %arg5[%mul3A_786] : memref<16384xi32, #tpu.memory_space<vmem>> -> memref<16xi32, #tpu.memory_space<vmem>>
        %gather3A_788 = tpu.vector_load_idx %gather3A_787[%min3A_7] : memref<16xi32, #tpu.memory_space<vmem>>[vector<16xi32>], vector<16xi32>,
        %eq3A_789 = arith.cmpi eq, %get3A_781, %gather3A_788 : vector<16xi32>
        %or3A_790 = arith.ori %lt3A_784, %eq3A_789 : vector<16xi1>
        %mul3A_791 = arith.constant 16 : i32
        %mul3A_792 = arith.muli %add3A_777, %mul3A_791 : i32
        %gather3A_793 = tpu.memref_slice %arg5[%mul3A_792] : memref<16384xi32, #tpu.memory_space<vmem>> -> memref<16xi32, #tpu.memory_space<vmem>>
        %gather3A_794 = tpu.vector_load_idx %gather3A_793[%min3A_13] : memref<16xi32, #tpu.memory_space<vmem>>[vector<16xi32>], vector<16xi32>,
        %eq3A_795 = arith.cmpi eq, %get3A_781, %gather3A_794 : vector<16xi32>
        %or3A_796 = arith.ori %or3A_790, %eq3A_795 : vector<16xi1>
        %mul3A_797 = arith.constant 16 : i32
        %mul3A_798 = arith.muli %add3A_777, %mul3A_797 : i32
        %gather3A_799 = tpu.memref_slice %arg5[%mul3A_798] : memref<16384xi32, #tpu.memory_space<vmem>> -> memref<16xi32, #tpu.memory_space<vmem>>
        %gather3A_800 = tpu.vector_load_idx %gather3A_799[%min3A_19] : memref<16xi32, #tpu.memory_space<vmem>>[vector<16xi32>], vector<16xi32>,
        %eq3A_801 = arith.cmpi eq, %get3A_781, %gather3A_800 : vector<16xi32>
        %or3A_802 = arith.ori %or3A_796, %eq3A_801 : vector<16xi1>
        %mul3A_803 = arith.constant 16 : i32
        %mul3A_804 = arith.muli %add3A_777, %mul3A_803 : i32
        %gather3A_805 = tpu.memref_slice %arg5[%mul3A_804] : memref<16384xi32, #tpu.memory_space<vmem>> -> memref<16xi32, #tpu.memory_space<vmem>>
        %gather3A_806 = tpu.vector_load_idx %gather3A_805[%min3A_25] : memref<16xi32, #tpu.memory_space<vmem>>[vector<16xi32>], vector<16xi32>,
        %eq3A_807 = arith.cmpi eq, %get3A_781, %gather3A_806 : vector<16xi32>
        %or3A_808 = arith.ori %or3A_802, %eq3A_807 : vector<16xi1>
        %mul3A_809 = arith.constant 16 : i32
        %mul3A_810 = arith.muli %add3A_777, %mul3A_809 : i32
        %gather3A_811 = tpu.memref_slice %arg5[%mul3A_810] : memref<16384xi32, #tpu.memory_space<vmem>> -> memref<16xi32, #tpu.memory_space<vmem>>
        %gather3A_812 = tpu.vector_load_idx %gather3A_811[%min3A_31] : memref<16xi32, #tpu.memory_space<vmem>>[vector<16xi32>], vector<16xi32>,
        %eq3A_813 = arith.cmpi eq, %get3A_781, %gather3A_812 : vector<16xi32>
        %or3A_814 = arith.ori %or3A_808, %eq3A_813 : vector<16xi1>
        %mul3A_815 = arith.constant 16 : i32
        %mul3A_816 = arith.muli %add3A_777, %mul3A_815 : i32
        %gather3A_817 = tpu.memref_slice %arg5[%mul3A_816] : memref<16384xi32, #tpu.memory_space<vmem>> -> memref<16xi32, #tpu.memory_space<vmem>>
        %gather3A_818 = tpu.vector_load_idx %gather3A_817[%min3A_37] : memref<16xi32, #tpu.memory_space<vmem>>[vector<16xi32>], vector<16xi32>,
        %eq3A_819 = arith.cmpi eq, %get3A_781, %gather3A_818 : vector<16xi32>
        %or3A_820 = arith.ori %or3A_814, %eq3A_819 : vector<16xi1>
        %mul3A_821 = arith.constant 16 : i32
        %mul3A_822 = arith.muli %add3A_777, %mul3A_821 : i32
        %gather3A_823 = tpu.memref_slice %arg5[%mul3A_822] : memref<16384xi32, #tpu.memory_space<vmem>> -> memref<16xi32, #tpu.memory_space<vmem>>
        %gather3A_824 = tpu.vector_load_idx %gather3A_823[%min3A_43] : memref<16xi32, #tpu.memory_space<vmem>>[vector<16xi32>], vector<16xi32>,
        %eq3A_825 = arith.cmpi eq, %get3A_781, %gather3A_824 : vector<16xi32>
        %or3A_826 = arith.ori %or3A_820, %eq3A_825 : vector<16xi1>
        %mul3A_827 = arith.constant 16 : i32
        %mul3A_828 = arith.muli %add3A_777, %mul3A_827 : i32
        %gather3A_829 = tpu.memref_slice %arg5[%mul3A_828] : memref<16384xi32, #tpu.memory_space<vmem>> -> memref<16xi32, #tpu.memory_space<vmem>>
        %gather3A_830 = tpu.vector_load_idx %gather3A_829[%min3A_49] : memref<16xi32, #tpu.memory_space<vmem>>[vector<16xi32>], vector<16xi32>,
        %eq3A_831 = arith.cmpi eq, %get3A_781, %gather3A_830 : vector<16xi32>
        %or3A_832 = arith.ori %or3A_826, %eq3A_831 : vector<16xi1>
        %mul3A_833 = arith.constant 16 : i32
        %mul3A_834 = arith.muli %add3A_777, %mul3A_833 : i32
        %gather3A_835 = tpu.memref_slice %arg5[%mul3A_834] : memref<16384xi32, #tpu.memory_space<vmem>> -> memref<16xi32, #tpu.memory_space<vmem>>
        %gather3A_836 = tpu.vector_load_idx %gather3A_835[%min3A_55] : memref<16xi32, #tpu.memory_space<vmem>>[vector<16xi32>], vector<16xi32>,
        %eq3A_837 = arith.cmpi eq, %get3A_781, %gather3A_836 : vector<16xi32>
        %or3A_838 = arith.ori %or3A_832, %eq3A_837 : vector<16xi1>
        %mul3A_839 = arith.constant 16 : i32
        %mul3A_840 = arith.muli %add3A_777, %mul3A_839 : i32
        %gather3A_841 = tpu.memref_slice %arg5[%mul3A_840] : memref<16384xi32, #tpu.memory_space<vmem>> -> memref<16xi32, #tpu.memory_space<vmem>>
        %gather3A_842 = tpu.vector_load_idx %gather3A_841[%min3A_61] : memref<16xi32, #tpu.memory_space<vmem>>[vector<16xi32>], vector<16xi32>,
        %eq3A_843 = arith.cmpi eq, %get3A_781, %gather3A_842 : vector<16xi32>
        %or3A_844 = arith.ori %or3A_838, %eq3A_843 : vector<16xi1>
        %mul3A_845 = arith.constant 16 : i32
        %mul3A_846 = arith.muli %add3A_777, %mul3A_845 : i32
        %gather3A_847 = tpu.memref_slice %arg5[%mul3A_846] : memref<16384xi32, #tpu.memory_space<vmem>> -> memref<16xi32, #tpu.memory_space<vmem>>
        %gather3A_848 = tpu.vector_load_idx %gather3A_847[%min3A_67] : memref<16xi32, #tpu.memory_space<vmem>>[vector<16xi32>], vector<16xi32>,
        %eq3A_849 = arith.cmpi eq, %get3A_781, %gather3A_848 : vector<16xi32>
        %or3A_850 = arith.ori %or3A_844, %eq3A_849 : vector<16xi1>
        %mul3A_851 = arith.constant 16 : i32
        %mul3A_852 = arith.muli %add3A_777, %mul3A_851 : i32
        %gather3A_853 = tpu.memref_slice %arg5[%mul3A_852] : memref<16384xi32, #tpu.memory_space<vmem>> -> memref<16xi32, #tpu.memory_space<vmem>>
        %gather3A_854 = tpu.vector_load_idx %gather3A_853[%min3A_73] : memref<16xi32, #tpu.memory_space<vmem>>[vector<16xi32>], vector<16xi32>,
        %eq3A_855 = arith.cmpi eq, %get3A_781, %gather3A_854 : vector<16xi32>
        %or3A_856 = arith.ori %or3A_850, %eq3A_855 : vector<16xi1>
        %mul3A_857 = arith.constant 16 : i32
        %mul3A_858 = arith.muli %add3A_777, %mul3A_857 : i32
        %gather3A_859 = tpu.memref_slice %arg5[%mul3A_858] : memref<16384xi32, #tpu.memory_space<vmem>> -> memref<16xi32, #tpu.memory_space<vmem>>
        %gather3A_860 = tpu.vector_load_idx %gather3A_859[%min3A_79] : memref<16xi32, #tpu.memory_space<vmem>>[vector<16xi32>], vector<16xi32>,
        %eq3A_861 = arith.cmpi eq, %get3A_781, %gather3A_860 : vector<16xi32>
        %or3A_862 = arith.ori %or3A_856, %eq3A_861 : vector<16xi1>
        %mul3A_863 = arith.constant 16 : i32
        %mul3A_864 = arith.muli %add3A_777, %mul3A_863 : i32
        %gather3A_865 = tpu.memref_slice %arg5[%mul3A_864] : memref<16384xi32, #tpu.memory_space<vmem>> -> memref<16xi32, #tpu.memory_space<vmem>>
        %gather3A_866 = tpu.vector_load_idx %gather3A_865[%min3A_85] : memref<16xi32, #tpu.memory_space<vmem>>[vector<16xi32>], vector<16xi32>,
        %eq3A_867 = arith.cmpi eq, %get3A_781, %gather3A_866 : vector<16xi32>
        %or3A_868 = arith.ori %or3A_862, %eq3A_867 : vector<16xi1>
        %mul3A_869 = arith.constant 16 : i32
        %mul3A_870 = arith.muli %add3A_777, %mul3A_869 : i32
        %gather3A_871 = tpu.memref_slice %arg5[%mul3A_870] : memref<16384xi32, #tpu.memory_space<vmem>> -> memref<16xi32, #tpu.memory_space<vmem>>
        %gather3A_872 = tpu.vector_load_idx %gather3A_871[%min3A_91] : memref<16xi32, #tpu.memory_space<vmem>>[vector<16xi32>], vector<16xi32>,
        %eq3A_873 = arith.cmpi eq, %get3A_781, %gather3A_872 : vector<16xi32>
        %or3A_874 = arith.ori %or3A_868, %eq3A_873 : vector<16xi1>
        %not3A_875 = arith.constant dense<true> : vector<16xi1>
        %not3A_876 = arith.xori %or3A_874, %not3A_875 : vector<16xi1>
        %eq3A_877 = arith.constant 15 : i32
        %eq3A_878 = vector.broadcast %eq3A_877 : i32 to vector<16xi32>
        %eq3A_879 = arith.cmpi eq, %iota3A, %eq3A_878 : vector<16xi32>
        %or3A_880 = arith.ori %not3A_876, %eq3A_879 : vector<16xi1>
        %mul3A_881 = arith.constant 16 : i32
        %mul3A_882 = arith.muli %add3A_777, %mul3A_881 : i32
        %add3A_883 = vector.broadcast %mul3A_882 : i32 to vector<16xi32>
        %add3A_884 = arith.addi %iota3A, %add3A_883 : vector<16xi32>
        tpu.vector_store_idx %arg4[%get3A_781], %add3A_884 masked %or3A_880 : memref<100000xi32, #tpu.memory_space<vmem>>[vector<16xi32>], vector<16xi32>, vector<16xi1>
        %scan3A_885 = arith.constant 7 : i32
        %scan3A_886 = arith.addi %scan3A_101, %scan3A_885 : i32
        %mul3A_887 = arith.constant 1 : i32
        %mul3A_888 = arith.muli %scan3A_886, %mul3A_887 : i32
        %add3A_889 = arith.constant 0 : i32
        %add3A_890 = arith.addi %add3A_889, %mul3A_888 : i32
        %mul3A_891 = arith.constant 16 : i32
        %mul3A_892 = arith.muli %add3A_890, %mul3A_891 : i32
        %get3A_893 = arith.index_cast %mul3A_892 : i32 to index
        %get3A_894 = tpu.vector_load %arg5[%get3A_893] {strides = array<i32>} : memref<16384xi32, #tpu.memory_space<vmem>>, vector<16xi32>,
        %lt3A_895 = arith.constant 0 : i32
        %lt3A_896 = vector.broadcast %lt3A_895 : i32 to vector<16xi32>
        %lt3A_897 = arith.cmpi slt, %iota3A, %lt3A_896 : vector<16xi32>
        %mul3A_898 = arith.constant 16 : i32
        %mul3A_899 = arith.muli %add3A_890, %mul3A_898 : i32
        %gather3A_900 = tpu.memref_slice %arg5[%mul3A_899] : memref<16384xi32, #tpu.memory_space<vmem>> -> memref<16xi32, #tpu.memory_space<vmem>>
        %gather3A_901 = tpu.vector_load_idx %gather3A_900[%min3A_7] : memref<16xi32, #tpu.memory_space<vmem>>[vector<16xi32>], vector<16xi32>,
        %eq3A_902 = arith.cmpi eq, %get3A_894, %gather3A_901 : vector<16xi32>
        %or3A_903 = arith.ori %lt3A_897, %eq3A_902 : vector<16xi1>
        %mul3A_904 = arith.constant 16 : i32
        %mul3A_905 = arith.muli %add3A_890, %mul3A_904 : i32
        %gather3A_906 = tpu.memref_slice %arg5[%mul3A_905] : memref<16384xi32, #tpu.memory_space<vmem>> -> memref<16xi32, #tpu.memory_space<vmem>>
        %gather3A_907 = tpu.vector_load_idx %gather3A_906[%min3A_13] : memref<16xi32, #tpu.memory_space<vmem>>[vector<16xi32>], vector<16xi32>,
        %eq3A_908 = arith.cmpi eq, %get3A_894, %gather3A_907 : vector<16xi32>
        %or3A_909 = arith.ori %or3A_903, %eq3A_908 : vector<16xi1>
        %mul3A_910 = arith.constant 16 : i32
        %mul3A_911 = arith.muli %add3A_890, %mul3A_910 : i32
        %gather3A_912 = tpu.memref_slice %arg5[%mul3A_911] : memref<16384xi32, #tpu.memory_space<vmem>> -> memref<16xi32, #tpu.memory_space<vmem>>
        %gather3A_913 = tpu.vector_load_idx %gather3A_912[%min3A_19] : memref<16xi32, #tpu.memory_space<vmem>>[vector<16xi32>], vector<16xi32>,
        %eq3A_914 = arith.cmpi eq, %get3A_894, %gather3A_913 : vector<16xi32>
        %or3A_915 = arith.ori %or3A_909, %eq3A_914 : vector<16xi1>
        %mul3A_916 = arith.constant 16 : i32
        %mul3A_917 = arith.muli %add3A_890, %mul3A_916 : i32
        %gather3A_918 = tpu.memref_slice %arg5[%mul3A_917] : memref<16384xi32, #tpu.memory_space<vmem>> -> memref<16xi32, #tpu.memory_space<vmem>>
        %gather3A_919 = tpu.vector_load_idx %gather3A_918[%min3A_25] : memref<16xi32, #tpu.memory_space<vmem>>[vector<16xi32>], vector<16xi32>,
        %eq3A_920 = arith.cmpi eq, %get3A_894, %gather3A_919 : vector<16xi32>
        %or3A_921 = arith.ori %or3A_915, %eq3A_920 : vector<16xi1>
        %mul3A_922 = arith.constant 16 : i32
        %mul3A_923 = arith.muli %add3A_890, %mul3A_922 : i32
        %gather3A_924 = tpu.memref_slice %arg5[%mul3A_923] : memref<16384xi32, #tpu.memory_space<vmem>> -> memref<16xi32, #tpu.memory_space<vmem>>
        %gather3A_925 = tpu.vector_load_idx %gather3A_924[%min3A_31] : memref<16xi32, #tpu.memory_space<vmem>>[vector<16xi32>], vector<16xi32>,
        %eq3A_926 = arith.cmpi eq, %get3A_894, %gather3A_925 : vector<16xi32>
        %or3A_927 = arith.ori %or3A_921, %eq3A_926 : vector<16xi1>
        %mul3A_928 = arith.constant 16 : i32
        %mul3A_929 = arith.muli %add3A_890, %mul3A_928 : i32
        %gather3A_930 = tpu.memref_slice %arg5[%mul3A_929] : memref<16384xi32, #tpu.memory_space<vmem>> -> memref<16xi32, #tpu.memory_space<vmem>>
        %gather3A_931 = tpu.vector_load_idx %gather3A_930[%min3A_37] : memref<16xi32, #tpu.memory_space<vmem>>[vector<16xi32>], vector<16xi32>,
        %eq3A_932 = arith.cmpi eq, %get3A_894, %gather3A_931 : vector<16xi32>
        %or3A_933 = arith.ori %or3A_927, %eq3A_932 : vector<16xi1>
        %mul3A_934 = arith.constant 16 : i32
        %mul3A_935 = arith.muli %add3A_890, %mul3A_934 : i32
        %gather3A_936 = tpu.memref_slice %arg5[%mul3A_935] : memref<16384xi32, #tpu.memory_space<vmem>> -> memref<16xi32, #tpu.memory_space<vmem>>
        %gather3A_937 = tpu.vector_load_idx %gather3A_936[%min3A_43] : memref<16xi32, #tpu.memory_space<vmem>>[vector<16xi32>], vector<16xi32>,
        %eq3A_938 = arith.cmpi eq, %get3A_894, %gather3A_937 : vector<16xi32>
        %or3A_939 = arith.ori %or3A_933, %eq3A_938 : vector<16xi1>
        %mul3A_940 = arith.constant 16 : i32
        %mul3A_941 = arith.muli %add3A_890, %mul3A_940 : i32
        %gather3A_942 = tpu.memref_slice %arg5[%mul3A_941] : memref<16384xi32, #tpu.memory_space<vmem>> -> memref<16xi32, #tpu.memory_space<vmem>>
        %gather3A_943 = tpu.vector_load_idx %gather3A_942[%min3A_49] : memref<16xi32, #tpu.memory_space<vmem>>[vector<16xi32>], vector<16xi32>,
        %eq3A_944 = arith.cmpi eq, %get3A_894, %gather3A_943 : vector<16xi32>
        %or3A_945 = arith.ori %or3A_939, %eq3A_944 : vector<16xi1>
        %mul3A_946 = arith.constant 16 : i32
        %mul3A_947 = arith.muli %add3A_890, %mul3A_946 : i32
        %gather3A_948 = tpu.memref_slice %arg5[%mul3A_947] : memref<16384xi32, #tpu.memory_space<vmem>> -> memref<16xi32, #tpu.memory_space<vmem>>
        %gather3A_949 = tpu.vector_load_idx %gather3A_948[%min3A_55] : memref<16xi32, #tpu.memory_space<vmem>>[vector<16xi32>], vector<16xi32>,
        %eq3A_950 = arith.cmpi eq, %get3A_894, %gather3A_949 : vector<16xi32>
        %or3A_951 = arith.ori %or3A_945, %eq3A_950 : vector<16xi1>
        %mul3A_952 = arith.constant 16 : i32
        %mul3A_953 = arith.muli %add3A_890, %mul3A_952 : i32
        %gather3A_954 = tpu.memref_slice %arg5[%mul3A_953] : memref<16384xi32, #tpu.memory_space<vmem>> -> memref<16xi32, #tpu.memory_space<vmem>>
        %gather3A_955 = tpu.vector_load_idx %gather3A_954[%min3A_61] : memref<16xi32, #tpu.memory_space<vmem>>[vector<16xi32>], vector<16xi32>,
        %eq3A_956 = arith.cmpi eq, %get3A_894, %gather3A_955 : vector<16xi32>
        %or3A_957 = arith.ori %or3A_951, %eq3A_956 : vector<16xi1>
        %mul3A_958 = arith.constant 16 : i32
        %mul3A_959 = arith.muli %add3A_890, %mul3A_958 : i32
        %gather3A_960 = tpu.memref_slice %arg5[%mul3A_959] : memref<16384xi32, #tpu.memory_space<vmem>> -> memref<16xi32, #tpu.memory_space<vmem>>
        %gather3A_961 = tpu.vector_load_idx %gather3A_960[%min3A_67] : memref<16xi32, #tpu.memory_space<vmem>>[vector<16xi32>], vector<16xi32>,
        %eq3A_962 = arith.cmpi eq, %get3A_894, %gather3A_961 : vector<16xi32>
        %or3A_963 = arith.ori %or3A_957, %eq3A_962 : vector<16xi1>
        %mul3A_964 = arith.constant 16 : i32
        %mul3A_965 = arith.muli %add3A_890, %mul3A_964 : i32
        %gather3A_966 = tpu.memref_slice %arg5[%mul3A_965] : memref<16384xi32, #tpu.memory_space<vmem>> -> memref<16xi32, #tpu.memory_space<vmem>>
        %gather3A_967 = tpu.vector_load_idx %gather3A_966[%min3A_73] : memref<16xi32, #tpu.memory_space<vmem>>[vector<16xi32>], vector<16xi32>,
        %eq3A_968 = arith.cmpi eq, %get3A_894, %gather3A_967 : vector<16xi32>
        %or3A_969 = arith.ori %or3A_963, %eq3A_968 : vector<16xi1>
        %mul3A_970 = arith.constant 16 : i32
        %mul3A_971 = arith.muli %add3A_890, %mul3A_970 : i32
        %gather3A_972 = tpu.memref_slice %arg5[%mul3A_971] : memref<16384xi32, #tpu.memory_space<vmem>> -> memref<16xi32, #tpu.memory_space<vmem>>
        %gather3A_973 = tpu.vector_load_idx %gather3A_972[%min3A_79] : memref<16xi32, #tpu.memory_space<vmem>>[vector<16xi32>], vector<16xi32>,
        %eq3A_974 = arith.cmpi eq, %get3A_894, %gather3A_973 : vector<16xi32>
        %or3A_975 = arith.ori %or3A_969, %eq3A_974 : vector<16xi1>
        %mul3A_976 = arith.constant 16 : i32
        %mul3A_977 = arith.muli %add3A_890, %mul3A_976 : i32
        %gather3A_978 = tpu.memref_slice %arg5[%mul3A_977] : memref<16384xi32, #tpu.memory_space<vmem>> -> memref<16xi32, #tpu.memory_space<vmem>>
        %gather3A_979 = tpu.vector_load_idx %gather3A_978[%min3A_85] : memref<16xi32, #tpu.memory_space<vmem>>[vector<16xi32>], vector<16xi32>,
        %eq3A_980 = arith.cmpi eq, %get3A_894, %gather3A_979 : vector<16xi32>
        %or3A_981 = arith.ori %or3A_975, %eq3A_980 : vector<16xi1>
        %mul3A_982 = arith.constant 16 : i32
        %mul3A_983 = arith.muli %add3A_890, %mul3A_982 : i32
        %gather3A_984 = tpu.memref_slice %arg5[%mul3A_983] : memref<16384xi32, #tpu.memory_space<vmem>> -> memref<16xi32, #tpu.memory_space<vmem>>
        %gather3A_985 = tpu.vector_load_idx %gather3A_984[%min3A_91] : memref<16xi32, #tpu.memory_space<vmem>>[vector<16xi32>], vector<16xi32>,
        %eq3A_986 = arith.cmpi eq, %get3A_894, %gather3A_985 : vector<16xi32>
        %or3A_987 = arith.ori %or3A_981, %eq3A_986 : vector<16xi1>
        %not3A_988 = arith.constant dense<true> : vector<16xi1>
        %not3A_989 = arith.xori %or3A_987, %not3A_988 : vector<16xi1>
        %eq3A_990 = arith.constant 15 : i32
        %eq3A_991 = vector.broadcast %eq3A_990 : i32 to vector<16xi32>
        %eq3A_992 = arith.cmpi eq, %iota3A, %eq3A_991 : vector<16xi32>
        %or3A_993 = arith.ori %not3A_989, %eq3A_992 : vector<16xi1>
        %mul3A_994 = arith.constant 16 : i32
        %mul3A_995 = arith.muli %add3A_890, %mul3A_994 : i32
        %add3A_996 = vector.broadcast %mul3A_995 : i32 to vector<16xi32>
        %add3A_997 = arith.addi %iota3A, %add3A_996 : vector<16xi32>
        tpu.vector_store_idx %arg4[%get3A_894], %add3A_997 masked %or3A_993 : memref<100000xi32, #tpu.memory_space<vmem>>[vector<16xi32>], vector<16xi32>, vector<16xi1>
      }
      %scan3A_95 = arith.constant 1024 : i32
      %scan3A_96 = arith.constant 0 : i32
      %scan3A_97 = arith.constant 1024 : i32
      %scan3A_98 = arith.addi %scan3A_96, %scan3A_97 : i32
      %scan3A_99 = arith.constant 8 : i32
      scf.for %scan3A_101 = %scan3A_96 to %scan3A_98 step %scan3A_99  : i32 {
        %mul3A = arith.constant 1 : i32
        %mul3A_102 = arith.muli %scan3A_101, %mul3A : i32
        %add3A_103 = arith.constant 0 : i32
        %add3A_104 = arith.addi %add3A_103, %mul3A_102 : i32
        %mul3A_105 = arith.constant 16 : i32
        %mul3A_106 = arith.muli %add3A_104, %mul3A_105 : i32
        %get3A = arith.index_cast %mul3A_106 : i32 to index
        %get3A_107 = tpu.vector_load %arg5[%get3A] {strides = array<i32>} : memref<16384xi32, #tpu.memory_space<vmem>>, vector<16xi32>,
        %gather3A = tpu.vector_load_idx %arg4[%get3A_107] : memref<100000xi32, #tpu.memory_space<vmem>>[vector<16xi32>], vector<16xi32>,
        %mul3A_108 = arith.constant 16 : i32
        %mul3A_109 = arith.muli %add3A_104, %mul3A_108 : i32
        %swap3A = arith.index_cast %mul3A_109 : i32 to index
        %swap3A_110 = tpu.vector_load %arg5[%swap3A] {strides = array<i32>} : memref<16384xi32, #tpu.memory_space<vmem>>, vector<16xi32>,
        tpu.vector_store %arg5[%swap3A], %gather3A {strides = array<i32>} : memref<16384xi32, #tpu.memory_space<vmem>>, vector<16xi32>,
        %scan3A_111 = arith.constant 1 : i32
        %scan3A_112 = arith.addi %scan3A_101, %scan3A_111 : i32
        %mul3A_113 = arith.constant 1 : i32
        %mul3A_114 = arith.muli %scan3A_112, %mul3A_113 : i32
        %add3A_115 = arith.constant 0 : i32
        %add3A_116 = arith.addi %add3A_115, %mul3A_114 : i32
        %mul3A_117 = arith.constant 16 : i32
        %mul3A_118 = arith.muli %add3A_116, %mul3A_117 : i32
        %get3A_119 = arith.index_cast %mul3A_118 : i32 to index
        %get3A_120 = tpu.vector_load %arg5[%get3A_119] {strides = array<i32>} : memref<16384xi32, #tpu.memory_space<vmem>>, vector<16xi32>,
        %gather3A_121 = tpu.vector_load_idx %arg4[%get3A_120] : memref<100000xi32, #tpu.memory_space<vmem>>[vector<16xi32>], vector<16xi32>,
        %mul3A_122 = arith.constant 16 : i32
        %mul3A_123 = arith.muli %add3A_116, %mul3A_122 : i32
        %swap3A_124 = arith.index_cast %mul3A_123 : i32 to index
        %swap3A_125 = tpu.vector_load %arg5[%swap3A_124] {strides = array<i32>} : memref<16384xi32, #tpu.memory_space<vmem>>, vector<16xi32>,
        tpu.vector_store %arg5[%swap3A_124], %gather3A_121 {strides = array<i32>} : memref<16384xi32, #tpu.memory_space<vmem>>, vector<16xi32>,
        %scan3A_126 = arith.constant 2 : i32
        %scan3A_127 = arith.addi %scan3A_101, %scan3A_126 : i32
        %mul3A_128 = arith.constant 1 : i32
        %mul3A_129 = arith.muli %scan3A_127, %mul3A_128 : i32
        %add3A_130 = arith.constant 0 : i32
        %add3A_131 = arith.addi %add3A_130, %mul3A_129 : i32
        %mul3A_132 = arith.constant 16 : i32
        %mul3A_133 = arith.muli %add3A_131, %mul3A_132 : i32
        %get3A_134 = arith.index_cast %mul3A_133 : i32 to index
        %get3A_135 = tpu.vector_load %arg5[%get3A_134] {strides = array<i32>} : memref<16384xi32, #tpu.memory_space<vmem>>, vector<16xi32>,
        %gather3A_136 = tpu.vector_load_idx %arg4[%get3A_135] : memref<100000xi32, #tpu.memory_space<vmem>>[vector<16xi32>], vector<16xi32>,
        %mul3A_137 = arith.constant 16 : i32
        %mul3A_138 = arith.muli %add3A_131, %mul3A_137 : i32
        %swap3A_139 = arith.index_cast %mul3A_138 : i32 to index
        %swap3A_140 = tpu.vector_load %arg5[%swap3A_139] {strides = array<i32>} : memref<16384xi32, #tpu.memory_space<vmem>>, vector<16xi32>,
        tpu.vector_store %arg5[%swap3A_139], %gather3A_136 {strides = array<i32>} : memref<16384xi32, #tpu.memory_space<vmem>>, vector<16xi32>,
        %scan3A_141 = arith.constant 3 : i32
        %scan3A_142 = arith.addi %scan3A_101, %scan3A_141 : i32
        %mul3A_143 = arith.constant 1 : i32
        %mul3A_144 = arith.muli %scan3A_142, %mul3A_143 : i32
        %add3A_145 = arith.constant 0 : i32
        %add3A_146 = arith.addi %add3A_145, %mul3A_144 : i32
        %mul3A_147 = arith.constant 16 : i32
        %mul3A_148 = arith.muli %add3A_146, %mul3A_147 : i32
        %get3A_149 = arith.index_cast %mul3A_148 : i32 to index
        %get3A_150 = tpu.vector_load %arg5[%get3A_149] {strides = array<i32>} : memref<16384xi32, #tpu.memory_space<vmem>>, vector<16xi32>,
        %gather3A_151 = tpu.vector_load_idx %arg4[%get3A_150] : memref<100000xi32, #tpu.memory_space<vmem>>[vector<16xi32>], vector<16xi32>,
        %mul3A_152 = arith.constant 16 : i32
        %mul3A_153 = arith.muli %add3A_146, %mul3A_152 : i32
        %swap3A_154 = arith.index_cast %mul3A_153 : i32 to index
        %swap3A_155 = tpu.vector_load %arg5[%swap3A_154] {strides = array<i32>} : memref<16384xi32, #tpu.memory_space<vmem>>, vector<16xi32>,
        tpu.vector_store %arg5[%swap3A_154], %gather3A_151 {strides = array<i32>} : memref<16384xi32, #tpu.memory_space<vmem>>, vector<16xi32>,
        %scan3A_156 = arith.constant 4 : i32
        %scan3A_157 = arith.addi %scan3A_101, %scan3A_156 : i32
        %mul3A_158 = arith.constant 1 : i32
        %mul3A_159 = arith.muli %scan3A_157, %mul3A_158 : i32
        %add3A_160 = arith.constant 0 : i32
        %add3A_161 = arith.addi %add3A_160, %mul3A_159 : i32
        %mul3A_162 = arith.constant 16 : i32
        %mul3A_163 = arith.muli %add3A_161, %mul3A_162 : i32
        %get3A_164 = arith.index_cast %mul3A_163 : i32 to index
        %get3A_165 = tpu.vector_load %arg5[%get3A_164] {strides = array<i32>} : memref<16384xi32, #tpu.memory_space<vmem>>, vector<16xi32>,
        %gather3A_166 = tpu.vector_load_idx %arg4[%get3A_165] : memref<100000xi32, #tpu.memory_space<vmem>>[vector<16xi32>], vector<16xi32>,
        %mul3A_167 = arith.constant 16 : i32
        %mul3A_168 = arith.muli %add3A_161, %mul3A_167 : i32
        %swap3A_169 = arith.index_cast %mul3A_168 : i32 to index
        %swap3A_170 = tpu.vector_load %arg5[%swap3A_169] {strides = array<i32>} : memref<16384xi32, #tpu.memory_space<vmem>>, vector<16xi32>,
        tpu.vector_store %arg5[%swap3A_169], %gather3A_166 {strides = array<i32>} : memref<16384xi32, #tpu.memory_space<vmem>>, vector<16xi32>,
        %scan3A_171 = arith.constant 5 : i32
        %scan3A_172 = arith.addi %scan3A_101, %scan3A_171 : i32
        %mul3A_173 = arith.constant 1 : i32
        %mul3A_174 = arith.muli %scan3A_172, %mul3A_173 : i32
        %add3A_175 = arith.constant 0 : i32
        %add3A_176 = arith.addi %add3A_175, %mul3A_174 : i32
        %mul3A_177 = arith.constant 16 : i32
        %mul3A_178 = arith.muli %add3A_176, %mul3A_177 : i32
        %get3A_179 = arith.index_cast %mul3A_178 : i32 to index
        %get3A_180 = tpu.vector_load %arg5[%get3A_179] {strides = array<i32>} : memref<16384xi32, #tpu.memory_space<vmem>>, vector<16xi32>,
        %gather3A_181 = tpu.vector_load_idx %arg4[%get3A_180] : memref<100000xi32, #tpu.memory_space<vmem>>[vector<16xi32>], vector<16xi32>,
        %mul3A_182 = arith.constant 16 : i32
        %mul3A_183 = arith.muli %add3A_176, %mul3A_182 : i32
        %swap3A_184 = arith.index_cast %mul3A_183 : i32 to index
        %swap3A_185 = tpu.vector_load %arg5[%swap3A_184] {strides = array<i32>} : memref<16384xi32, #tpu.memory_space<vmem>>, vector<16xi32>,
        tpu.vector_store %arg5[%swap3A_184], %gather3A_181 {strides = array<i32>} : memref<16384xi32, #tpu.memory_space<vmem>>, vector<16xi32>,
        %scan3A_186 = arith.constant 6 : i32
        %scan3A_187 = arith.addi %scan3A_101, %scan3A_186 : i32
        %mul3A_188 = arith.constant 1 : i32
        %mul3A_189 = arith.muli %scan3A_187, %mul3A_188 : i32
        %add3A_190 = arith.constant 0 : i32
        %add3A_191 = arith.addi %add3A_190, %mul3A_189 : i32
        %mul3A_192 = arith.constant 16 : i32
        %mul3A_193 = arith.muli %add3A_191, %mul3A_192 : i32
        %get3A_194 = arith.index_cast %mul3A_193 : i32 to index
        %get3A_195 = tpu.vector_load %arg5[%get3A_194] {strides = array<i32>} : memref<16384xi32, #tpu.memory_space<vmem>>, vector<16xi32>,
        %gather3A_196 = tpu.vector_load_idx %arg4[%get3A_195] : memref<100000xi32, #tpu.memory_space<vmem>>[vector<16xi32>], vector<16xi32>,
        %mul3A_197 = arith.constant 16 : i32
        %mul3A_198 = arith.muli %add3A_191, %mul3A_197 : i32
        %swap3A_199 = arith.index_cast %mul3A_198 : i32 to index
        %swap3A_200 = tpu.vector_load %arg5[%swap3A_199] {strides = array<i32>} : memref<16384xi32, #tpu.memory_space<vmem>>, vector<16xi32>,
        tpu.vector_store %arg5[%swap3A_199], %gather3A_196 {strides = array<i32>} : memref<16384xi32, #tpu.memory_space<vmem>>, vector<16xi32>,
        %scan3A_201 = arith.constant 7 : i32
        %scan3A_202 = arith.addi %scan3A_101, %scan3A_201 : i32
        %mul3A_203 = arith.constant 1 : i32
        %mul3A_204 = arith.muli %scan3A_202, %mul3A_203 : i32
        %add3A_205 = arith.constant 0 : i32
        %add3A_206 = arith.addi %add3A_205, %mul3A_204 : i32
        %mul3A_207 = arith.constant 16 : i32
        %mul3A_208 = arith.muli %add3A_206, %mul3A_207 : i32
        %get3A_209 = arith.index_cast %mul3A_208 : i32 to index
        %get3A_210 = tpu.vector_load %arg5[%get3A_209] {strides = array<i32>} : memref<16384xi32, #tpu.memory_space<vmem>>, vector<16xi32>,
        %gather3A_211 = tpu.vector_load_idx %arg4[%get3A_210] : memref<100000xi32, #tpu.memory_space<vmem>>[vector<16xi32>], vector<16xi32>,
        %mul3A_212 = arith.constant 16 : i32
        %mul3A_213 = arith.muli %add3A_206, %mul3A_212 : i32
        %swap3A_214 = arith.index_cast %mul3A_213 : i32 to index
        %swap3A_215 = tpu.vector_load %arg5[%swap3A_214] {strides = array<i32>} : memref<16384xi32, #tpu.memory_space<vmem>>, vector<16xi32>,
        tpu.vector_store %arg5[%swap3A_214], %gather3A_211 {strides = array<i32>} : memref<16384xi32, #tpu.memory_space<vmem>>, vector<16xi32>,
      }
      %scan3A_100 = arith.constant 1024 : i32
      "tpu.region"() ({
        %run_scoped3A = tpu.sem_alloc : memref<!tpu.dma_semaphore, #tpu.memory_space<semaphore_mem>>
        tpu.enqueue_dma source(%arg5 : memref<16384xi32, #tpu.memory_space<vmem>>) target(%arg3 : memref<16384xi32, #tpu.memory_space<hbm>>) target_semaphore(%run_scoped3A : memref<!tpu.dma_semaphore, #tpu.memory_space<semaphore_mem>>)
        tpu.wait_dma2 semaphore(%run_scoped3A : memref<!tpu.dma_semaphore, #tpu.memory_space<semaphore_mem>>) src(%arg5 : memref<16384xi32, #tpu.memory_space<vmem>>) dst(%arg3 : memref<16384xi32, #tpu.memory_space<hbm>>)
        tpu.yield
      }) : () -> ()
    } else {
    }
    return
  }
}

module attributes {stable_mosaic.version = 14 : i64} {
  func.func @_gru_body(%arg0: i32, %arg1: memref<2048x256xf32, #tpu.memory_space<vmem>>, %arg2: memref<2048x128xf32, #tpu.memory_space<vmem>>, %arg3: memref<384x256xf32, #tpu.memory_space<vmem>>, %arg4: memref<384x128xf32, #tpu.memory_space<vmem>>, %arg5: memref<1x384xf32, #tpu.memory_space<vmem>>, %arg6: memref<1x384xf32, #tpu.memory_space<vmem>>, %arg7: memref<2048x128xf32, #tpu.memory_space<vmem>>) attributes {dimension_semantics = [#tpu.dimension_semantics<arbitrary>], iteration_bounds = array<i64: 8>, scalar_prefetch = 0 : i64, scratch_operands = 0 : i64, tpu.core_type = #tpu.core_type<tc>, window_params = [{transform_indices = @transform_0, window_bounds = array<i64: 2048, 256>}, {transform_indices = @transform_1, window_bounds = array<i64: 2048, 128>}, {pipeline_mode = #tpu.pipeline_mode<synchronous>, transform_indices = @transform_2, window_bounds = array<i64: 384, 256>}, {pipeline_mode = #tpu.pipeline_mode<synchronous>, transform_indices = @transform_3, window_bounds = array<i64: 384, 128>}, {pipeline_mode = #tpu.pipeline_mode<synchronous>, transform_indices = @transform_4, window_bounds = array<i64: 1, 384>}, {pipeline_mode = #tpu.pipeline_mode<synchronous>, transform_indices = @transform_5, window_bounds = array<i64: 1, 384>}, {transform_indices = @transform_6, window_bounds = array<i64: 2048, 128>}]} {
    %get3A = arith.constant 0 : index
    %get3A_0 = arith.constant 0 : index
    %get3A_1 = vector.load %arg1[%get3A, %get3A_0] : memref<2048x256xf32, #tpu.memory_space<vmem>>, vector<2048x256xf32>
    %get3A_2 = arith.constant 0 : index
    %get3A_3 = arith.constant 0 : index
    %get3A_4 = vector.load %arg2[%get3A_2, %get3A_3] : memref<2048x128xf32, #tpu.memory_space<vmem>>, vector<2048x128xf32>
    %get3A_5 = arith.constant 0 : index
    %get3A_6 = arith.constant 0 : index
    %get3A_7 = vector.load %arg3[%get3A_5, %get3A_6] : memref<384x256xf32, #tpu.memory_space<vmem>>, vector<384x256xf32>
    %dot_general3A = arith.constant dense<0.000000e+00> : vector<2048x384xf32>
    %dot_general3A_8 = tpu.matmul %get3A_1, %get3A_7, %dot_general3A {dimension_numbers = #tpu.dot_dimension_numbers<[1], [1], [0], [0], [0, 0, 1, 0], [], []>, transpose_lhs_hint = false} : vector<2048x256xf32>, vector<384x256xf32>, vector<2048x384xf32> -> vector<2048x384xf32>
    %get3A_9 = arith.constant 0 : index
    %get3A_10 = arith.constant 0 : index
    %get3A_11 = vector.load %arg5[%get3A_9, %get3A_10] : memref<1x384xf32, #tpu.memory_space<vmem>>, vector<1x384xf32>
    %add3A = vector.broadcast %get3A_11 : vector<1x384xf32> to vector<2048x384xf32>
    %add3A_12 = arith.addf %dot_general3A_8, %add3A : vector<2048x384xf32>
    %get3A_13 = arith.constant 0 : index
    %get3A_14 = arith.constant 0 : index
    %get3A_15 = vector.load %arg4[%get3A_13, %get3A_14] : memref<384x128xf32, #tpu.memory_space<vmem>>, vector<384x128xf32>
    %dot_general3A_16 = arith.constant dense<0.000000e+00> : vector<2048x384xf32>
    %dot_general3A_17 = tpu.matmul %get3A_4, %get3A_15, %dot_general3A_16 {dimension_numbers = #tpu.dot_dimension_numbers<[1], [1], [0], [0], [0, 0, 1, 0], [], []>, transpose_lhs_hint = false} : vector<2048x128xf32>, vector<384x128xf32>, vector<2048x384xf32> -> vector<2048x384xf32>
    %get3A_18 = arith.constant 0 : index
    %get3A_19 = arith.constant 0 : index
    %get3A_20 = vector.load %arg6[%get3A_18, %get3A_19] : memref<1x384xf32, #tpu.memory_space<vmem>>, vector<1x384xf32>
    %add3A_21 = vector.broadcast %get3A_20 : vector<1x384xf32> to vector<2048x384xf32>
    %add3A_22 = arith.addf %dot_general3A_17, %add3A_21 : vector<2048x384xf32>
    %slice3A = vector.extract_strided_slice %add3A_12 {offsets = [0, 0], sizes = [2048, 128], strides = [1, 1]} : vector<2048x384xf32> to vector<2048x128xf32>
    %slice3A_23 = vector.extract_strided_slice %add3A_22 {offsets = [0, 0], sizes = [2048, 128], strides = [1, 1]} : vector<2048x384xf32> to vector<2048x128xf32>
    %add3A_24 = arith.addf %slice3A, %slice3A_23 : vector<2048x128xf32>
    %logistic3A = arith.negf %add3A_24 : vector<2048x128xf32>
    %logistic3A_25 = math.exp %logistic3A : vector<2048x128xf32>
    %logistic3A_26 = arith.constant 1.000000e+00 : f32
    %logistic3A_27 = vector.broadcast %logistic3A_26 : f32 to vector<2048x128xf32>
    %logistic3A_28 = arith.addf %logistic3A_27, %logistic3A_25 : vector<2048x128xf32>
    %logistic3A_29 = arith.divf %logistic3A_27, %logistic3A_28 : vector<2048x128xf32>
    %slice3A_30 = vector.extract_strided_slice %add3A_12 {offsets = [0, 128], sizes = [2048, 128], strides = [1, 1]} : vector<2048x384xf32> to vector<2048x128xf32>
    %slice3A_31 = vector.extract_strided_slice %add3A_22 {offsets = [0, 128], sizes = [2048, 128], strides = [1, 1]} : vector<2048x384xf32> to vector<2048x128xf32>
    %add3A_32 = arith.addf %slice3A_30, %slice3A_31 : vector<2048x128xf32>
    %logistic3A_33 = arith.negf %add3A_32 : vector<2048x128xf32>
    %logistic3A_34 = math.exp %logistic3A_33 : vector<2048x128xf32>
    %logistic3A_35 = arith.constant 1.000000e+00 : f32
    %logistic3A_36 = vector.broadcast %logistic3A_35 : f32 to vector<2048x128xf32>
    %logistic3A_37 = arith.addf %logistic3A_36, %logistic3A_34 : vector<2048x128xf32>
    %logistic3A_38 = arith.divf %logistic3A_36, %logistic3A_37 : vector<2048x128xf32>
    %slice3A_39 = vector.extract_strided_slice %add3A_12 {offsets = [0, 256], sizes = [2048, 128], strides = [1, 1]} : vector<2048x384xf32> to vector<2048x128xf32>
    %slice3A_40 = vector.extract_strided_slice %add3A_22 {offsets = [0, 256], sizes = [2048, 128], strides = [1, 1]} : vector<2048x384xf32> to vector<2048x128xf32>
    %mul3A = arith.mulf %logistic3A_29, %slice3A_40 : vector<2048x128xf32>
    %add3A_41 = arith.addf %slice3A_39, %mul3A : vector<2048x128xf32>
    %tanh3A = math.tanh %add3A_41 : vector<2048x128xf32>
    %sub3A = arith.constant 1.000000e+00 : f32
    %sub3A_42 = vector.broadcast %sub3A : f32 to vector<2048x128xf32>
    %sub3A_43 = arith.subf %sub3A_42, %logistic3A_38 : vector<2048x128xf32>
    %mul3A_44 = arith.mulf %sub3A_43, %tanh3A : vector<2048x128xf32>
    %mul3A_45 = arith.mulf %logistic3A_38, %get3A_4 : vector<2048x128xf32>
    %add3A_46 = arith.addf %mul3A_44, %mul3A_45 : vector<2048x128xf32>
    %swap3A = arith.constant 0 : index
    %swap3A_47 = arith.constant 0 : index
    %swap3A_48 = vector.load %arg7[%swap3A, %swap3A_47] : memref<2048x128xf32, #tpu.memory_space<vmem>>, vector<2048x128xf32>
    tpu.vector_store %arg7[%swap3A, %swap3A_47], %add3A_46 {strides = array<i32>} : memref<2048x128xf32, #tpu.memory_space<vmem>>, vector<2048x128xf32>,
    return
  }
  func.func @transform_0(%arg0: i32) -> (i32, i32) {
    %c0_i32 = arith.constant 0 : i32
    %c0_i32_0 = arith.constant 0 : i32
    return %arg0, %c0_i32 : i32, i32
  }
  func.func @transform_1(%arg0: i32) -> (i32, i32) {
    %c0_i32 = arith.constant 0 : i32
    %c0_i32_0 = arith.constant 0 : i32
    return %arg0, %c0_i32 : i32, i32
  }
  func.func @transform_2(%arg0: i32) -> (i32, i32) {
    %c0_i32 = arith.constant 0 : i32
    %c0_i32_0 = arith.constant 0 : i32
    %c0_i32_1 = arith.constant 0 : i32
    return %c0_i32, %c0_i32_0 : i32, i32
  }
  func.func @transform_3(%arg0: i32) -> (i32, i32) {
    %c0_i32 = arith.constant 0 : i32
    %c0_i32_0 = arith.constant 0 : i32
    %c0_i32_1 = arith.constant 0 : i32
    return %c0_i32, %c0_i32_0 : i32, i32
  }
  func.func @transform_4(%arg0: i32) -> (i32, i32) {
    %c0_i32 = arith.constant 0 : i32
    %c0_i32_0 = arith.constant 0 : i32
    %c0_i32_1 = arith.constant 0 : i32
    return %c0_i32, %c0_i32_0 : i32, i32
  }
  func.func @transform_5(%arg0: i32) -> (i32, i32) {
    %c0_i32 = arith.constant 0 : i32
    %c0_i32_0 = arith.constant 0 : i32
    %c0_i32_1 = arith.constant 0 : i32
    return %c0_i32, %c0_i32_0 : i32, i32
  }
  func.func @transform_6(%arg0: i32) -> (i32, i32) {
    %c0_i32 = arith.constant 0 : i32
    %c0_i32_0 = arith.constant 0 : i32
    return %arg0, %c0_i32 : i32, i32
  }
}

module attributes {stable_mosaic.version = 14 : i64} {
  func.func @_copy_body(%arg0: i32, %arg1: memref<10000x128xf32, #tpu.memory_space<vmem>>, %arg2: memref<10000x128xf32, #tpu.memory_space<vmem>>) attributes {dimension_semantics = [#tpu.dimension_semantics<arbitrary>], iteration_bounds = array<i64: 10>, scalar_prefetch = 0 : i64, scratch_operands = 0 : i64, tpu.core_type = #tpu.core_type<tc>, window_params = [{transform_indices = @transform_0, window_bounds = array<i64: 10000, 128>}, {transform_indices = @transform_1, window_bounds = array<i64: 10000, 128>}]} {
    %get3A = arith.constant 0 : index
    %get3A_0 = arith.constant 0 : index
    %get3A_1 = vector.load %arg1[%get3A, %get3A_0] : memref<10000x128xf32, #tpu.memory_space<vmem>>, vector<10000x128xf32>
    %swap3A = arith.constant 0 : index
    %swap3A_2 = arith.constant 0 : index
    %swap3A_3 = vector.load %arg2[%swap3A, %swap3A_2] : memref<10000x128xf32, #tpu.memory_space<vmem>>, vector<10000x128xf32>
    tpu.vector_store %arg2[%swap3A, %swap3A_2], %get3A_1 {strides = array<i32>} : memref<10000x128xf32, #tpu.memory_space<vmem>>, vector<10000x128xf32>,
    return
  }
  func.func @transform_0(%arg0: i32) -> (i32, i32) {
    %c0_i32 = arith.constant 0 : i32
    %c0_i32_0 = arith.constant 0 : i32
    return %arg0, %c0_i32 : i32, i32
  }
  func.func @transform_1(%arg0: i32) -> (i32, i32) {
    %c0_i32 = arith.constant 0 : i32
    %c0_i32_0 = arith.constant 0 : i32
    return %arg0, %c0_i32 : i32, i32
  }
}

</mosaic_0001>

<sc_bundles>
// kernel: kernel.11.cloned.1.call-start
scs
__scs_entry_jumppad:
0x0: {  	(pc) =	sbr.rel $0x88, $3  }
0x1: {  	(tag) =	ssettag $0x0;
	lr =	simm.s32 $0x1  }
0x2: {  	[smem:$0x3F98] =	sst lr;
	_ =	strace $0xD0000000  }
0x3: {  	_ = 	snop  }
0x4: {  	_ = 	snop  }
0x5: {  	_ = 	snop  }
0x6: {  	_ = 	snop  }
0x7: {  	_ = 	snop  }
__scs_overlays_trampoline_lowered:
0x8: {  	[smem:$0x3FA7] =	sst s0  }
0x9: {  	[smem:$0x3FA8] =	sst s1  }
0xa: {  	[smem:$0x3FA9] =	sst s2  }
0xb: {  	[smem:$0x3FAA] =	sst s3  }
0xc: {  	[smem:$0x3FAB] =	sst s4  }
0xd: {  	[smem:$0x3FAC] =	sst s5  }
0xe: {  	[smem:$0x3FAD] =	sst s6  }
0xf: {  	[smem:$0x3FAE] =	sst s7  }
0x10: {  	[smem:$0x3FAF] =	sst s8  }
0x11: {  	[smem:$0x3FB0] =	sst s9;
	s0 =	simm.s32 @!p0 $0x0  }
0x12: {  	s1 =	sld [smem:$0x3F96];
	s0 =	simm.s32 @p0 $0x1  }
0x13: {  	[smem:$0x3FB1] =	sst s0;
	s0 =	simm.s32 @!p1 $0x0  }
0x14: {  	s2 =	sld [smem:$0x3F95];
	s0 =	simm.s32 @p1 $0x1  }
0x15: {  	[smem:$0x3FB2] =	sst s0;
	s0 =	simm.s32 @!p2 $0x0  }
0x16: {  	s3 =	sld [smem:$0x3FDB];
	s0 =	simm.s32 @p2 $0x1  }
0x17: {  	s4 =	simm.s32 $0x1BF5;
	[smem:$0x3FB4] =	sst s0  }
0x18: {  	s0 =	sld [smem:$0x3F97];
	_ =	swait.ge [sflag:s4], $0x0  }
0x19: {  	s7 =	sld [smem:$0x3F98]  }
0x1a: {  	s8 =	sadd.s32 $0xFFFFE003, lr  }
0x1b: {  	s9 =	sadd.s32 $0xFFFFFEF7, lr;
	s5 =	simm.s32 $0xFFFFFFFF;
	p2 =	slt.u32 s8, $0xFFFFF086  }
0x1c: {  	p1 =	slt.u32 s9, $0xF7A;
	s5 =	simm.s32 @!p2 $0x0  }
0x1d: {  	s5 =	simm.s32 @p1 $0x1;
	p0 =	seq.s32 s7, s2  }
0x1e: {  	s7 =	smul.u32 @!p0 $0xF7A, s2;
	p2 =	seq.s32 @!p0 s5, $0x0  }
0x1f: {  	s9 =	smul.u32 $0xF7A, s1;
	s8 =	simm.s32 @!p0 $0x1BF5;
	p2 =	por !p2, p0  }
0x20: {  	[sflag:s8] =	ssyncset.s32 @!p0 $0xFFFFF086;
	s6 =	sadd.s32 @!p0 s3, s7;
	s7 =	simm.s32 @!p0 $0x108  }
0x21: {  	s3 =	sadd.s32 s3, s9;
	s6 =	sadd.s32 @!p0 $0x88, s6;
	s7 =	simm.s32 @p2 $0x1082  }
0x22: {  	[simem:s7], [sflag:s8] =	dma.local @!p0 [hbm:s6], $0xF7A  }
0x23: {  	s9 =	sor.u32 $0xD0000000, s2;
	s6 =	simm.s32 $0x108;
	_ =	swait.ge @!p0 [sflag:s8], $0x0  }
0x24: {  	s3 =	sadd.s32 $0x88, s3;
	s6 =	simm.s32 @!p1 $0x1082;
	[sflag:s4] =	ssyncset.s32 $0xFFFFF086  }
0x25: {  	[simem:s6], [sflag:s4] =	dma.local [hbm:s3], $0xF7A  }
0x26: {  	[smem:$0x3F98] =	sst s1;
	(tag) =	ssettag s2;
	_ =	strace s9  }
0x27: {  	s1 =	sld [smem:$0x3FA8]  }
0x28: {  	s2 =	sld [smem:$0x3FA9]  }
0x29: {  	s4 =	sld [smem:$0x3FAB]  }
0x2a: {  	p0 =	seq.s32 s5, $0x0;
	s5 =	sld [smem:$0x3FAC]  }
0x2b: {  	s6 =	sld [smem:$0x3FAD]  }
0x2c: {  	s7 =	sld [smem:$0x3FAE]  }
0x2d: {  	s3 =	simm.s32 $0x108;
	s8 =	sld [smem:$0x3FAF]  }
0x2e: {  	s3 =	simm.s32 @!p0 $0x1082;
	s9 =	sld [smem:$0x3FB0]  }
0x2f: {  	lr =	sadd.s32 s0, s3;
	s0 =	sld [smem:$0x3FA7]  }
0x30: {  	s3 =	sld [smem:$0x3FAA]  }
0x31: {  	[smem:$0x3FB3] =	sst s10  }
0x32: {  	s10 =	sld [smem:$0x3FB1];
	_ =	sdelay $0x3  }
0x33: {  	p0 =	seq.s32 s10, $0x1;
	s10 =	sld [smem:$0x3FB3];
	_ =	sdelay $0x3  }
0x34: {  	[smem:$0x3FB3] =	sst s10  }
0x35: {  	s10 =	sld [smem:$0x3FB2];
	_ =	sdelay $0x3  }
0x36: {  	p1 =	seq.s32 s10, $0x1;
	s10 =	sld [smem:$0x3FB3];
	_ =	sdelay $0x3  }
0x37: {  	[smem:$0x3FB3] =	sst s10  }
0x38: {  	s10 =	sld [smem:$0x3FB4]  }
0x39: {  	_ = 	snop;
	(pc) =	sbr.ind lr, $3  }
0x3a: {  	_ = 	snop  }
0x3b: {  	_ = 	snop  }
0x3c: {  	p2 =	seq.s32 s10, $0x1;
	s10 =	sld [smem:$0x3FB3]  }
0x3d: {  	_ =	shalt  }
0x3e: {  	_ =	shalt  }
0x3f: {  	_ =	shalt  }
0x40: {  	_ =	shalt  }
0x41: {  	_ =	shalt  }
0x42: {  	_ =	shalt  }
0x43: {  	_ =	shalt  }
0x44: {  	_ =	shalt  }
0x45: {  	_ =	shalt  }
0x46: {  	_ =	shalt  }
0x47: {  	_ =	shalt  }
0x48: {  	_ =	shalt  }
0x49: {  	_ =	shalt  }
0x4a: {  	_ =	shalt  }
0x4b: {  	_ =	shalt  }
0x4c: {  	_ =	shalt  }
0x4d: {  	_ =	shalt  }
0x4e: {  	_ =	shalt  }
0x4f: {  	_ =	shalt  }
0x50: {  	_ =	shalt  }
0x51: {  	_ =	shalt  }
0x52: {  	_ =	shalt  }
0x53: {  	_ =	shalt  }
0x54: {  	_ =	shalt  }
0x55: {  	_ =	shalt  }
0x56: {  	_ =	shalt  }
0x57: {  	_ =	shalt  }
0x58: {  	_ =	shalt  }
0x59: {  	_ =	shalt  }
0x5a: {  	_ =	shalt  }
0x5b: {  	_ =	shalt  }
0x5c: {  	_ =	shalt  }
0x5d: {  	_ =	shalt  }
0x5e: {  	_ =	shalt  }
0x5f: {  	_ =	shalt  }
0x60: {  	_ =	shalt  }
0x61: {  	_ =	shalt  }
0x62: {  	_ =	shalt  }
0x63: {  	_ =	shalt  }
0x64: {  	_ =	shalt  }
0x65: {  	_ =	shalt  }
0x66: {  	_ =	shalt  }
0x67: {  	_ =	shalt  }
0x68: {  	_ =	shalt  }
0x69: {  	_ =	shalt  }
0x6a: {  	_ =	shalt  }
0x6b: {  	_ =	shalt  }
0x6c: {  	_ =	shalt  }
0x6d: {  	_ =	shalt  }
0x6e: {  	_ =	shalt  }
0x6f: {  	_ =	shalt  }
0x70: {  	_ =	shalt  }
0x71: {  	_ =	shalt  }
0x72: {  	_ =	shalt  }
0x73: {  	_ =	shalt  }
0x74: {  	_ =	shalt  }
0x75: {  	_ =	shalt  }
0x76: {  	_ =	shalt  }
0x77: {  	_ =	shalt  }
0x78: {  	_ =	shalt  }
0x79: {  	_ =	shalt  }
0x7a: {  	_ =	shalt  }
0x7b: {  	_ =	shalt  }
0x7c: {  	_ =	shalt  }
0x7d: {  	_ =	shalt  }
0x7e: {  	_ =	shalt  }
0x7f: {  	_ =	shalt  }
0x80: {  	_ =	shalt  }
0x81: {  	_ =	shalt  }
0x82: {  	_ =	shalt  }
0x83: {  	_ =	shalt  }
0x84: {  	_ =	shalt  }
0x85: {  	_ =	shalt  }
0x86: {  	_ =	shalt  }
0x87: {  	_ =	shalt  }
.Lfunc_end0:
.L_simem_size_0:
called_computation.1_lowered:
.L_overlay_start_0:
0x88: {  	s2 =	sld [smem:$0x3FD9]  }
0x89: {  	s3 =	sld [smem:$0x3FFE];
	_ =	sdelay $0x1  }
0x8a: {  	s1 =	srdreg.scid  }
0x8b: {  	s0 =	sand.u32 $0x1, s1  }
0x8c: {  	s17 =	sshll.u32 s0, $0xA;
	s2 =	sadd.s32 s3, s2  }
0x8d: {  	s2 =	sadd.s32 s2, s17  }
0x8e: {  	[smem:$0x3FBF] =	sst s2  }
0x8f: {  	_ = 	snop  }
0x90: {  	s18 =	sld [smem:$0x3FC9]  }
0x91: {  	s4 =	sld [smem:$0x3FC6];
	(tm) =	ssettm $0x1  }
0x92: {  	s19 =	sld [smem:$0x3FFB];
	_ =	sdelay $0x3  }
0x93: {  	_ =	strace s19  }
0x94: {  	s2 =	sld [smem:$0x3FFC];
	_ =	sdelay $0x3  }
0x95: {  	_ =	strace s2  }
0x96: {  	s2 =	sld [smem:$0x3FFD];
	_ =	sdelay $0x3  }
0x97: {  	_ =	strace s2  }
0x98: {  	_ =	strace $0x8FFFFFFF  }
0x99: {  	s20 =	sld [smem:$0x3FDB];
	_ =	sdelay $0x1  }
0x9a: {  	s5 =	simm.s32 $_scs_section_size  }
0x9b: {  	s6 =	simm.s32 $_size__tile_overlayer_lowered;
	s7 =	simm.s32 $_tile_overlayer_lowered  }
0x9c: {  	s8 =	simm.s32 $0x1BFF;
	s21 =	sshll.u32 s7, $0x1;
	s5 =	sadd.s32 s5, s20  }
0x9d: {  	s22 =	simm.s32 $0x0;
	s6 =	sshll.u32 s6, $0x1;
	s7 =	sadd.s32 s21, s5  }
0x9e: {  	[timem:s22], [sflag:s8] =	dma.local [hbm:s7], s6  }
0x9f: {  	_ =	swait.ge [sflag:s8], s6  }
0xa0: {  	s6 =	ssub.s32 $0x0, s6;
	[sflag:s8] =	ssyncset.done $0x0  }
0xa1: {  	[sflag:s8] =	ssyncadd.s32 s6;
	_ =	sdelay $0x1  }
0xa2: {  	s23 =	simm.s32 $0x1B8B  }
0xa3: {  	_ =	swait.ge [sflag:s23], $0x1  }
0xa4: {  	[sflag:s23] =	ssyncset.done $0x0  }
0xa5: {  	[sflag:s23] =	ssyncadd.s32 $0xFFFFFFFF  }
0xa6: {  	s6 =	sld [smem:$0x0]  }
0xa7: {  	s7 =	sand.u32 $0xFFFFFFFE, s1  }
0xa8: {  	p0 =	sne.s32 s1, s7  }
0xa9: {  	s7 =	sshll.u32 @p0 s7, $0xE  }
0xaa: {  	s7 =	sadd.s32 @p0 $0x11B8D, s7;
	s8 =	sshll.u32 @p0 s6, $0x11  }
0xab: {  	s7 =	sor.u32 @p0 s8, s7  }
0xac: {  	[sflag:s7] =	ssyncadd.remote.s32 @p0 $0x1;
	_ =	sdelay $0x1  }
0xad: {  	s7 =	simm.s32 @p0 $0x1B8D  }
0xae: {  	_ =	swait.eq @p0 [sflag:s7], $0x1  }
0xaf: {  	[sflag:s7] =	ssyncadd.s32 @p0 $0xFFFFFFFF  }
0xb0: {  	s8 =	sshll.u32 @!p0 s1, $0xE  }
0xb1: {  	s8 =	sor.u32 @!p0 $0x4000, s8;
	s7 =	simm.s32 @!p0 $0x1B8D  }
0xb2: {  	s6 =	sshll.u32 @!p0 s6, $0x11;
	s8 =	sadd.s32 @!p0 $0x11B8D, s8;
	_ =	swait.eq @!p0 [sflag:s7], $0x1  }
0xb3: {  	s6 =	sor.u32 @!p0 s6, s8;
	[sflag:s7] =	ssyncadd.s32 @!p0 $0xFFFFFFFF  }
0xb4: {  	s25 =	simm.s32 $0x1B8E;
	s24 =	sld [smem:$0x3FFE];
	[sflag:s6] =	ssyncadd.remote.s32 @!p0 $0x1  }
0xb5: {  	s26 =	simm.s32 $execute0_lowered;
	[smem:$0x3FD2] =	sst s25  }
0xb6: {  	s7 =	sshll.u32 s26, $0x1;
	_ =	strace $0x80000049;
	[dreg:$0x1] =	wrdreg $0xFFFFFFFF  }
0xb7: {  	s28 =	simm.s32 $_size_execute0_lowered;
	s5 =	sadd.s32 s5, s7;
	[dreg:$0x0] =	wrdreg $0x0  }
0xb8: {  	s7 =	sshll.u32 s28, $0x1;
	[dreg:$0x2] =	wrdreg s5  }
0xb9: {  	[dreg:$0x3] =	wrdreg s7  }
0xba: {  	[dreg:$0x4] =	wrdreg $0xC0  }
0xbb: {  	_ =	task [dreg:s22], $0x5FFFF  }
0xbc: {  	[dreg:$0x1] =	wrdreg $0xFFFFFFFF  }
0xbd: {  	[dreg:$0x0] =	wrdreg $0x60  }
0xbe: {  	[dreg:$0x2] =	wrdreg s18  }
0xbf: {  	[dreg:$0x3] =	wrdreg s4  }
0xc0: {  	[dreg:$0x4] =	wrdreg s24  }
0xc1: {  	[dreg:$0x5] =	wrdreg $0x9  }
0xc2: {  	_ =	task.clear_ibuf [dreg:s22], $0x6FFFF;
	_ =	strace $0x90000049  }
0xc3: {  	s29 =	simm.s32 $0x9;
	_ =	strace $0x8000004B  }
0xc4: {  	_ =	swait.ge [sflag:s29], $0x1  }
0xc5: {  	[sflag:s29] =	ssyncadd.s32 $0xFFFFFFFF  }
0xc6: {  	_ =	strace $0x9000004B  }
0xc7: {  	_ =	sfence  }
0xc8: {  	s30 =	sld [smem:$0x0];
	_ =	sdelay $0x2  }
0xc9: {  	s31 =	sshll.u32 s1, $0xD;
	s1 =	sshrl.u32 s1, $0x2  }
0xca: {  	s4 =	sand.u32 $0x4000, s31;
	s1 =	sadd.s32 s1, s30  }
0xcb: {  	s0 =	sor.u32 s4, s0;
	s1 =	sshll.u32 s1, $0x11  }
0xcc: {  	s0 =	sor.u32 s1, s0  }
0xcd: {  	s0 =	sadd.s32 $0x8F2B, s0  }
0xce: {  	[sflag:s0] =	ssyncadd.remote.s32 $0x1  }
0xcf: {  	_ =	sfence.sel $0xFFFF  }
0xd0: {  	[dreg:$0x0] =	wrdreg $0xFFFFFFFF;
	(pc) =	sbr.abs _section_cstart, $3  }
0xd1: {  	[dreg:$0x1] =	wrdreg $0xFFFFFFFF  }
0xd2: {  	_ =	task.clear_ibuf [dreg:s22], $0x2FFFF;
	_ =	strace $0x9FFFFFFF  }
0xd3: {  	(tm) =	ssettm $0x7FFFFFFF  }
tec
execute0_lowered:
.L_overlay_start_1:
0x0: {  	(tag) =	ssettag $0x1  }
0x1: {  	s6 =	rddreg [dreg:$0x0];
	s1 =	srdreg.scid  }
0x2: {  	s2 =	rddreg [dreg:$0x1];
	s0 =	stileid.u32;
	s13 =	sand.u32 $0x1, s1  }
0x3: {  	s11 =	rddreg [dreg:$0x2];
	s4 =	sshll.u32 s0, $0xA;
	s5 =	sshll.u32 s13, $0x9  }
0x4: {  	s3 =	simm.s32 $0x0;
	s1 =	rddreg [dreg:$0x3];
	s12 =	sor.u32 s5, s4  }
0x5: {  	[smem:$0x7FF] =	sst s3;
	s4 =	sshrl.u32 s12, $0x3  }
0x6: {  	_ =	strace $0x8000004A;
	s5 =	simm.s32 $0x3;
	s4 =	sadd.s32 s6, s4  }
0x7: {  	[tilespmem:s3], [sflag:$0x3] =	stream.linear.gather [hbm4b:s4+s3], $0x100, $0x38;
	[tilespmem:$0x10200] =	vst v63  }
0x8: {  	s14 =	sor.u32 $0x100, s12;
	_ =	swait.ge [sflag:s5], $0x100  }
0x9: {  	s7 =	sshrl.u32 s14, $0x3;
	[sflag:s5] =	ssyncset.done $0x0  }
0xa: {  	s6 =	sadd.s32 s6, s7;
	s7 =	simm.s32 $0x100;
	[sflag:s5] =	ssyncadd.s32 $0xFFFFFF00  }
0xb: {  	[tilespmem:s7], [sflag:$0x3] =	stream.linear.gather [hbm4b:s6+s3], $0x100, $0x38;
	[tilespmem:$0x10200] =	vst v63  }
0xc: {  	_ =	swait.ge [sflag:s5], $0x100  }
0xd: {  	[sflag:s5] =	ssyncset.done $0x0  }
0xe: {  	s8 =	simm.s32 $0x200;
	[sflag:s5] =	ssyncadd.s32 $0xFFFFFF00  }
0xf: {  	[tilespmem:s8], [sflag:$0x1] =	stream.indirect.gather [hbm4b:s2+s7], $0x80, s3, s7, $0xb8;
	[tilespmem:$0x10200] =	vst v63  }
0x10: {  	s9 =	simm.s32 $0x8200;
	s10 =	simm.s32 $0x1;
	s15 =	sadd.s32 $0x2600, s11  }
0x11: {  	[tilespmem:s9], [sflag:$0x2] =	stream.indirect.gather [hbm4b:s2+s7], $0x80, s7, s7, $0xb8;
	[tilespmem:$0x10200] =	vst v63  }
0x12: {  	s11 =	simm.s32 $0x2;
	s16 =	ssub.s32 $0x2, s13;
	_ =	swait.ge [sflag:s10], $0x8000  }
0x13: {  	s31 =	sshrl.u32 s16, $0x1;
	s30 =	sshll.u32 s12, $0x4;
	[sflag:s10] =	ssyncset.done $0x0  }
0x14: {  	s12 =	sadd.s32 s15, s30;
	s14 =	sshll.u32 s14, $0x4;
	[sflag:s10] =	ssyncadd.s32 $0xFFFF8000  }
0x15: {  	[hbm4b:s12+s3] =	stream.linear.scatter [tilespmem:s8], [sflag:$0x1], $0x8000, $0x38;
	[tilespmem:$0x10200] =	vst v63  }
0x16: {  	s13 =	sadd.s32 s15, s14;
	s14 =	ssub.s32 s16, s31;
	_ =	swait.ge [sflag:s11], $0x8000  }
0x17: {  	s14 =	smax.u32 s14, $0x1;
	[sflag:s11] =	ssyncset.done $0x0  }
0x18: {  	p0 =	sne.s32 s14, $0x1;
	[sflag:s11] =	ssyncadd.s32 $0xFFFF8000  }
0x19: {  	[hbm4b:s13+s3] =	stream.linear.scatter [tilespmem:s9], [sflag:$0x2], $0x8000, $0x38;
	[tilespmem:$0x10200] =	vst v63  }
.Ltmp0:
0x1a: {  	_ =	swait.ge [sflag:s10], $0x8000;
	(pc) =	sbr.rel @!p0 .LBB2_2-.Ltmp0, $4  }
0x1b: {  	[sflag:s10] =	ssyncset.done $0x0  }
0x1c: {  	[sflag:s10] =	ssyncadd.s32 $0xFFFF8000  }
0x1d: {  	_ =	swait.ge [sflag:s11], $0x8000  }
0x1e: {  	s14 =	sadd.s32 $0xFFFFFFFF, s14;
	[sflag:s11] =	ssyncset.done $0x0  }
.LBB2_1:
0x1f: {  	p0 =	sne.s32 s14, $0x1;
	s14 =	sadd.s32 $0xFFFFFFFF, s14;
	[sflag:s11] =	ssyncadd.s32 $0xFFFF8000  }
0x20: {  	[tilespmem:s3], [sflag:$0x3] =	stream.linear.gather [hbm4b:s4+s3], $0x100, $0x38;
	[tilespmem:$0x10200] =	vst v63  }
0x21: {  	_ =	swait.ge [sflag:s5], $0x100  }
0x22: {  	[sflag:s5] =	ssyncset.done $0x0  }
0x23: {  	[sflag:s5] =	ssyncadd.s32 $0xFFFFFF00  }
0x24: {  	[tilespmem:s7], [sflag:$0x3] =	stream.linear.gather [hbm4b:s6+s3], $0x100, $0x38;
	[tilespmem:$0x10200] =	vst v63  }
0x25: {  	_ =	swait.ge [sflag:s5], $0x100  }
0x26: {  	[sflag:s5] =	ssyncset.done $0x0  }
0x27: {  	[sflag:s5] =	ssyncadd.s32 $0xFFFFFF00  }
0x28: {  	[tilespmem:s8], [sflag:$0x1] =	stream.indirect.gather [hbm4b:s2+s7], $0x80, s3, s7, $0xb8;
	[tilespmem:$0x10200] =	vst v63  }
0x29: {  	_ = 	snop  }
0x2a: {  	[tilespmem:s9], [sflag:$0x2] =	stream.indirect.gather [hbm4b:s2+s7], $0x80, s7, s7, $0xb8;
	[tilespmem:$0x10200] =	vst v63  }
0x2b: {  	_ =	swait.ge [sflag:s10], $0x8000  }
0x2c: {  	[sflag:s10] =	ssyncset.done $0x0  }
0x2d: {  	[sflag:s10] =	ssyncadd.s32 $0xFFFF8000  }
0x2e: {  	[hbm4b:s12+s3] =	stream.linear.scatter [tilespmem:s8], [sflag:$0x1], $0x8000, $0x38;
	[tilespmem:$0x10200] =	vst v63  }
0x2f: {  	_ =	swait.ge [sflag:s11], $0x8000  }
0x30: {  	[sflag:s11] =	ssyncset.done $0x0  }
0x31: {  	[sflag:s11] =	ssyncadd.s32 $0xFFFF8000  }
0x32: {  	[hbm4b:s13+s3] =	stream.linear.scatter [tilespmem:s9], [sflag:$0x2], $0x8000, $0x38;
	[tilespmem:$0x10200] =	vst v63  }
.Ltmp1:
0x33: {  	_ =	swait.ge [sflag:s10], $0x8000;
	(pc) =	sbr.rel @p0 .LBB2_1-.Ltmp1, $4  }
0x34: {  	[sflag:s10] =	ssyncset.done $0x0  }
0x35: {  	[sflag:s10] =	ssyncadd.s32 $0xFFFF8000  }
0x36: {  	_ =	swait.ge [sflag:s11], $0x8000  }
0x37: {  	[sflag:s11] =	ssyncset.done $0x0  }
.LBB2_2:
0x38: {  	[sflag:s11] =	ssyncadd.s32 $0xFFFF8000  }
0x39: {  	_ =	sfence.sel $0x180000  }
0x3a: {  	[bflag:$0x0] =	sbarrier.arrive $0xFFFF  }
0x3b: {  	p0 =	sne.s32 s0, $0x0;
	_ =	strace $0x9000004A  }
0x3c: {  	s0 =	sadd.s32 @!p0 $0x100000, s1;
	[bflag:$0x2] =	sbarrier.arrive $0xFFFF  }
0x3d: {  	[sflag:s0] =	ssyncadd.tile.s32 @!p0 $0x1;
	_ =	shalt  }
.Lfunc_end2:
_tile_overlayer_lowered:
.L_overlay_start_2:
0x3e: {  	(tag) =	ssettag $0x2  }
0x3f: {  	s0 =	rddreg [dreg:$0x0];
	s2 =	stileid.u32  }
0x40: {  	s1 =	rddreg [dreg:$0x1];
	p0 =	sne.s32 s2, $0x0  }
0x41: {  	s3 =	rddreg [dreg:$0x2];
	[bflag:$0x3] =	sbarrier.arrive $0xFFFF;
	s2 =	simm.s32 @!p0 $0x1C03  }
0x42: {  	[timem:s3], [sflag:s2] =	dma.local @!p0 [hbm:s0], s1  }
0x43: {  	s0 =	simm.s32 @!p0 $0x3  }
0x44: {  	_ =	swait.ge @!p0 [sflag:s0], s1  }
0x45: {  	s1 =	ssub.s32 @!p0 $0x0, s1;
	[sflag:s0] =	ssyncset.done @!p0 $0x0  }
0x46: {  	[sflag:s0] =	ssyncadd.s32 @!p0 s1  }
0x47: {  	[bflag:$0x3] =	sbarrier.arrive $0xFFFF  }
0x48: {  	_ =	shalt  }

// kernel: kernel.14.cloned.1.call-start
scs
__scs_entry_jumppad:
0x0: {  	(pc) =	sbr.rel $0x88, $3  }
0x1: {  	(tag) =	ssettag $0x0;
	lr =	simm.s32 $0x1  }
0x2: {  	[smem:$0x3F98] =	sst lr;
	_ =	strace $0xD0000000  }
0x3: {  	_ = 	snop  }
0x4: {  	_ = 	snop  }
0x5: {  	_ = 	snop  }
0x6: {  	_ = 	snop  }
0x7: {  	_ = 	snop  }
__scs_overlays_trampoline_lowered:
0x8: {  	[smem:$0x3FA7] =	sst s0  }
0x9: {  	[smem:$0x3FA8] =	sst s1  }
0xa: {  	[smem:$0x3FA9] =	sst s2  }
0xb: {  	[smem:$0x3FAA] =	sst s3  }
0xc: {  	[smem:$0x3FAB] =	sst s4  }
0xd: {  	[smem:$0x3FAC] =	sst s5  }
0xe: {  	[smem:$0x3FAD] =	sst s6  }
0xf: {  	[smem:$0x3FAE] =	sst s7  }
0x10: {  	[smem:$0x3FAF] =	sst s8  }
0x11: {  	[smem:$0x3FB0] =	sst s9;
	s0 =	simm.s32 @!p0 $0x0  }
0x12: {  	s1 =	sld [smem:$0x3F96];
	s0 =	simm.s32 @p0 $0x1  }
0x13: {  	[smem:$0x3FB1] =	sst s0;
	s0 =	simm.s32 @!p1 $0x0  }
0x14: {  	s2 =	sld [smem:$0x3F95];
	s0 =	simm.s32 @p1 $0x1  }
0x15: {  	[smem:$0x3FB2] =	sst s0;
	s0 =	simm.s32 @!p2 $0x0  }
0x16: {  	s3 =	sld [smem:$0x3FDB];
	s0 =	simm.s32 @p2 $0x1  }
0x17: {  	s4 =	simm.s32 $0x1BF5;
	[smem:$0x3FB4] =	sst s0  }
0x18: {  	s0 =	sld [smem:$0x3F97];
	_ =	swait.ge [sflag:s4], $0x0  }
0x19: {  	s7 =	sld [smem:$0x3F98]  }
0x1a: {  	s8 =	sadd.s32 $0xFFFFE003, lr  }
0x1b: {  	s9 =	sadd.s32 $0xFFFFFEF7, lr;
	s5 =	simm.s32 $0xFFFFFFFF;
	p2 =	slt.u32 s8, $0xFFFFF086  }
0x1c: {  	p1 =	slt.u32 s9, $0xF7A;
	s5 =	simm.s32 @!p2 $0x0  }
0x1d: {  	s5 =	simm.s32 @p1 $0x1;
	p0 =	seq.s32 s7, s2  }
0x1e: {  	s7 =	smul.u32 @!p0 $0xF7A, s2;
	p2 =	seq.s32 @!p0 s5, $0x0  }
0x1f: {  	s9 =	smul.u32 $0xF7A, s1;
	s8 =	simm.s32 @!p0 $0x1BF5;
	p2 =	por !p2, p0  }
0x20: {  	[sflag:s8] =	ssyncset.s32 @!p0 $0xFFFFF086;
	s6 =	sadd.s32 @!p0 s3, s7;
	s7 =	simm.s32 @!p0 $0x108  }
0x21: {  	s3 =	sadd.s32 s3, s9;
	s6 =	sadd.s32 @!p0 $0x88, s6;
	s7 =	simm.s32 @p2 $0x1082  }
0x22: {  	[simem:s7], [sflag:s8] =	dma.local @!p0 [hbm:s6], $0xF7A  }
0x23: {  	s9 =	sor.u32 $0xD0000000, s2;
	s6 =	simm.s32 $0x108;
	_ =	swait.ge @!p0 [sflag:s8], $0x0  }
0x24: {  	s3 =	sadd.s32 $0x88, s3;
	s6 =	simm.s32 @!p1 $0x1082;
	[sflag:s4] =	ssyncset.s32 $0xFFFFF086  }
0x25: {  	[simem:s6], [sflag:s4] =	dma.local [hbm:s3], $0xF7A  }
0x26: {  	[smem:$0x3F98] =	sst s1;
	(tag) =	ssettag s2;
	_ =	strace s9  }
0x27: {  	s1 =	sld [smem:$0x3FA8]  }
0x28: {  	s2 =	sld [smem:$0x3FA9]  }
0x29: {  	s4 =	sld [smem:$0x3FAB]  }
0x2a: {  	p0 =	seq.s32 s5, $0x0;
	s5 =	sld [smem:$0x3FAC]  }
0x2b: {  	s6 =	sld [smem:$0x3FAD]  }
0x2c: {  	s7 =	sld [smem:$0x3FAE]  }
0x2d: {  	s3 =	simm.s32 $0x108;
	s8 =	sld [smem:$0x3FAF]  }
0x2e: {  	s3 =	simm.s32 @!p0 $0x1082;
	s9 =	sld [smem:$0x3FB0]  }
0x2f: {  	lr =	sadd.s32 s0, s3;
	s0 =	sld [smem:$0x3FA7]  }
0x30: {  	s3 =	sld [smem:$0x3FAA]  }
0x31: {  	[smem:$0x3FB3] =	sst s10  }
0x32: {  	s10 =	sld [smem:$0x3FB1];
	_ =	sdelay $0x3  }
0x33: {  	p0 =	seq.s32 s10, $0x1;
	s10 =	sld [smem:$0x3FB3];
	_ =	sdelay $0x3  }
0x34: {  	[smem:$0x3FB3] =	sst s10  }
0x35: {  	s10 =	sld [smem:$0x3FB2];
	_ =	sdelay $0x3  }
0x36: {  	p1 =	seq.s32 s10, $0x1;
	s10 =	sld [smem:$0x3FB3];
	_ =	sdelay $0x3  }
0x37: {  	[smem:$0x3FB3] =	sst s10  }
0x38: {  	s10 =	sld [smem:$0x3FB4]  }
0x39: {  	_ = 	snop;
	(pc) =	sbr.ind lr, $3  }
0x3a: {  	_ = 	snop  }
0x3b: {  	_ = 	snop  }
0x3c: {  	p2 =	seq.s32 s10, $0x1;
	s10 =	sld [smem:$0x3FB3]  }
0x3d: {  	_ =	shalt  }
0x3e: {  	_ =	shalt  }
0x3f: {  	_ =	shalt  }
0x40: {  	_ =	shalt  }
0x41: {  	_ =	shalt  }
0x42: {  	_ =	shalt  }
0x43: {  	_ =	shalt  }
0x44: {  	_ =	shalt  }
0x45: {  	_ =	shalt  }
0x46: {  	_ =	shalt  }
0x47: {  	_ =	shalt  }
0x48: {  	_ =	shalt  }
0x49: {  	_ =	shalt  }
0x4a: {  	_ =	shalt  }
0x4b: {  	_ =	shalt  }
0x4c: {  	_ =	shalt  }
0x4d: {  	_ =	shalt  }
0x4e: {  	_ =	shalt  }
0x4f: {  	_ =	shalt  }
0x50: {  	_ =	shalt  }
0x51: {  	_ =	shalt  }
0x52: {  	_ =	shalt  }
0x53: {  	_ =	shalt  }
0x54: {  	_ =	shalt  }
0x55: {  	_ =	shalt  }
0x56: {  	_ =	shalt  }
0x57: {  	_ =	shalt  }
0x58: {  	_ =	shalt  }
0x59: {  	_ =	shalt  }
0x5a: {  	_ =	shalt  }
0x5b: {  	_ =	shalt  }
0x5c: {  	_ =	shalt  }
0x5d: {  	_ =	shalt  }
0x5e: {  	_ =	shalt  }
0x5f: {  	_ =	shalt  }
0x60: {  	_ =	shalt  }
0x61: {  	_ =	shalt  }
0x62: {  	_ =	shalt  }
0x63: {  	_ =	shalt  }
0x64: {  	_ =	shalt  }
0x65: {  	_ =	shalt  }
0x66: {  	_ =	shalt  }
0x67: {  	_ =	shalt  }
0x68: {  	_ =	shalt  }
0x69: {  	_ =	shalt  }
0x6a: {  	_ =	shalt  }
0x6b: {  	_ =	shalt  }
0x6c: {  	_ =	shalt  }
0x6d: {  	_ =	shalt  }
0x6e: {  	_ =	shalt  }
0x6f: {  	_ =	shalt  }
0x70: {  	_ =	shalt  }
0x71: {  	_ =	shalt  }
0x72: {  	_ =	shalt  }
0x73: {  	_ =	shalt  }
0x74: {  	_ =	shalt  }
0x75: {  	_ =	shalt  }
0x76: {  	_ =	shalt  }
0x77: {  	_ =	shalt  }
0x78: {  	_ =	shalt  }
0x79: {  	_ =	shalt  }
0x7a: {  	_ =	shalt  }
0x7b: {  	_ =	shalt  }
0x7c: {  	_ =	shalt  }
0x7d: {  	_ =	shalt  }
0x7e: {  	_ =	shalt  }
0x7f: {  	_ =	shalt  }
0x80: {  	_ =	shalt  }
0x81: {  	_ =	shalt  }
0x82: {  	_ =	shalt  }
0x83: {  	_ =	shalt  }
0x84: {  	_ =	shalt  }
0x85: {  	_ =	shalt  }
0x86: {  	_ =	shalt  }
0x87: {  	_ =	shalt  }
.Lfunc_end0:
.L_simem_size_0:
called_computation.2_lowered:
.L_overlay_start_0:
0x88: {  	s2 =	sld [smem:$0x3FD9]  }
0x89: {  	s3 =	sld [smem:$0x3FFE];
	_ =	sdelay $0x1  }
0x8a: {  	s1 =	srdreg.scid  }
0x8b: {  	s0 =	sand.u32 $0x1, s1  }
0x8c: {  	s17 =	sshll.u32 s0, $0xA;
	s2 =	sadd.s32 s3, s2  }
0x8d: {  	s2 =	sadd.s32 s2, s17  }
0x8e: {  	[smem:$0x3FBF] =	sst s2  }
0x8f: {  	_ = 	snop  }
0x90: {  	s18 =	sld [smem:$0x3FC9]  }
0x91: {  	s4 =	sld [smem:$0x3FC7];
	(tm) =	ssettm $0x1  }
0x92: {  	s19 =	sld [smem:$0x3FFB];
	_ =	sdelay $0x3  }
0x93: {  	_ =	strace s19  }
0x94: {  	s2 =	sld [smem:$0x3FFC];
	_ =	sdelay $0x3  }
0x95: {  	_ =	strace s2  }
0x96: {  	s2 =	sld [smem:$0x3FFD];
	_ =	sdelay $0x3  }
0x97: {  	_ =	strace s2  }
0x98: {  	_ =	strace $0x8FFFFFFF  }
0x99: {  	s20 =	sld [smem:$0x3FDB];
	_ =	sdelay $0x1  }
0x9a: {  	s5 =	simm.s32 $_scs_section_size  }
0x9b: {  	s6 =	simm.s32 $_size__tile_overlayer_lowered;
	s7 =	simm.s32 $_tile_overlayer_lowered  }
0x9c: {  	s8 =	simm.s32 $0x1BFF;
	s21 =	sshll.u32 s7, $0x1;
	s5 =	sadd.s32 s5, s20  }
0x9d: {  	s22 =	simm.s32 $0x0;
	s6 =	sshll.u32 s6, $0x1;
	s7 =	sadd.s32 s21, s5  }
0x9e: {  	[timem:s22], [sflag:s8] =	dma.local [hbm:s7], s6  }
0x9f: {  	_ =	swait.ge [sflag:s8], s6  }
0xa0: {  	s6 =	ssub.s32 $0x0, s6;
	[sflag:s8] =	ssyncset.done $0x0  }
0xa1: {  	[sflag:s8] =	ssyncadd.s32 s6;
	_ =	sdelay $0x1  }
0xa2: {  	s23 =	simm.s32 $0x1B8B  }
0xa3: {  	_ =	swait.ge [sflag:s23], $0x1  }
0xa4: {  	[sflag:s23] =	ssyncset.done $0x0  }
0xa5: {  	[sflag:s23] =	ssyncadd.s32 $0xFFFFFFFF  }
0xa6: {  	s6 =	sld [smem:$0x0]  }
0xa7: {  	s7 =	sand.u32 $0xFFFFFFFE, s1  }
0xa8: {  	p0 =	sne.s32 s1, s7  }
0xa9: {  	s7 =	sshll.u32 @p0 s7, $0xE  }
0xaa: {  	s7 =	sadd.s32 @p0 $0x11B8D, s7;
	s8 =	sshll.u32 @p0 s6, $0x11  }
0xab: {  	s7 =	sor.u32 @p0 s8, s7  }
0xac: {  	[sflag:s7] =	ssyncadd.remote.s32 @p0 $0x1;
	_ =	sdelay $0x1  }
0xad: {  	s7 =	simm.s32 @p0 $0x1B8D  }
0xae: {  	_ =	swait.eq @p0 [sflag:s7], $0x1  }
0xaf: {  	[sflag:s7] =	ssyncadd.s32 @p0 $0xFFFFFFFF  }
0xb0: {  	s8 =	sshll.u32 @!p0 s1, $0xE  }
0xb1: {  	s8 =	sor.u32 @!p0 $0x4000, s8;
	s7 =	simm.s32 @!p0 $0x1B8D  }
0xb2: {  	s6 =	sshll.u32 @!p0 s6, $0x11;
	s8 =	sadd.s32 @!p0 $0x11B8D, s8;
	_ =	swait.eq @!p0 [sflag:s7], $0x1  }
0xb3: {  	s6 =	sor.u32 @!p0 s6, s8;
	[sflag:s7] =	ssyncadd.s32 @!p0 $0xFFFFFFFF  }
0xb4: {  	s25 =	simm.s32 $0x1B8E;
	s24 =	sld [smem:$0x3FFE];
	[sflag:s6] =	ssyncadd.remote.s32 @!p0 $0x1  }
0xb5: {  	s26 =	simm.s32 $execute0_lowered;
	[smem:$0x3FD2] =	sst s25  }
0xb6: {  	s7 =	sshll.u32 s26, $0x1;
	_ =	strace $0x8000004C;
	[dreg:$0x1] =	wrdreg $0xFFFFFFFF  }
0xb7: {  	s28 =	simm.s32 $_size_execute0_lowered;
	s5 =	sadd.s32 s5, s7;
	[dreg:$0x0] =	wrdreg $0x0  }
0xb8: {  	s7 =	sshll.u32 s28, $0x1;
	[dreg:$0x2] =	wrdreg s5  }
0xb9: {  	[dreg:$0x3] =	wrdreg s7  }
0xba: {  	[dreg:$0x4] =	wrdreg $0xC0  }
0xbb: {  	_ =	task [dreg:s22], $0x5FFFF  }
0xbc: {  	[dreg:$0x1] =	wrdreg $0xFFFFFFFF  }
0xbd: {  	[dreg:$0x0] =	wrdreg $0x60  }
0xbe: {  	[dreg:$0x2] =	wrdreg s18  }
0xbf: {  	[dreg:$0x3] =	wrdreg s4  }
0xc0: {  	[dreg:$0x4] =	wrdreg s24  }
0xc1: {  	[dreg:$0x5] =	wrdreg $0xA  }
0xc2: {  	_ =	task.clear_ibuf [dreg:s22], $0x6FFFF;
	_ =	strace $0x9000004C  }
0xc3: {  	s29 =	simm.s32 $0xA;
	_ =	strace $0x8000004E  }
0xc4: {  	_ =	swait.ge [sflag:s29], $0x1  }
0xc5: {  	[sflag:s29] =	ssyncadd.s32 $0xFFFFFFFF  }
0xc6: {  	_ =	strace $0x9000004E  }
0xc7: {  	_ =	sfence  }
0xc8: {  	s30 =	sld [smem:$0x0];
	_ =	sdelay $0x2  }
0xc9: {  	s31 =	sshll.u32 s1, $0xD;
	s1 =	sshrl.u32 s1, $0x2  }
0xca: {  	s4 =	sand.u32 $0x4000, s31;
	s1 =	sadd.s32 s1, s30  }
0xcb: {  	s0 =	sor.u32 s4, s0;
	s1 =	sshll.u32 s1, $0x11  }
0xcc: {  	s0 =	sor.u32 s1, s0  }
0xcd: {  	s0 =	sadd.s32 $0x8F2B, s0  }
0xce: {  	[sflag:s0] =	ssyncadd.remote.s32 $0x1  }
0xcf: {  	_ =	sfence.sel $0xFFFF  }
0xd0: {  	[dreg:$0x0] =	wrdreg $0xFFFFFFFF;
	(pc) =	sbr.abs _section_cstart, $3  }
0xd1: {  	[dreg:$0x1] =	wrdreg $0xFFFFFFFF  }
0xd2: {  	_ =	task.clear_ibuf [dreg:s22], $0x2FFFF;
	_ =	strace $0x9FFFFFFF  }
0xd3: {  	(tm) =	ssettm $0x7FFFFFFF  }
tec
execute0_lowered:
.L_overlay_start_1:
0x0: {  	(tag) =	ssettag $0x1  }
0x1: {  	s1 =	srdreg.scid  }
0x2: {  	s1 =	sand.u32 $0x1, s1  }
0x3: {  	p0 =	seq.s32 s1, $0x0  }
.Ltmp0:
0x4: {  	s5 =	rddreg [dreg:$0x0];
	(pc) =	sbr.rel @p0 .LBB2_4-.Ltmp0, $4  }
0x5: {  	s6 =	rddreg [dreg:$0x1]  }
0x6: {  	s4 =	rddreg [dreg:$0x2];
	s2 =	simm.s32 $0x0  }
0x7: {  	[smem:$0x7FF] =	sst s2  }
0x8: {  	s0 =	rddreg [dreg:$0x3];
	_ =	strace $0x8000004D;
	s1 =	stileid.u32  }
0x9: {  	s7 =	smul.u32 $0x1900, s1;
	_ =	sdelay $0x1  }
0xa: {  	s3 =	sadd.s32 $0x42600, s4;
	s8 =	sshrl.u32 s7, $0x3  }
0xb: {  	s9 =	simm.s32 $0x1;
	s3 =	sadd.s32 s3, s8  }
0xc: {  	[tilespmem:s2], [sflag:$0x1] =	stream.linear.gather [hbm4b:s3+s2], $0x1900, $0x38;
	[tilespmem:$0xD900] =	vst v63  }
0xd: {  	_ =	swait.ge [sflag:s9], $0x1900  }
0xe: {  	[sflag:s9] =	ssyncset.done $0x0  }
0xf: {  	s3 =	simm.s32 $0x1900;
	[sflag:s9] =	ssyncadd.s32 $0xFFFFE700  }
0x10: {  	[tilespmem:s3], [sflag:$0x1] =	stream.linear.gather [hbm4b:s6+s2], $0x4000, $0x38;
	[tilespmem:$0xD900] =	vst v63  }
0x11: {  	_ =	swait.ge [sflag:s9], $0x4000  }
0x12: {  	[sflag:s9] =	ssyncset.done $0x0  }
0x13: {  	s28 =	simm.s32 $0x5900;
	[sflag:s9] =	ssyncadd.s32 $0xFFFFC000  }
0x14: {  	[tilespmem:s28], [sflag:$0x1] =	stream.linear.gather [hbm4b:s5+s2], $0x4000, $0x38;
	[tilespmem:$0xD900] =	vst v63  }
0x15: {  	_ =	swait.ge [sflag:s9], $0x4000  }
0x16: {  	[sflag:s9] =	ssyncset.done $0x0  }
0x17: {  	s29 =	sadd.s32 $0x1E00, s4;
	s30 =	simm.s32 $0x9900;
	[sflag:s9] =	ssyncadd.s32 $0xFFFFC000  }
0x18: {  	[tilespmem:s30], [sflag:$0x1] =	stream.linear.gather [hbm4b:s29+s2], $0x4000, $0x38;
	[tilespmem:$0xD900] =	vst v63  }
0x19: {  	s31 =	sadd.s32 s8, s4;
	_ =	swait.ge [sflag:s9], $0x4000  }
0x1a: {  	v0 =	vmov s7;
	s7 =	simm.s32 $0x5940;
	s4 =	sadd.s32 $0x45800, s31;
	[sflag:s9] =	ssyncset.done $0x0  }
0x1b: {  	s6 =	simm.s32 $0x9940;
	s5 =	simm.s32 $0xFFFFFFF8;
	[sflag:s9] =	ssyncadd.s32 $0xFFFFC000  }
.LBB2_2:
0x1c: {  	v1 =	vld [tilespmem:s6+$0xFFFFFFC0]  }
0x1d: {  	v2 =	vld [tilespmem:s7+$0xFFFFFFC0];
	_ =	sdelay $0x4  }
0x1e: {  	v2 =	vsub.s32 v2, v0  }
0x1f: {  	vm0 =	vlt.u32 v2, $0x1900  }
0x20: {  	v2 =	vnsel vm0, $0x0, v2;
	v1 =	vld.idx.msk [tilespmem:v1+s3+$0x0], $0xffff;
	_ =	sdelay $0x4  }
0x21: {  	[tilespmem:v2+s2+$0x0] =	vst.idx.msk vm0, v1  }
0x22: {  	v1 =	vld [tilespmem:s6+$0xFFFFFFD0]  }
0x23: {  	v2 =	vld [tilespmem:s7+$0xFFFFFFD0];
	_ =	sdelay $0x4  }
0x24: {  	v2 =	vsub.s32 v2, v0  }
0x25: {  	vm9 =	vlt.u32 v2, $0x1900  }
0x26: {  	v2 =	vnsel vm9, $0x0, v2;
	v1 =	vld.idx.msk [tilespmem:v1+s3+$0x0], $0xffff;
	_ =	sdelay $0x4  }
0x27: {  	[tilespmem:v2+s2+$0x0] =	vst.idx.msk vm9, v1  }
0x28: {  	v1 =	vld [tilespmem:s6+$0xFFFFFFE0]  }
0x29: {  	v2 =	vld [tilespmem:s7+$0xFFFFFFE0];
	_ =	sdelay $0x4  }
0x2a: {  	v2 =	vsub.s32 v2, v0  }
0x2b: {  	vm10 =	vlt.u32 v2, $0x1900  }
0x2c: {  	v2 =	vnsel vm10, $0x0, v2;
	v1 =	vld.idx.msk [tilespmem:v1+s3+$0x0], $0xffff;
	_ =	sdelay $0x4  }
0x2d: {  	[tilespmem:v2+s2+$0x0] =	vst.idx.msk vm10, v1  }
0x2e: {  	v1 =	vld [tilespmem:s6+$0xFFFFFFF0]  }
0x2f: {  	v2 =	vld [tilespmem:s7+$0xFFFFFFF0];
	_ =	sdelay $0x4  }
0x30: {  	v2 =	vsub.s32 v2, v0  }
0x31: {  	vm11 =	vlt.u32 v2, $0x1900  }
0x32: {  	v2 =	vnsel vm11, $0x0, v2;
	v1 =	vld.idx.msk [tilespmem:v1+s3+$0x0], $0xffff;
	_ =	sdelay $0x4  }
0x33: {  	[tilespmem:v2+s2+$0x0] =	vst.idx.msk vm11, v1  }
0x34: {  	v1 =	vld [tilespmem:s6+$0x0]  }
0x35: {  	v2 =	vld [tilespmem:s7+$0x0];
	_ =	sdelay $0x4  }
0x36: {  	v2 =	vsub.s32 v2, v0  }
0x37: {  	vm12 =	vlt.u32 v2, $0x1900  }
0x38: {  	v2 =	vnsel vm12, $0x0, v2;
	v1 =	vld.idx.msk [tilespmem:v1+s3+$0x0], $0xffff;
	_ =	sdelay $0x4  }
0x39: {  	[tilespmem:v2+s2+$0x0] =	vst.idx.msk vm12, v1  }
0x3a: {  	v1 =	vld [tilespmem:s6+$0x10]  }
0x3b: {  	v2 =	vld [tilespmem:s7+$0x10];
	_ =	sdelay $0x4  }
0x3c: {  	v2 =	vsub.s32 v2, v0  }
0x3d: {  	vm13 =	vlt.u32 v2, $0x1900  }
0x3e: {  	v2 =	vnsel vm13, $0x0, v2;
	v1 =	vld.idx.msk [tilespmem:v1+s3+$0x0], $0xffff;
	_ =	sdelay $0x4  }
0x3f: {  	[tilespmem:v2+s2+$0x0] =	vst.idx.msk vm13, v1  }
0x40: {  	v1 =	vld [tilespmem:s6+$0x20]  }
0x41: {  	v2 =	vld [tilespmem:s7+$0x20];
	_ =	sdelay $0x4  }
0x42: {  	v2 =	vsub.s32 v2, v0  }
0x43: {  	vm14 =	vlt.u32 v2, $0x1900  }
0x44: {  	v2 =	vnsel vm14, $0x0, v2;
	v1 =	vld.idx.msk [tilespmem:v1+s3+$0x0], $0xffff;
	_ =	sdelay $0x4  }
0x45: {  	[tilespmem:v2+s2+$0x0] =	vst.idx.msk vm14, v1  }
0x46: {  	v1 =	vld [tilespmem:s6+$0x30]  }
0x47: {  	v2 =	vld [tilespmem:s7+$0x30];
	_ =	sdelay $0x4  }
0x48: {  	v2 =	vsub.s32 v2, v0  }
0x49: {  	s5 =	sadd.s32 $0x8, s5;
	vm15 =	vlt.u32 v2, $0x1900  }
0x4a: {  	p0 =	slt.u32 s5, $0x3F8;
	v2 =	vnsel vm15, $0x0, v2;
	v1 =	vld.idx.msk [tilespmem:v1+s3+$0x0], $0xffff  }
.Ltmp1:
0x4b: {  	_ = 	snop;
	(pc) =	sbr.rel @p0 .LBB2_2-.Ltmp1, $2  }
0x4c: {  	_ =	sdelay $0x2  }
0x4d: {  	s6 =	sadd.s32 $0x80, s6;
	s7 =	sadd.s32 $0x80, s7;
	[tilespmem:v2+s2+$0x0] =	vst.idx.msk vm15, v1  }
0x4e: {  	s2 =	simm.s32 $0x0;
	s31 =	simm.s32 $0x1  }
0x4f: {  	[hbm4b:s4+s2] =	stream.linear.scatter [tilespmem:s2], [sflag:$0x1], $0x1900, $0x38;
	[tilespmem:$0xD900] =	vst v63  }
0x50: {  	_ =	swait.ge [sflag:s31], $0x1900  }
0x51: {  	[sflag:s31] =	ssyncset.done $0x0  }
0x52: {  	[sflag:s31] =	ssyncadd.s32 $0xFFFFE700  }
.LBB2_4:
0x53: {  	_ =	sfence.sel $0x180000  }
0x54: {  	[bflag:$0x0] =	sbarrier.arrive $0xFFFF  }
0x55: {  	p0 =	sne.s32 s1, $0x0;
	_ =	strace $0x9000004D  }
0x56: {  	s0 =	sadd.s32 @!p0 $0x100000, s0;
	[bflag:$0x2] =	sbarrier.arrive $0xFFFF  }
0x57: {  	[sflag:s0] =	ssyncadd.tile.s32 @!p0 $0x1;
	_ =	shalt  }
.Lfunc_end2:
_tile_overlayer_lowered:
.L_overlay_start_2:
0x58: {  	(tag) =	ssettag $0x2  }
0x59: {  	s0 =	rddreg [dreg:$0x0];
	s2 =	stileid.u32  }
0x5a: {  	s1 =	rddreg [dreg:$0x1];
	p0 =	sne.s32 s2, $0x0  }
0x5b: {  	s3 =	rddreg [dreg:$0x2];
	[bflag:$0x3] =	sbarrier.arrive $0xFFFF;
	s2 =	simm.s32 @!p0 $0x1C01  }
0x5c: {  	[timem:s3], [sflag:s2] =	dma.local @!p0 [hbm:s0], s1  }
0x5d: {  	s0 =	simm.s32 @!p0 $0x1  }
0x5e: {  	_ =	swait.ge @!p0 [sflag:s0], s1  }
0x5f: {  	s1 =	ssub.s32 @!p0 $0x0, s1;
	[sflag:s0] =	ssyncset.done @!p0 $0x0  }
0x60: {  	[sflag:s0] =	ssyncadd.s32 @!p0 s1  }
0x61: {  	[bflag:$0x3] =	sbarrier.arrive $0xFFFF  }
0x62: {  	_ =	shalt  }

// kernel: kernel.17.cloned.1.call-start
scs
__scs_entry_jumppad:
0x0: {  	(pc) =	sbr.rel $0x88, $3  }
0x1: {  	(tag) =	ssettag $0x0;
	lr =	simm.s32 $0x1  }
0x2: {  	[smem:$0x3F98] =	sst lr;
	_ =	strace $0xD0000000  }
0x3: {  	_ = 	snop  }
0x4: {  	_ = 	snop  }
0x5: {  	_ = 	snop  }
0x6: {  	_ = 	snop  }
0x7: {  	_ = 	snop  }
__scs_overlays_trampoline_lowered:
0x8: {  	[smem:$0x3FA7] =	sst s0  }
0x9: {  	[smem:$0x3FA8] =	sst s1  }
0xa: {  	[smem:$0x3FA9] =	sst s2  }
0xb: {  	[smem:$0x3FAA] =	sst s3  }
0xc: {  	[smem:$0x3FAB] =	sst s4  }
0xd: {  	[smem:$0x3FAC] =	sst s5  }
0xe: {  	[smem:$0x3FAD] =	sst s6  }
0xf: {  	[smem:$0x3FAE] =	sst s7  }
0x10: {  	[smem:$0x3FAF] =	sst s8  }
0x11: {  	[smem:$0x3FB0] =	sst s9;
	s0 =	simm.s32 @!p0 $0x0  }
0x12: {  	s1 =	sld [smem:$0x3F96];
	s0 =	simm.s32 @p0 $0x1  }
0x13: {  	[smem:$0x3FB1] =	sst s0;
	s0 =	simm.s32 @!p1 $0x0  }
0x14: {  	s2 =	sld [smem:$0x3F95];
	s0 =	simm.s32 @p1 $0x1  }
0x15: {  	[smem:$0x3FB2] =	sst s0;
	s0 =	simm.s32 @!p2 $0x0  }
0x16: {  	s3 =	sld [smem:$0x3FDB];
	s0 =	simm.s32 @p2 $0x1  }
0x17: {  	s4 =	simm.s32 $0x1BF5;
	[smem:$0x3FB4] =	sst s0  }
0x18: {  	s0 =	sld [smem:$0x3F97];
	_ =	swait.ge [sflag:s4], $0x0  }
0x19: {  	s7 =	sld [smem:$0x3F98]  }
0x1a: {  	s8 =	sadd.s32 $0xFFFFE003, lr  }
0x1b: {  	s9 =	sadd.s32 $0xFFFFFEF7, lr;
	s5 =	simm.s32 $0xFFFFFFFF;
	p2 =	slt.u32 s8, $0xFFFFF086  }
0x1c: {  	p1 =	slt.u32 s9, $0xF7A;
	s5 =	simm.s32 @!p2 $0x0  }
0x1d: {  	s5 =	simm.s32 @p1 $0x1;
	p0 =	seq.s32 s7, s2  }
0x1e: {  	s7 =	smul.u32 @!p0 $0xF7A, s2;
	p2 =	seq.s32 @!p0 s5, $0x0  }
0x1f: {  	s9 =	smul.u32 $0xF7A, s1;
	s8 =	simm.s32 @!p0 $0x1BF5;
	p2 =	por !p2, p0  }
0x20: {  	[sflag:s8] =	ssyncset.s32 @!p0 $0xFFFFF086;
	s6 =	sadd.s32 @!p0 s3, s7;
	s7 =	simm.s32 @!p0 $0x108  }
0x21: {  	s3 =	sadd.s32 s3, s9;
	s6 =	sadd.s32 @!p0 $0x88, s6;
	s7 =	simm.s32 @p2 $0x1082  }
0x22: {  	[simem:s7], [sflag:s8] =	dma.local @!p0 [hbm:s6], $0xF7A  }
0x23: {  	s9 =	sor.u32 $0xD0000000, s2;
	s6 =	simm.s32 $0x108;
	_ =	swait.ge @!p0 [sflag:s8], $0x0  }
0x24: {  	s3 =	sadd.s32 $0x88, s3;
	s6 =	simm.s32 @!p1 $0x1082;
	[sflag:s4] =	ssyncset.s32 $0xFFFFF086  }
0x25: {  	[simem:s6], [sflag:s4] =	dma.local [hbm:s3], $0xF7A  }
0x26: {  	[smem:$0x3F98] =	sst s1;
	(tag) =	ssettag s2;
	_ =	strace s9  }
0x27: {  	s1 =	sld [smem:$0x3FA8]  }
0x28: {  	s2 =	sld [smem:$0x3FA9]  }
0x29: {  	s4 =	sld [smem:$0x3FAB]  }
0x2a: {  	p0 =	seq.s32 s5, $0x0;
	s5 =	sld [smem:$0x3FAC]  }
0x2b: {  	s6 =	sld [smem:$0x3FAD]  }
0x2c: {  	s7 =	sld [smem:$0x3FAE]  }
0x2d: {  	s3 =	simm.s32 $0x108;
	s8 =	sld [smem:$0x3FAF]  }
0x2e: {  	s3 =	simm.s32 @!p0 $0x1082;
	s9 =	sld [smem:$0x3FB0]  }
0x2f: {  	lr =	sadd.s32 s0, s3;
	s0 =	sld [smem:$0x3FA7]  }
0x30: {  	s3 =	sld [smem:$0x3FAA]  }
0x31: {  	[smem:$0x3FB3] =	sst s10  }
0x32: {  	s10 =	sld [smem:$0x3FB1];
	_ =	sdelay $0x3  }
0x33: {  	p0 =	seq.s32 s10, $0x1;
	s10 =	sld [smem:$0x3FB3];
	_ =	sdelay $0x3  }
0x34: {  	[smem:$0x3FB3] =	sst s10  }
0x35: {  	s10 =	sld [smem:$0x3FB2];
	_ =	sdelay $0x3  }
0x36: {  	p1 =	seq.s32 s10, $0x1;
	s10 =	sld [smem:$0x3FB3];
	_ =	sdelay $0x3  }
0x37: {  	[smem:$0x3FB3] =	sst s10  }
0x38: {  	s10 =	sld [smem:$0x3FB4]  }
0x39: {  	_ = 	snop;
	(pc) =	sbr.ind lr, $3  }
0x3a: {  	_ = 	snop  }
0x3b: {  	_ = 	snop  }
0x3c: {  	p2 =	seq.s32 s10, $0x1;
	s10 =	sld [smem:$0x3FB3]  }
0x3d: {  	_ =	shalt  }
0x3e: {  	_ =	shalt  }
0x3f: {  	_ =	shalt  }
0x40: {  	_ =	shalt  }
0x41: {  	_ =	shalt  }
0x42: {  	_ =	shalt  }
0x43: {  	_ =	shalt  }
0x44: {  	_ =	shalt  }
0x45: {  	_ =	shalt  }
0x46: {  	_ =	shalt  }
0x47: {  	_ =	shalt  }
0x48: {  	_ =	shalt  }
0x49: {  	_ =	shalt  }
0x4a: {  	_ =	shalt  }
0x4b: {  	_ =	shalt  }
0x4c: {  	_ =	shalt  }
0x4d: {  	_ =	shalt  }
0x4e: {  	_ =	shalt  }
0x4f: {  	_ =	shalt  }
0x50: {  	_ =	shalt  }
0x51: {  	_ =	shalt  }
0x52: {  	_ =	shalt  }
0x53: {  	_ =	shalt  }
0x54: {  	_ =	shalt  }
0x55: {  	_ =	shalt  }
0x56: {  	_ =	shalt  }
0x57: {  	_ =	shalt  }
0x58: {  	_ =	shalt  }
0x59: {  	_ =	shalt  }
0x5a: {  	_ =	shalt  }
0x5b: {  	_ =	shalt  }
0x5c: {  	_ =	shalt  }
0x5d: {  	_ =	shalt  }
0x5e: {  	_ =	shalt  }
0x5f: {  	_ =	shalt  }
0x60: {  	_ =	shalt  }
0x61: {  	_ =	shalt  }
0x62: {  	_ =	shalt  }
0x63: {  	_ =	shalt  }
0x64: {  	_ =	shalt  }
0x65: {  	_ =	shalt  }
0x66: {  	_ =	shalt  }
0x67: {  	_ =	shalt  }
0x68: {  	_ =	shalt  }
0x69: {  	_ =	shalt  }
0x6a: {  	_ =	shalt  }
0x6b: {  	_ =	shalt  }
0x6c: {  	_ =	shalt  }
0x6d: {  	_ =	shalt  }
0x6e: {  	_ =	shalt  }
0x6f: {  	_ =	shalt  }
0x70: {  	_ =	shalt  }
0x71: {  	_ =	shalt  }
0x72: {  	_ =	shalt  }
0x73: {  	_ =	shalt  }
0x74: {  	_ =	shalt  }
0x75: {  	_ =	shalt  }
0x76: {  	_ =	shalt  }
0x77: {  	_ =	shalt  }
0x78: {  	_ =	shalt  }
0x79: {  	_ =	shalt  }
0x7a: {  	_ =	shalt  }
0x7b: {  	_ =	shalt  }
0x7c: {  	_ =	shalt  }
0x7d: {  	_ =	shalt  }
0x7e: {  	_ =	shalt  }
0x7f: {  	_ =	shalt  }
0x80: {  	_ =	shalt  }
0x81: {  	_ =	shalt  }
0x82: {  	_ =	shalt  }
0x83: {  	_ =	shalt  }
0x84: {  	_ =	shalt  }
0x85: {  	_ =	shalt  }
0x86: {  	_ =	shalt  }
0x87: {  	_ =	shalt  }
.Lfunc_end0:
.L_simem_size_0:
called_computation.3_lowered:
.L_overlay_start_0:
0x88: {  	s2 =	sld [smem:$0x3FD9]  }
0x89: {  	s3 =	sld [smem:$0x3FFE];
	_ =	sdelay $0x1  }
0x8a: {  	s1 =	srdreg.scid  }
0x8b: {  	s0 =	sand.u32 $0x1, s1  }
0x8c: {  	s15 =	sshll.u32 s0, $0xA;
	s2 =	sadd.s32 s3, s2  }
0x8d: {  	s2 =	sadd.s32 s2, s15  }
0x8e: {  	[smem:$0x3FBF] =	sst s2  }
0x8f: {  	_ = 	snop  }
0x90: {  	s16 =	sld [smem:$0x3FD0];
	_ =	sdelay $0x2  }
0x91: {  	s4 =	simm.s32 $0xB;
	s5 =	simm.s32 $0x10;
	s2 =	sld [smem:$0x3FC9]  }
0x92: {  	[smem:s5], [sflag:s4] =	dma.local [hbm:s16], $0x1  }
0x93: {  	_ =	swait.eq [sflag:s4], $0x1  }
0x94: {  	[sflag:s4] =	ssyncset.done $0x0  }
0x95: {  	[sflag:s4] =	ssyncadd.s32 $0xFFFFFFFF  }
0x96: {  	s17 =	sld [smem:$0x10];
	(tm) =	ssettm $0x1  }
0x97: {  	s18 =	sld [smem:$0x3FFB];
	_ =	sdelay $0x3  }
0x98: {  	_ =	strace s18  }
0x99: {  	s3 =	sld [smem:$0x3FFC];
	_ =	sdelay $0x3  }
0x9a: {  	_ =	strace s3  }
0x9b: {  	s3 =	sld [smem:$0x3FFD];
	_ =	sdelay $0x3  }
0x9c: {  	_ =	strace s3  }
0x9d: {  	_ =	strace $0x8FFFFFFF  }
0x9e: {  	s19 =	sld [smem:$0x3FDB];
	_ =	sdelay $0x1  }
0x9f: {  	s20 =	simm.s32 $_scs_section_size  }
0xa0: {  	s6 =	simm.s32 $_size__tile_overlayer_lowered;
	s7 =	simm.s32 $_tile_overlayer_lowered  }
0xa1: {  	s8 =	simm.s32 $0x1BFF;
	s21 =	sshll.u32 s7, $0x1;
	s5 =	sadd.s32 s20, s19  }
0xa2: {  	s22 =	simm.s32 $0x0;
	s6 =	sshll.u32 s6, $0x1;
	s7 =	sadd.s32 s21, s5  }
0xa3: {  	[timem:s22], [sflag:s8] =	dma.local [hbm:s7], s6  }
0xa4: {  	_ =	swait.ge [sflag:s8], s6  }
0xa5: {  	s6 =	ssub.s32 $0x0, s6;
	[sflag:s8] =	ssyncset.done $0x0  }
0xa6: {  	[sflag:s8] =	ssyncadd.s32 s6;
	_ =	sdelay $0x1  }
0xa7: {  	s23 =	simm.s32 $0x1B8B  }
0xa8: {  	_ =	swait.ge [sflag:s23], $0x1  }
0xa9: {  	[sflag:s23] =	ssyncset.done $0x0  }
0xaa: {  	[sflag:s23] =	ssyncadd.s32 $0xFFFFFFFF  }
0xab: {  	s6 =	sld [smem:$0x0]  }
0xac: {  	s7 =	sand.u32 $0xFFFFFFFE, s1  }
0xad: {  	p0 =	sne.s32 s1, s7  }
0xae: {  	s7 =	sshll.u32 @p0 s7, $0xE  }
0xaf: {  	s7 =	sadd.s32 @p0 $0x11B8D, s7;
	s8 =	sshll.u32 @p0 s6, $0x11  }
0xb0: {  	s7 =	sor.u32 @p0 s8, s7  }
0xb1: {  	[sflag:s7] =	ssyncadd.remote.s32 @p0 $0x1;
	_ =	sdelay $0x1  }
0xb2: {  	s7 =	simm.s32 @p0 $0x1B8D  }
0xb3: {  	_ =	swait.eq @p0 [sflag:s7], $0x1  }
0xb4: {  	[sflag:s7] =	ssyncadd.s32 @p0 $0xFFFFFFFF  }
0xb5: {  	s8 =	sshll.u32 @!p0 s1, $0xE  }
0xb6: {  	s8 =	sor.u32 @!p0 $0x4000, s8;
	s7 =	simm.s32 @!p0 $0x1B8D  }
0xb7: {  	s6 =	sshll.u32 @!p0 s6, $0x11;
	s8 =	sadd.s32 @!p0 $0x11B8D, s8;
	_ =	swait.eq @!p0 [sflag:s7], $0x1  }
0xb8: {  	s6 =	sor.u32 @!p0 s6, s8;
	[sflag:s7] =	ssyncadd.s32 @!p0 $0xFFFFFFFF  }
0xb9: {  	s25 =	simm.s32 $0x1B8E;
	s24 =	sld [smem:$0x3FFE];
	[sflag:s6] =	ssyncadd.remote.s32 @!p0 $0x1  }
0xba: {  	s26 =	simm.s32 $execute0_lowered;
	[smem:$0x3FD2] =	sst s25  }
0xbb: {  	s7 =	sshll.u32 s26, $0x1;
	_ =	strace $0x8000004F;
	[dreg:$0x1] =	wrdreg $0xFFFFFFFF  }
0xbc: {  	s28 =	simm.s32 $_size_execute0_lowered;
	s5 =	sadd.s32 s5, s7;
	[dreg:$0x0] =	wrdreg $0x0  }
0xbd: {  	s7 =	sshll.u32 s28, $0x1;
	[dreg:$0x2] =	wrdreg s5  }
0xbe: {  	[dreg:$0x3] =	wrdreg s7  }
0xbf: {  	[dreg:$0x4] =	wrdreg $0xC0  }
0xc0: {  	_ =	task [dreg:s22], $0x5FFFF  }
0xc1: {  	[dreg:$0x1] =	wrdreg $0xFFFFFFFF  }
0xc2: {  	[dreg:$0x0] =	wrdreg $0x60  }
0xc3: {  	[dreg:$0x2] =	wrdreg s2  }
0xc4: {  	[dreg:$0x3] =	wrdreg s24  }
0xc5: {  	[dreg:$0x4] =	wrdreg s17  }
0xc6: {  	[dreg:$0x5] =	wrdreg $0x9  }
0xc7: {  	_ =	task.clear_ibuf [dreg:s22], $0x6FFFF;
	_ =	strace $0x9000004F  }
0xc8: {  	s29 =	simm.s32 $0x9;
	_ =	strace $0x80000051  }
0xc9: {  	_ =	swait.ge [sflag:s29], $0x1  }
0xca: {  	[sflag:s29] =	ssyncadd.s32 $0xFFFFFFFF  }
0xcb: {  	_ =	strace $0x90000051  }
0xcc: {  	_ =	sfence  }
0xcd: {  	s30 =	sld [smem:$0x0];
	_ =	sdelay $0x2  }
0xce: {  	s31 =	sshll.u32 s1, $0xD;
	s1 =	sshrl.u32 s1, $0x2  }
0xcf: {  	s4 =	sand.u32 $0x4000, s31;
	s1 =	sadd.s32 s1, s30  }
0xd0: {  	s0 =	sor.u32 s4, s0;
	s1 =	sshll.u32 s1, $0x11  }
0xd1: {  	s0 =	sor.u32 s1, s0  }
0xd2: {  	s0 =	sadd.s32 $0x8F2B, s0  }
0xd3: {  	[sflag:s0] =	ssyncadd.remote.s32 $0x1  }
0xd4: {  	_ =	sfence.sel $0xFFFF  }
0xd5: {  	[dreg:$0x0] =	wrdreg $0xFFFFFFFF;
	(pc) =	sbr.abs _section_cstart, $3  }
0xd6: {  	[dreg:$0x1] =	wrdreg $0xFFFFFFFF  }
0xd7: {  	_ =	task.clear_ibuf [dreg:s22], $0x2FFFF;
	_ =	strace $0x9FFFFFFF  }
0xd8: {  	(tm) =	ssettm $0x7FFFFFFF  }
0xd9: {  	_ =	shalt  }
tec
execute0_lowered:
.L_overlay_start_1:
0x0: {  	(tag) =	ssettag $0x1  }
0x1: {  	s6 =	rddreg [dreg:$0x0]  }
0x2: {  	s12 =	rddreg [dreg:$0x1]  }
0x3: {  	s2 =	rddreg [dreg:$0x2];
	s3 =	srdreg.scid  }
0x4: {  	s0 =	rddreg [dreg:$0x3];
	s1 =	stileid.u32;
	s17 =	sand.u32 $0x1, s3  }
0x5: {  	s3 =	simm.s32 $0x0;
	s4 =	sshll.u32 s1, $0x7;
	s5 =	sshll.u32 s17, $0x6  }
0x6: {  	[smem:$0x7FF] =	sst s3;
	s8 =	sor.u32 s5, s4  }
0x7: {  	_ =	strace $0x80000050;
	s5 =	simm.s32 $0x3;
	s4 =	sadd.s32 s6, s8  }
0x8: {  	[tilespmem:s3], [sflag:$0x3] =	stream.linear.gather [hbm4b:s4+s3], $0x100, $0x38;
	[tilespmem:$0x10400] =	vst v63  }
0x9: {  	_ =	swait.ge [sflag:s5], $0x100  }
0xa: {  	s10 =	sor.u32 $0x20, s8;
	[sflag:s5] =	ssyncset.done $0x0  }
0xb: {  	s7 =	simm.s32 $0x100;
	s6 =	sadd.s32 s6, s10;
	[sflag:s5] =	ssyncadd.s32 $0xFFFFFF00  }
0xc: {  	[tilespmem:s7], [sflag:$0x3] =	stream.linear.gather [hbm4b:s6+s3], $0x100, $0x38;
	[tilespmem:$0x10400] =	vst v63  }
0xd: {  	_ =	swait.ge [sflag:s5], $0x100  }
0xe: {  	s11 =	sadd.s32 $0x1E00, s12;
	[sflag:s5] =	ssyncset.done $0x0  }
0xf: {  	s9 =	simm.s32 $0x200;
	s8 =	sadd.s32 s11, s8;
	[sflag:s5] =	ssyncadd.s32 $0xFFFFFF00  }
0x10: {  	[tilespmem:s9], [sflag:$0x3] =	stream.linear.gather [hbm4b:s8+s3], $0x100, $0x38;
	[tilespmem:$0x10400] =	vst v63  }
0x11: {  	_ =	swait.ge [sflag:s5], $0x100  }
0x12: {  	[sflag:s5] =	ssyncset.done $0x0  }
0x13: {  	s10 =	sadd.s32 s11, s10;
	s11 =	simm.s32 $0x300;
	[sflag:s5] =	ssyncadd.s32 $0xFFFFFF00  }
0x14: {  	[tilespmem:s11], [sflag:$0x3] =	stream.linear.gather [hbm4b:s10+s3], $0x100, $0x38;
	[tilespmem:$0x10400] =	vst v63  }
0x15: {  	_ =	swait.ge [sflag:s5], $0x100  }
0x16: {  	[sflag:s5] =	ssyncset.done $0x0  }
0x17: {  	s13 =	simm.s32 $0x400;
	s12 =	sadd.s32 $0x2600, s12;
	[sflag:s5] =	ssyncadd.s32 $0xFFFFFF00  }
0x18: {  	[tilespmem:s13], [sflag:$0x1] =	stream.indirect.gather [hbm4b:s12+s7], $0x80, s9, s7, $0xb8;
	[tilespmem:$0x10400] =	vst v63  }
0x19: {  	s14 =	simm.s32 $0x8400;
	s15 =	simm.s32 $0x1  }
0x1a: {  	[tilespmem:s14], [sflag:$0x2] =	stream.indirect.gather [hbm4b:s12+s7], $0x80, s11, s7, $0xb8;
	[tilespmem:$0x10400] =	vst v63  }
0x1b: {  	_ =	swait.ge [sflag:s15], $0x8000  }
0x1c: {  	s17 =	ssub.s32 $0x2, s17;
	[sflag:s15] =	ssyncset.done $0x0  }
0x1d: {  	s16 =	simm.s32 $0x2;
	s18 =	sshrl.u32 s17, $0x1;
	[sflag:s15] =	ssyncadd.s32 $0xFFFF8000  }
0x1e: {  	[hbm4b:s2+s7] =	stream.indirect.scatter [tilespmem:s13], [sflag:$0x1], $0x80, s3, s7, $0xb8;
	[tilespmem:$0x10400] =	vst v63  }
0x1f: {  	s17 =	ssub.s32 s17, s18;
	_ =	swait.ge [sflag:s16], $0x8000  }
0x20: {  	s17 =	smax.u32 s17, $0x1;
	[sflag:s16] =	ssyncset.done $0x0  }
0x21: {  	p0 =	sne.s32 s17, $0x1;
	[sflag:s16] =	ssyncadd.s32 $0xFFFF8000  }
0x22: {  	[hbm4b:s2+s7] =	stream.indirect.scatter [tilespmem:s14], [sflag:$0x2], $0x80, s7, s7, $0xb8;
	[tilespmem:$0x10400] =	vst v63  }
.Ltmp0:
0x23: {  	_ =	swait.ge [sflag:s15], $0x8000;
	(pc) =	sbr.rel @!p0 .LBB2_2-.Ltmp0, $4  }
0x24: {  	[sflag:s15] =	ssyncset.done $0x0  }
0x25: {  	[sflag:s15] =	ssyncadd.s32 $0xFFFF8000  }
0x26: {  	_ =	swait.ge [sflag:s16], $0x8000  }
0x27: {  	s17 =	sadd.s32 $0xFFFFFFFF, s17;
	[sflag:s16] =	ssyncset.done $0x0  }
.LBB2_1:
0x28: {  	p0 =	sne.s32 s17, $0x1;
	s17 =	sadd.s32 $0xFFFFFFFF, s17;
	[sflag:s16] =	ssyncadd.s32 $0xFFFF8000  }
0x29: {  	[tilespmem:s3], [sflag:$0x3] =	stream.linear.gather [hbm4b:s4+s3], $0x100, $0x38;
	[tilespmem:$0x10400] =	vst v63  }
0x2a: {  	_ =	swait.ge [sflag:s5], $0x100  }
0x2b: {  	[sflag:s5] =	ssyncset.done $0x0  }
0x2c: {  	[sflag:s5] =	ssyncadd.s32 $0xFFFFFF00  }
0x2d: {  	[tilespmem:s7], [sflag:$0x3] =	stream.linear.gather [hbm4b:s6+s3], $0x100, $0x38;
	[tilespmem:$0x10400] =	vst v63  }
0x2e: {  	_ =	swait.ge [sflag:s5], $0x100  }
0x2f: {  	[sflag:s5] =	ssyncset.done $0x0  }
0x30: {  	[sflag:s5] =	ssyncadd.s32 $0xFFFFFF00  }
0x31: {  	[tilespmem:s9], [sflag:$0x3] =	stream.linear.gather [hbm4b:s8+s3], $0x100, $0x38;
	[tilespmem:$0x10400] =	vst v63  }
0x32: {  	_ =	swait.ge [sflag:s5], $0x100  }
0x33: {  	[sflag:s5] =	ssyncset.done $0x0  }
0x34: {  	[sflag:s5] =	ssyncadd.s32 $0xFFFFFF00  }
0x35: {  	[tilespmem:s11], [sflag:$0x3] =	stream.linear.gather [hbm4b:s10+s3], $0x100, $0x38;
	[tilespmem:$0x10400] =	vst v63  }
0x36: {  	_ =	swait.ge [sflag:s5], $0x100  }
0x37: {  	[sflag:s5] =	ssyncset.done $0x0  }
0x38: {  	[sflag:s5] =	ssyncadd.s32 $0xFFFFFF00  }
0x39: {  	[tilespmem:s13], [sflag:$0x1] =	stream.indirect.gather [hbm4b:s12+s7], $0x80, s9, s7, $0xb8;
	[tilespmem:$0x10400] =	vst v63  }
0x3a: {  	_ = 	snop  }
0x3b: {  	[tilespmem:s14], [sflag:$0x2] =	stream.indirect.gather [hbm4b:s12+s7], $0x80, s11, s7, $0xb8;
	[tilespmem:$0x10400] =	vst v63  }
0x3c: {  	_ =	swait.ge [sflag:s15], $0x8000  }
0x3d: {  	[sflag:s15] =	ssyncset.done $0x0  }
0x3e: {  	[sflag:s15] =	ssyncadd.s32 $0xFFFF8000  }
0x3f: {  	[hbm4b:s2+s7] =	stream.indirect.scatter [tilespmem:s13], [sflag:$0x1], $0x80, s3, s7, $0xb8;
	[tilespmem:$0x10400] =	vst v63  }
0x40: {  	_ =	swait.ge [sflag:s16], $0x8000  }
0x41: {  	[sflag:s16] =	ssyncset.done $0x0  }
0x42: {  	[sflag:s16] =	ssyncadd.s32 $0xFFFF8000  }
0x43: {  	[hbm4b:s2+s7] =	stream.indirect.scatter [tilespmem:s14], [sflag:$0x2], $0x80, s7, s7, $0xb8;
	[tilespmem:$0x10400] =	vst v63  }
.Ltmp1:
0x44: {  	_ =	swait.ge [sflag:s15], $0x8000;
	(pc) =	sbr.rel @p0 .LBB2_1-.Ltmp1, $4  }
0x45: {  	[sflag:s15] =	ssyncset.done $0x0  }
0x46: {  	[sflag:s15] =	ssyncadd.s32 $0xFFFF8000  }
0x47: {  	_ =	swait.ge [sflag:s16], $0x8000  }
0x48: {  	[sflag:s16] =	ssyncset.done $0x0  }
.LBB2_2:
0x49: {  	[sflag:s16] =	ssyncadd.s32 $0xFFFF8000  }
0x4a: {  	_ =	sfence.sel $0x180000  }
0x4b: {  	[bflag:$0x0] =	sbarrier.arrive $0xFFFF  }
0x4c: {  	p0 =	sne.s32 s1, $0x0;
	_ =	strace $0x90000050  }
0x4d: {  	s0 =	sadd.s32 @!p0 $0x100000, s0;
	[bflag:$0x2] =	sbarrier.arrive $0xFFFF  }
0x4e: {  	[sflag:s0] =	ssyncadd.tile.s32 @!p0 $0x1;
	_ =	shalt  }
.Lfunc_end2:
_tile_overlayer_lowered:
.L_overlay_start_2:
0x4f: {  	(tag) =	ssettag $0x2  }
0x50: {  	s0 =	rddreg [dreg:$0x0];
	s2 =	stileid.u32  }
0x51: {  	s1 =	rddreg [dreg:$0x1];
	p0 =	sne.s32 s2, $0x0  }
0x52: {  	s3 =	rddreg [dreg:$0x2];
	[bflag:$0x3] =	sbarrier.arrive $0xFFFF;
	s2 =	simm.s32 @!p0 $0x1C03  }
0x53: {  	[timem:s3], [sflag:s2] =	dma.local @!p0 [hbm:s0], s1  }
0x54: {  	s0 =	simm.s32 @!p0 $0x3  }
0x55: {  	_ =	swait.ge @!p0 [sflag:s0], s1  }
0x56: {  	s1 =	ssub.s32 @!p0 $0x0, s1;
	[sflag:s0] =	ssyncset.done @!p0 $0x0  }
0x57: {  	[sflag:s0] =	ssyncadd.s32 @!p0 s1  }
0x58: {  	[bflag:$0x3] =	sbarrier.arrive $0xFFFF  }
0x59: {  	_ =	shalt  }

// kernel: kernel.8.cloned.1.call-start
scs
__scs_entry_jumppad:
0x0: {  	(pc) =	sbr.rel $0x88, $3  }
0x1: {  	(tag) =	ssettag $0x0;
	lr =	simm.s32 $0x1  }
0x2: {  	[smem:$0x3F98] =	sst lr;
	_ =	strace $0xD0000000  }
0x3: {  	_ = 	snop  }
0x4: {  	_ = 	snop  }
0x5: {  	_ = 	snop  }
0x6: {  	_ = 	snop  }
0x7: {  	_ = 	snop  }
__scs_overlays_trampoline_lowered:
0x8: {  	[smem:$0x3FA7] =	sst s0  }
0x9: {  	[smem:$0x3FA8] =	sst s1  }
0xa: {  	[smem:$0x3FA9] =	sst s2  }
0xb: {  	[smem:$0x3FAA] =	sst s3  }
0xc: {  	[smem:$0x3FAB] =	sst s4  }
0xd: {  	[smem:$0x3FAC] =	sst s5  }
0xe: {  	[smem:$0x3FAD] =	sst s6  }
0xf: {  	[smem:$0x3FAE] =	sst s7  }
0x10: {  	[smem:$0x3FAF] =	sst s8  }
0x11: {  	[smem:$0x3FB0] =	sst s9;
	s0 =	simm.s32 @!p0 $0x0  }
0x12: {  	s1 =	sld [smem:$0x3F96];
	s0 =	simm.s32 @p0 $0x1  }
0x13: {  	[smem:$0x3FB1] =	sst s0;
	s0 =	simm.s32 @!p1 $0x0  }
0x14: {  	s2 =	sld [smem:$0x3F95];
	s0 =	simm.s32 @p1 $0x1  }
0x15: {  	[smem:$0x3FB2] =	sst s0;
	s0 =	simm.s32 @!p2 $0x0  }
0x16: {  	s3 =	sld [smem:$0x3FDB];
	s0 =	simm.s32 @p2 $0x1  }
0x17: {  	s4 =	simm.s32 $0x1BF5;
	[smem:$0x3FB4] =	sst s0  }
0x18: {  	s0 =	sld [smem:$0x3F97];
	_ =	swait.ge [sflag:s4], $0x0  }
0x19: {  	s7 =	sld [smem:$0x3F98]  }
0x1a: {  	s8 =	sadd.s32 $0xFFFFE003, lr  }
0x1b: {  	s9 =	sadd.s32 $0xFFFFFEF7, lr;
	s5 =	simm.s32 $0xFFFFFFFF;
	p2 =	slt.u32 s8, $0xFFFFF086  }
0x1c: {  	p1 =	slt.u32 s9, $0xF7A;
	s5 =	simm.s32 @!p2 $0x0  }
0x1d: {  	s5 =	simm.s32 @p1 $0x1;
	p0 =	seq.s32 s7, s2  }
0x1e: {  	s7 =	smul.u32 @!p0 $0xF7A, s2;
	p2 =	seq.s32 @!p0 s5, $0x0  }
0x1f: {  	s9 =	smul.u32 $0xF7A, s1;
	s8 =	simm.s32 @!p0 $0x1BF5;
	p2 =	por !p2, p0  }
0x20: {  	[sflag:s8] =	ssyncset.s32 @!p0 $0xFFFFF086;
	s6 =	sadd.s32 @!p0 s3, s7;
	s7 =	simm.s32 @!p0 $0x108  }
0x21: {  	s3 =	sadd.s32 s3, s9;
	s6 =	sadd.s32 @!p0 $0x88, s6;
	s7 =	simm.s32 @p2 $0x1082  }
0x22: {  	[simem:s7], [sflag:s8] =	dma.local @!p0 [hbm:s6], $0xF7A  }
0x23: {  	s9 =	sor.u32 $0xD0000000, s2;
	s6 =	simm.s32 $0x108;
	_ =	swait.ge @!p0 [sflag:s8], $0x0  }
0x24: {  	s3 =	sadd.s32 $0x88, s3;
	s6 =	simm.s32 @!p1 $0x1082;
	[sflag:s4] =	ssyncset.s32 $0xFFFFF086  }
0x25: {  	[simem:s6], [sflag:s4] =	dma.local [hbm:s3], $0xF7A  }
0x26: {  	[smem:$0x3F98] =	sst s1;
	(tag) =	ssettag s2;
	_ =	strace s9  }
0x27: {  	s1 =	sld [smem:$0x3FA8]  }
0x28: {  	s2 =	sld [smem:$0x3FA9]  }
0x29: {  	s4 =	sld [smem:$0x3FAB]  }
0x2a: {  	p0 =	seq.s32 s5, $0x0;
	s5 =	sld [smem:$0x3FAC]  }
0x2b: {  	s6 =	sld [smem:$0x3FAD]  }
0x2c: {  	s7 =	sld [smem:$0x3FAE]  }
0x2d: {  	s3 =	simm.s32 $0x108;
	s8 =	sld [smem:$0x3FAF]  }
0x2e: {  	s3 =	simm.s32 @!p0 $0x1082;
	s9 =	sld [smem:$0x3FB0]  }
0x2f: {  	lr =	sadd.s32 s0, s3;
	s0 =	sld [smem:$0x3FA7]  }
0x30: {  	s3 =	sld [smem:$0x3FAA]  }
0x31: {  	[smem:$0x3FB3] =	sst s10  }
0x32: {  	s10 =	sld [smem:$0x3FB1];
	_ =	sdelay $0x3  }
0x33: {  	p0 =	seq.s32 s10, $0x1;
	s10 =	sld [smem:$0x3FB3];
	_ =	sdelay $0x3  }
0x34: {  	[smem:$0x3FB3] =	sst s10  }
0x35: {  	s10 =	sld [smem:$0x3FB2];
	_ =	sdelay $0x3  }
0x36: {  	p1 =	seq.s32 s10, $0x1;
	s10 =	sld [smem:$0x3FB3];
	_ =	sdelay $0x3  }
0x37: {  	[smem:$0x3FB3] =	sst s10  }
0x38: {  	s10 =	sld [smem:$0x3FB4]  }
0x39: {  	_ = 	snop;
	(pc) =	sbr.ind lr, $3  }
0x3a: {  	_ = 	snop  }
0x3b: {  	_ = 	snop  }
0x3c: {  	p2 =	seq.s32 s10, $0x1;
	s10 =	sld [smem:$0x3FB3]  }
0x3d: {  	_ =	shalt  }
0x3e: {  	_ =	shalt  }
0x3f: {  	_ =	shalt  }
0x40: {  	_ =	shalt  }
0x41: {  	_ =	shalt  }
0x42: {  	_ =	shalt  }
0x43: {  	_ =	shalt  }
0x44: {  	_ =	shalt  }
0x45: {  	_ =	shalt  }
0x46: {  	_ =	shalt  }
0x47: {  	_ =	shalt  }
0x48: {  	_ =	shalt  }
0x49: {  	_ =	shalt  }
0x4a: {  	_ =	shalt  }
0x4b: {  	_ =	shalt  }
0x4c: {  	_ =	shalt  }
0x4d: {  	_ =	shalt  }
0x4e: {  	_ =	shalt  }
0x4f: {  	_ =	shalt  }
0x50: {  	_ =	shalt  }
0x51: {  	_ =	shalt  }
0x52: {  	_ =	shalt  }
0x53: {  	_ =	shalt  }
0x54: {  	_ =	shalt  }
0x55: {  	_ =	shalt  }
0x56: {  	_ =	shalt  }
0x57: {  	_ =	shalt  }
0x58: {  	_ =	shalt  }
0x59: {  	_ =	shalt  }
0x5a: {  	_ =	shalt  }
0x5b: {  	_ =	shalt  }
0x5c: {  	_ =	shalt  }
0x5d: {  	_ =	shalt  }
0x5e: {  	_ =	shalt  }
0x5f: {  	_ =	shalt  }
0x60: {  	_ =	shalt  }
0x61: {  	_ =	shalt  }
0x62: {  	_ =	shalt  }
0x63: {  	_ =	shalt  }
0x64: {  	_ =	shalt  }
0x65: {  	_ =	shalt  }
0x66: {  	_ =	shalt  }
0x67: {  	_ =	shalt  }
0x68: {  	_ =	shalt  }
0x69: {  	_ =	shalt  }
0x6a: {  	_ =	shalt  }
0x6b: {  	_ =	shalt  }
0x6c: {  	_ =	shalt  }
0x6d: {  	_ =	shalt  }
0x6e: {  	_ =	shalt  }
0x6f: {  	_ =	shalt  }
0x70: {  	_ =	shalt  }
0x71: {  	_ =	shalt  }
0x72: {  	_ =	shalt  }
0x73: {  	_ =	shalt  }
0x74: {  	_ =	shalt  }
0x75: {  	_ =	shalt  }
0x76: {  	_ =	shalt  }
0x77: {  	_ =	shalt  }
0x78: {  	_ =	shalt  }
0x79: {  	_ =	shalt  }
0x7a: {  	_ =	shalt  }
0x7b: {  	_ =	shalt  }
0x7c: {  	_ =	shalt  }
0x7d: {  	_ =	shalt  }
0x7e: {  	_ =	shalt  }
0x7f: {  	_ =	shalt  }
0x80: {  	_ =	shalt  }
0x81: {  	_ =	shalt  }
0x82: {  	_ =	shalt  }
0x83: {  	_ =	shalt  }
0x84: {  	_ =	shalt  }
0x85: {  	_ =	shalt  }
0x86: {  	_ =	shalt  }
0x87: {  	_ =	shalt  }
.Lfunc_end0:
.L_simem_size_0:
called_computation_lowered:
.L_overlay_start_0:
0x88: {  	s2 =	sld [smem:$0x3FD9]  }
0x89: {  	s3 =	sld [smem:$0x3FFE];
	_ =	sdelay $0x1  }
0x8a: {  	s1 =	srdreg.scid  }
0x8b: {  	s0 =	sand.u32 $0x1, s1  }
0x8c: {  	s17 =	sshll.u32 s0, $0xA;
	s2 =	sadd.s32 s3, s2  }
0x8d: {  	s2 =	sadd.s32 s2, s17  }
0x8e: {  	[smem:$0x3FBF] =	sst s2  }
0x8f: {  	_ = 	snop  }
0x90: {  	s2 =	sld [smem:$0x3FC9];
	(tm) =	ssettm $0x1  }
0x91: {  	s18 =	sld [smem:$0x3FFB];
	_ =	sdelay $0x3  }
0x92: {  	_ =	strace s18  }
0x93: {  	s3 =	sld [smem:$0x3FFC];
	_ =	sdelay $0x3  }
0x94: {  	_ =	strace s3  }
0x95: {  	s3 =	sld [smem:$0x3FFD];
	_ =	sdelay $0x3  }
0x96: {  	_ =	strace s3  }
0x97: {  	_ =	strace $0x8FFFFFFF  }
0x98: {  	s19 =	sld [smem:$0x3FDB];
	_ =	sdelay $0x1  }
0x99: {  	s4 =	simm.s32 $_scs_section_size  }
0x9a: {  	s5 =	simm.s32 $_size__tile_overlayer_lowered;
	s6 =	simm.s32 $_tile_overlayer_lowered  }
0x9b: {  	s22 =	simm.s32 $0x1BFF;
	s21 =	sshll.u32 s6, $0x1;
	s3 =	sadd.s32 s4, s19  }
0x9c: {  	s7 =	simm.s32 $0x0;
	s20 =	sshll.u32 s5, $0x1;
	s5 =	sadd.s32 s21, s3  }
0x9d: {  	[timem:s7], [sflag:s22] =	dma.local [hbm:s5], s20  }
0x9e: {  	_ =	swait.ge [sflag:s22], s20  }
0x9f: {  	s4 =	ssub.s32 $0x0, s20;
	[sflag:s22] =	ssyncset.done $0x0  }
0xa0: {  	[sflag:s22] =	ssyncadd.s32 s4;
	_ =	sdelay $0x1  }
0xa1: {  	s23 =	simm.s32 $0x1B8B  }
0xa2: {  	_ =	swait.ge [sflag:s23], $0x1  }
0xa3: {  	[sflag:s23] =	ssyncset.done $0x0  }
0xa4: {  	s25 =	simm.s32 $0x1B8E;
	s24 =	sld [smem:$0x3FFE];
	[sflag:s23] =	ssyncadd.s32 $0xFFFFFFFF  }
0xa5: {  	s26 =	simm.s32 $execute0_lowered;
	[smem:$0x3FD2] =	sst s25  }
0xa6: {  	s5 =	sshll.u32 s26, $0x1;
	_ =	strace $0x80000046;
	[dreg:$0x1] =	wrdreg $0xFFFFFFFF  }
0xa7: {  	s28 =	simm.s32 $_size_execute0_lowered;
	s3 =	sadd.s32 s3, s5;
	[dreg:$0x0] =	wrdreg $0x0  }
0xa8: {  	s5 =	sshll.u32 s28, $0x1;
	[dreg:$0x2] =	wrdreg s3  }
0xa9: {  	[dreg:$0x3] =	wrdreg s5  }
0xaa: {  	[dreg:$0x4] =	wrdreg $0xC0  }
0xab: {  	_ =	task [dreg:s7], $0x5FFFF  }
0xac: {  	[dreg:$0x1] =	wrdreg $0xFFFFFFFF  }
0xad: {  	[dreg:$0x0] =	wrdreg $0x60  }
0xae: {  	[dreg:$0x2] =	wrdreg s2  }
0xaf: {  	[dreg:$0x3] =	wrdreg s24  }
0xb0: {  	[dreg:$0x4] =	wrdreg $0xA  }
0xb1: {  	_ =	task.clear_ibuf [dreg:s7], $0x5FFFF;
	_ =	strace $0x90000046  }
0xb2: {  	s29 =	simm.s32 $0xA;
	_ =	strace $0x80000048  }
0xb3: {  	_ =	swait.ge [sflag:s29], $0x1  }
0xb4: {  	[sflag:s29] =	ssyncadd.s32 $0xFFFFFFFF  }
0xb5: {  	_ =	strace $0x90000048  }
0xb6: {  	_ =	sfence  }
0xb7: {  	s30 =	sld [smem:$0x0];
	_ =	sdelay $0x2  }
0xb8: {  	s31 =	sshll.u32 s1, $0xD;
	s1 =	sshrl.u32 s1, $0x2  }
0xb9: {  	s3 =	sand.u32 $0x4000, s31;
	s1 =	sadd.s32 s1, s30  }
0xba: {  	s0 =	sor.u32 s3, s0;
	s1 =	sshll.u32 s1, $0x11  }
0xbb: {  	s0 =	sor.u32 s1, s0  }
0xbc: {  	s0 =	sadd.s32 $0x8F2B, s0  }
0xbd: {  	[sflag:s0] =	ssyncadd.remote.s32 $0x1  }
0xbe: {  	_ =	sfence.sel $0xFFFF  }
0xbf: {  	[dreg:$0x0] =	wrdreg $0xFFFFFFFF;
	(pc) =	sbr.abs _section_cstart, $3  }
0xc0: {  	[dreg:$0x1] =	wrdreg $0xFFFFFFFF  }
0xc1: {  	_ =	task.clear_ibuf [dreg:s7], $0x2FFFF;
	_ =	strace $0x9FFFFFFF  }
0xc2: {  	(tm) =	ssettm $0x7FFFFFFF  }
0xc3: {  	_ =	shalt  }
tec
execute0_lowered:
.L_overlay_start_1:
0x0: {  	(tag) =	ssettag $0x1  }
0x1: {  	s0 =	srdreg.scid  }
0x2: {  	s4 =	sand.u32 $0x1, s0;
	s0 =	stileid.u32  }
0x3: {  	s5 =	sor.u32 s0, s4  }
0x4: {  	p0 =	sne.s32 s5, $0x0  }
.Ltmp0:
0x5: {  	_ = 	snop;
	(pc) =	sbr.rel @p0 .LBB2_7-.Ltmp0, $4  }
0x6: {  	_ = 	snop  }
0x7: {  	s2 =	rddreg [dreg:$0x0]  }
0x8: {  	s3 =	rddreg [dreg:$0x1]  }
0x9: {  	s1 =	rddreg [dreg:$0x2];
	_ =	strace $0x80000047  }
0xa: {  	v0 =	vimm.s32 $0x87654321;
	v1 =	vimm.s32 $0xFFEDCBA9;
	v2 =	vimm.s32 $0xFFFEDCBA  }
0xb: {  	v3 =	vimm.s32 $0xA9876543;
	vm0 =	vcmask $0x1F00;
	v4 =	vimm.s32 $0xE0D0C0B  }
0xc: {  	v5 =	vimm.s32 $0xCBA98765;
	vm1 =	vcmask $0x2F20;
	v6 =	vimm.s32 $0xDCBA9876  }
0xd: {  	v7 =	vimm.s32 $0xEDCBA987;
	v12 =	vimm.s32 $0xFEDCBA98;
	v15 =	vlaneseq.u32  }
0xe: {  	v0 =	vunpack.c.l.s4.s8 v0;
	v1 =	vunpack.c.l.s4.s8 v1;
	v2 =	vunpack.c.l.s4.s8 v2  }
0xf: {  	v3 =	vunpack.c.l.s4.s8 v3;
	v10 =	vunpack.c.0.s8.s32 v4;
	v4 =	vunpack.c.l.s4.s8 v5  }
0x10: {  	v5 =	vimm.s32 $0xF0E0D0C;
	v7 =	vunpack.c.l.s4.s8 v7;
	v12 =	vunpack.c.l.s4.s8 v12  }
0x11: {  	v11 =	vunpack.c.0.s8.s32 v5;
	v5 =	vunpack.c.l.s4.s8 v6;
	v6 =	vimm.s32 $0xF0F0E0D  }
0x12: {  	v0 =	vunpack.c.0.s8.s32 v0;
	v8 =	vunpack.c.0.s8.s32 v1;
	v1 =	vimm.s32 $0x98765432  }
0x13: {  	v9 =	vunpack.c.0.s8.s32 v2;
	v2 =	vunpack.c.0.s8.s32 v3;
	v3 =	vimm.s32 $0xBA987654  }
0x14: {  	v4 =	vunpack.c.0.s8.s32 v4;
	v13 =	vunpack.c.0.s8.s32 v6;
	v6 =	vunpack.c.0.s8.s32 v7  }
0x15: {  	v7 =	vunpack.c.0.s8.s32 v12;
	v1 =	vunpack.c.l.s4.s8 v1;
	v3 =	vunpack.c.l.s4.s8 v3  }
0x16: {  	v5 =	vunpack.c.0.s8.s32 v5;
	v0 =	vcombine.low v0, v8;
	v2 =	vand.u32 $0xF, v2  }
0x17: {  	v4 =	vand.u32 $0xF, v4;
	v6 =	vand.u32 $0xF, v6;
	v7 =	vand.u32 $0xF, v7  }
0x18: {  	v8 =	vand.u32 $0xF, v8;
	v1 =	vunpack.c.0.s8.s32 v1;
	v3 =	vunpack.c.0.s8.s32 v3  }
0x19: {  	v2 =	vnsel vm0, $0xF, v2;
	v4 =	vnsel vm0, $0xF, v4;
	v5 =	vand.u32 $0xF, v5  }
0x1a: {  	v6 =	vnsel vm0, $0xF, v6;
	v7 =	vnsel vm0, $0xF, v7;
	v8 =	vnsel vm0, $0xF, v8  }
0x1b: {  	v0 =	vand.u32 $0xF, v0;
	v2 =	vsel vm1, v10, v2;
	v4 =	vsel vm1, v13, v4  }
0x1c: {  	v1 =	vcombine.low v1, v9;
	v3 =	vand.u32 $0xF, v3;
	v9 =	vand.u32 $0xF, v9  }
0x1d: {  	v5 =	vnsel vm0, $0xF, v5;
	v3 =	vnsel vm0, $0xF, v3;
	v9 =	vnsel vm0, $0xF, v9  }
0x1e: {  	vm0 =	vcmask $0x300;
	v3 =	vsel vm1, v11, v3;
	vm1 =	vcmask $0x2320  }
0x1f: {  	s4 =	ssub.s32 $0x2, s4;
	s3 =	sadd.s32 $0x1E00, s3;
	v1 =	vand.u32 $0xF, v1;
	v5 =	vsel vm1, $0xE, v5;
	vm1 =	vcmask $0xF00  }
0x20: {  	s6 =	simm.s32 $0x18700;
	s7 =	simm.s32 $0x1;
	s5 =	sshrl.u32 s4, $0x1;
	v10 =	vnsel vm1, $0xF, v10;
	v12 =	vnsel vm1, $0xF, v13;
	v13 =	vimm.s32 $0xF  }
0x21: {  	s8 =	simm.s32 $0x0;
	s4 =	ssub.s32 s4, s5;
	s5 =	simm.s32 $0x0;
	v11 =	vnsel vm1, $0xF, v11;
	v14 =	vsel vm0, $0xE, v13;
	vm0 =	vcmask $0x3F3C  }
.LBB2_2:
0x22: {  	[tilespmem:s6], [sflag:$0x1] =	stream.linear.gather [hbm4b:s2+s5], $0x4000, $0x38;
	[tilespmem:$0x1C700] =	vst v63  }
0x23: {  	_ =	swait.ge [sflag:s7], $0x4000  }
0x24: {  	s9 =	simm.s32 $0xFFFFFFF8;
	[sflag:s7] =	ssyncset.done $0x0  }
0x25: {  	s10 =	simm.s32 $0x18770;
	s11 =	simm.s32 $0x70;
	[sflag:s7] =	ssyncadd.s32 $0xFFFFC000  }
.LBB2_3:
0x26: {  	v16 =	vld [tilespmem:s10+$0xFFFFFF90]  }
0x27: {  	v17 =	vld.idx.msk [tilespmem:v0+s10+$0xFFFFFF90], $0xffff  }
0x28: {  	v18 =	vld.idx.msk [tilespmem:v1+s10+$0xFFFFFF90], $0xffff  }
0x29: {  	v19 =	vld.idx.msk [tilespmem:v2+s10+$0xFFFFFF90], $0xffff  }
0x2a: {  	v20 =	vld.idx.msk [tilespmem:v3+s10+$0xFFFFFF90], $0xffff  }
0x2b: {  	v21 =	vld.idx.msk [tilespmem:v4+s10+$0xFFFFFF90], $0xffff  }
0x2c: {  	v22 =	vld.idx.msk [tilespmem:v5+s10+$0xFFFFFF90], $0xffff  }
0x2d: {  	vm1 =	veq.s32 v16, v17;
	vm2 =	veq.s32 v16, v18;
	v17 =	vld.idx.msk [tilespmem:v6+s10+$0xFFFFFF90], $0xffff  }
0x2e: {  	v53 =	vld.idx.msk [tilespmem:v7+s10+$0xFFFFFF90], $0xffff;
	vm1 =	vmor vm1, vm2;
	vm2 =	veq.s32 v16, v19  }
0x2f: {  	v54 =	vld.idx.msk [tilespmem:v8+s10+$0xFFFFFF90], $0xffff;
	vm1 =	vmor vm1, vm2;
	vm2 =	veq.s32 v16, v20  }
0x30: {  	v55 =	vld.idx.msk [tilespmem:v9+s10+$0xFFFFFF90], $0xffff;
	vm1 =	vmor vm1, vm2;
	vm2 =	veq.s32 v16, v21  }
0x31: {  	v56 =	vld.idx.msk [tilespmem:v10+s10+$0xFFFFFF90], $0xffff;
	vm1 =	vmor vm1, vm2;
	vm2 =	veq.s32 v16, v22  }
0x32: {  	vm1 =	vmor vm1, vm2;
	vm2 =	veq.s32 v16, v17;
	v17 =	vld.idx.msk [tilespmem:v11+s10+$0xFFFFFF90], $0xffff  }
0x33: {  	v57 =	vld.idx.msk [tilespmem:v12+s10+$0xFFFFFF90], $0xffff;
	vm1 =	vmor vm1, vm2;
	vm2 =	veq.s32 v16, v53  }
0x34: {  	v58 =	vld.idx.msk [tilespmem:v14+s10+$0xFFFFFF90], $0xffff;
	vm1 =	vmor vm1, vm2;
	vm2 =	veq.s32 v16, v54  }
0x35: {  	v59 =	vld.idx.msk [tilespmem:v13+s10+$0xFFFFFF90], $0xffff;
	vm1 =	vmor vm1, vm2;
	vm2 =	veq.s32 v16, v55  }
0x36: {  	vm1 =	vmor vm1, vm2;
	vm2 =	veq.s32 v16, v56  }
0x37: {  	vm1 =	vmor vm1, vm2;
	vm2 =	veq.s32 v16, v17  }
0x38: {  	vm1 =	vmor vm1, vm2;
	vm2 =	veq.s32 v16, v57  }
0x39: {  	vm1 =	vmor vm1, vm2;
	vm2 =	veq.s32 v16, v58  }
0x3a: {  	vm1 =	vmor vm1, vm2;
	vm2 =	veq.s32 v16, v59  }
0x3b: {  	vm1 =	vmor vm1, vm2  }
0x3c: {  	vm1 =	vmneg vm1  }
0x3d: {  	vm1 =	vmor vm1, vm0;
	_ =	sdelay $0x3  }
0x3e: {  	s12 =	sadd.s32 $0xFFFFFF90, s11  }
0x3f: {  	v17 =	vor.u32 s12, v15  }
0x40: {  	[tilespmem:v16+s5+$0x0] =	vst.idx.msk vm1, v17  }
0x41: {  	v16 =	vld [tilespmem:s10+$0xFFFFFFA0]  }
0x42: {  	v17 =	vld.idx.msk [tilespmem:v0+s10+$0xFFFFFFA0], $0xffff  }
0x43: {  	v60 =	vld.idx.msk [tilespmem:v1+s10+$0xFFFFFFA0], $0xffff  }
0x44: {  	v61 =	vld.idx.msk [tilespmem:v2+s10+$0xFFFFFFA0], $0xffff  }
0x45: {  	v62 =	vld.idx.msk [tilespmem:v3+s10+$0xFFFFFFA0], $0xffff  }
0x46: {  	v63 =	vld.idx.msk [tilespmem:v4+s10+$0xFFFFFFA0], $0xffff  }
0x47: {  	v24 =	vld.idx.msk [tilespmem:v5+s10+$0xFFFFFFA0], $0xffff  }
0x48: {  	vm1 =	veq.s32 v16, v17;
	vm2 =	veq.s32 v16, v60;
	v17 =	vld.idx.msk [tilespmem:v6+s10+$0xFFFFFFA0], $0xffff  }
0x49: {  	v25 =	vld.idx.msk [tilespmem:v7+s10+$0xFFFFFFA0], $0xffff;
	vm1 =	vmor vm1, vm2;
	vm2 =	veq.s32 v16, v61  }
0x4a: {  	v26 =	vld.idx.msk [tilespmem:v8+s10+$0xFFFFFFA0], $0xffff;
	vm1 =	vmor vm1, vm2;
	vm2 =	veq.s32 v16, v62  }
0x4b: {  	v27 =	vld.idx.msk [tilespmem:v9+s10+$0xFFFFFFA0], $0xffff;
	vm1 =	vmor vm1, vm2;
	vm2 =	veq.s32 v16, v63  }
0x4c: {  	v28 =	vld.idx.msk [tilespmem:v10+s10+$0xFFFFFFA0], $0xffff;
	vm1 =	vmor vm1, vm2;
	vm2 =	veq.s32 v16, v24  }
0x4d: {  	vm1 =	vmor vm1, vm2;
	vm2 =	veq.s32 v16, v17;
	v17 =	vld.idx.msk [tilespmem:v11+s10+$0xFFFFFFA0], $0xffff  }
0x4e: {  	v29 =	vld.idx.msk [tilespmem:v12+s10+$0xFFFFFFA0], $0xffff;
	vm1 =	vmor vm1, vm2;
	vm2 =	veq.s32 v16, v25  }
0x4f: {  	v30 =	vld.idx.msk [tilespmem:v14+s10+$0xFFFFFFA0], $0xffff;
	vm1 =	vmor vm1, vm2;
	vm2 =	veq.s32 v16, v26  }
0x50: {  	v31 =	vld.idx.msk [tilespmem:v13+s10+$0xFFFFFFA0], $0xffff;
	vm1 =	vmor vm1, vm2;
	vm2 =	veq.s32 v16, v27  }
0x51: {  	vm1 =	vmor vm1, vm2;
	vm2 =	veq.s32 v16, v28  }
0x52: {  	vm1 =	vmor vm1, vm2;
	vm2 =	veq.s32 v16, v17  }
0x53: {  	vm1 =	vmor vm1, vm2;
	vm2 =	veq.s32 v16, v29  }
0x54: {  	vm1 =	vmor vm1, vm2;
	vm2 =	veq.s32 v16, v30  }
0x55: {  	vm1 =	vmor vm1, vm2;
	vm2 =	veq.s32 v16, v31  }
0x56: {  	vm1 =	vmor vm1, vm2  }
0x57: {  	vm1 =	vmneg vm1  }
0x58: {  	vm1 =	vmor vm1, vm0;
	_ =	sdelay $0x3  }
0x59: {  	s25 =	sadd.s32 $0xFFFFFFA0, s11  }
0x5a: {  	v17 =	vor.u32 s25, v15  }
0x5b: {  	[tilespmem:v16+s5+$0x0] =	vst.idx.msk vm1, v17  }
0x5c: {  	v16 =	vld [tilespmem:s10+$0xFFFFFFB0]  }
0x5d: {  	v17 =	vld.idx.msk [tilespmem:v0+s10+$0xFFFFFFB0], $0xffff  }
0x5e: {  	v32 =	vld.idx.msk [tilespmem:v1+s10+$0xFFFFFFB0], $0xffff  }
0x5f: {  	v33 =	vld.idx.msk [tilespmem:v2+s10+$0xFFFFFFB0], $0xffff  }
0x60: {  	v34 =	vld.idx.msk [tilespmem:v3+s10+$0xFFFFFFB0], $0xffff  }
0x61: {  	v35 =	vld.idx.msk [tilespmem:v4+s10+$0xFFFFFFB0], $0xffff  }
0x62: {  	v36 =	vld.idx.msk [tilespmem:v5+s10+$0xFFFFFFB0], $0xffff  }
0x63: {  	vm1 =	veq.s32 v16, v17;
	vm2 =	veq.s32 v16, v32;
	v17 =	vld.idx.msk [tilespmem:v6+s10+$0xFFFFFFB0], $0xffff  }
0x64: {  	v37 =	vld.idx.msk [tilespmem:v7+s10+$0xFFFFFFB0], $0xffff;
	vm1 =	vmor vm1, vm2;
	vm2 =	veq.s32 v16, v33  }
0x65: {  	v38 =	vld.idx.msk [tilespmem:v8+s10+$0xFFFFFFB0], $0xffff;
	vm1 =	vmor vm1, vm2;
	vm2 =	veq.s32 v16, v34  }
0x66: {  	v39 =	vld.idx.msk [tilespmem:v9+s10+$0xFFFFFFB0], $0xffff;
	vm1 =	vmor vm1, vm2;
	vm2 =	veq.s32 v16, v35  }
0x67: {  	v40 =	vld.idx.msk [tilespmem:v10+s10+$0xFFFFFFB0], $0xffff;
	vm1 =	vmor vm1, vm2;
	vm2 =	veq.s32 v16, v36  }
0x68: {  	vm1 =	vmor vm1, vm2;
	vm2 =	veq.s32 v16, v17;
	v17 =	vld.idx.msk [tilespmem:v11+s10+$0xFFFFFFB0], $0xffff  }
0x69: {  	v41 =	vld.idx.msk [tilespmem:v12+s10+$0xFFFFFFB0], $0xffff;
	vm1 =	vmor vm1, vm2;
	vm2 =	veq.s32 v16, v37  }
0x6a: {  	v42 =	vld.idx.msk [tilespmem:v14+s10+$0xFFFFFFB0], $0xffff;
	vm1 =	vmor vm1, vm2;
	vm2 =	veq.s32 v16, v38  }
0x6b: {  	v43 =	vld.idx.msk [tilespmem:v13+s10+$0xFFFFFFB0], $0xffff;
	vm1 =	vmor vm1, vm2;
	vm2 =	veq.s32 v16, v39  }
0x6c: {  	vm1 =	vmor vm1, vm2;
	vm2 =	veq.s32 v16, v40  }
0x6d: {  	vm1 =	vmor vm1, vm2;
	vm2 =	veq.s32 v16, v17  }
0x6e: {  	vm1 =	vmor vm1, vm2;
	vm2 =	veq.s32 v16, v41  }
0x6f: {  	vm1 =	vmor vm1, vm2;
	vm2 =	veq.s32 v16, v42  }
0x70: {  	vm1 =	vmor vm1, vm2;
	vm2 =	veq.s32 v16, v43  }
0x71: {  	vm1 =	vmor vm1, vm2  }
0x72: {  	vm1 =	vmneg vm1  }
0x73: {  	vm1 =	vmor vm1, vm0;
	_ =	sdelay $0x3  }
0x74: {  	s26 =	sadd.s32 $0xFFFFFFB0, s11  }
0x75: {  	v17 =	vor.u32 s26, v15  }
0x76: {  	[tilespmem:v16+s5+$0x0] =	vst.idx.msk vm1, v17  }
0x77: {  	v16 =	vld [tilespmem:s10+$0xFFFFFFC0]  }
0x78: {  	v17 =	vld.idx.msk [tilespmem:v0+s10+$0xFFFFFFC0], $0xffff  }
0x79: {  	v44 =	vld.idx.msk [tilespmem:v1+s10+$0xFFFFFFC0], $0xffff  }
0x7a: {  	v45 =	vld.idx.msk [tilespmem:v2+s10+$0xFFFFFFC0], $0xffff  }
0x7b: {  	v46 =	vld.idx.msk [tilespmem:v3+s10+$0xFFFFFFC0], $0xffff  }
0x7c: {  	v47 =	vld.idx.msk [tilespmem:v4+s10+$0xFFFFFFC0], $0xffff  }
0x7d: {  	v48 =	vld.idx.msk [tilespmem:v5+s10+$0xFFFFFFC0], $0xffff  }
0x7e: {  	vm1 =	veq.s32 v16, v17;
	vm2 =	veq.s32 v16, v44;
	v17 =	vld.idx.msk [tilespmem:v6+s10+$0xFFFFFFC0], $0xffff  }
0x7f: {  	v49 =	vld.idx.msk [tilespmem:v7+s10+$0xFFFFFFC0], $0xffff;
	vm1 =	vmor vm1, vm2;
	vm2 =	veq.s32 v16, v45  }
0x80: {  	v50 =	vld.idx.msk [tilespmem:v8+s10+$0xFFFFFFC0], $0xffff;
	vm1 =	vmor vm1, vm2;
	vm2 =	veq.s32 v16, v46  }
0x81: {  	v51 =	vld.idx.msk [tilespmem:v9+s10+$0xFFFFFFC0], $0xffff;
	vm1 =	vmor vm1, vm2;
	vm2 =	veq.s32 v16, v47  }
0x82: {  	v52 =	vld.idx.msk [tilespmem:v10+s10+$0xFFFFFFC0], $0xffff;
	vm1 =	vmor vm1, vm2;
	vm2 =	veq.s32 v16, v48  }
0x83: {  	vm1 =	vmor vm1, vm2;
	vm2 =	veq.s32 v16, v17;
	v17 =	vld.idx.msk [tilespmem:v11+s10+$0xFFFFFFC0], $0xffff  }
0x84: {  	v53 =	vld.idx.msk [tilespmem:v12+s10+$0xFFFFFFC0], $0xffff;
	vm1 =	vmor vm1, vm2;
	vm2 =	veq.s32 v16, v49  }
0x85: {  	v54 =	vld.idx.msk [tilespmem:v14+s10+$0xFFFFFFC0], $0xffff;
	vm1 =	vmor vm1, vm2;
	vm2 =	veq.s32 v16, v50  }
0x86: {  	v55 =	vld.idx.msk [tilespmem:v13+s10+$0xFFFFFFC0], $0xffff;
	vm1 =	vmor vm1, vm2;
	vm2 =	veq.s32 v16, v51  }
0x87: {  	vm1 =	vmor vm1, vm2;
	vm2 =	veq.s32 v16, v52  }
0x88: {  	vm1 =	vmor vm1, vm2;
	vm2 =	veq.s32 v16, v17  }
0x89: {  	vm1 =	vmor vm1, vm2;
	vm2 =	veq.s32 v16, v53  }
0x8a: {  	vm1 =	vmor vm1, vm2;
	vm2 =	veq.s32 v16, v54  }
0x8b: {  	vm1 =	vmor vm1, vm2;
	vm2 =	veq.s32 v16, v55  }
0x8c: {  	vm1 =	vmor vm1, vm2  }
0x8d: {  	vm1 =	vmneg vm1  }
0x8e: {  	vm1 =	vmor vm1, vm0;
	_ =	sdelay $0x3  }
0x8f: {  	s28 =	sadd.s32 $0xFFFFFFC0, s11  }
0x90: {  	v17 =	vor.u32 s28, v15  }
0x91: {  	[tilespmem:v16+s5+$0x0] =	vst.idx.msk vm1, v17  }
0x92: {  	v16 =	vld [tilespmem:s10+$0xFFFFFFD0]  }
0x93: {  	v17 =	vld.idx.msk [tilespmem:v0+s10+$0xFFFFFFD0], $0xffff  }
0x94: {  	v56 =	vld.idx.msk [tilespmem:v1+s10+$0xFFFFFFD0], $0xffff  }
0x95: {  	v57 =	vld.idx.msk [tilespmem:v2+s10+$0xFFFFFFD0], $0xffff  }
0x96: {  	v58 =	vld.idx.msk [tilespmem:v3+s10+$0xFFFFFFD0], $0xffff  }
0x97: {  	v59 =	vld.idx.msk [tilespmem:v4+s10+$0xFFFFFFD0], $0xffff  }
0x98: {  	v60 =	vld.idx.msk [tilespmem:v5+s10+$0xFFFFFFD0], $0xffff  }
0x99: {  	vm1 =	veq.s32 v16, v17;
	vm2 =	veq.s32 v16, v56;
	v17 =	vld.idx.msk [tilespmem:v6+s10+$0xFFFFFFD0], $0xffff  }
0x9a: {  	v61 =	vld.idx.msk [tilespmem:v7+s10+$0xFFFFFFD0], $0xffff;
	vm1 =	vmor vm1, vm2;
	vm2 =	veq.s32 v16, v57  }
0x9b: {  	v62 =	vld.idx.msk [tilespmem:v8+s10+$0xFFFFFFD0], $0xffff;
	vm1 =	vmor vm1, vm2;
	vm2 =	veq.s32 v16, v58  }
0x9c: {  	v63 =	vld.idx.msk [tilespmem:v9+s10+$0xFFFFFFD0], $0xffff;
	vm1 =	vmor vm1, vm2;
	vm2 =	veq.s32 v16, v59  }
0x9d: {  	v24 =	vld.idx.msk [tilespmem:v10+s10+$0xFFFFFFD0], $0xffff;
	vm1 =	vmor vm1, vm2;
	vm2 =	veq.s32 v16, v60  }
0x9e: {  	vm1 =	vmor vm1, vm2;
	vm2 =	veq.s32 v16, v17;
	v17 =	vld.idx.msk [tilespmem:v11+s10+$0xFFFFFFD0], $0xffff  }
0x9f: {  	v25 =	vld.idx.msk [tilespmem:v12+s10+$0xFFFFFFD0], $0xffff;
	vm1 =	vmor vm1, vm2;
	vm2 =	veq.s32 v16, v61  }
0xa0: {  	v26 =	vld.idx.msk [tilespmem:v14+s10+$0xFFFFFFD0], $0xffff;
	vm1 =	vmor vm1, vm2;
	vm2 =	veq.s32 v16, v62  }
0xa1: {  	v27 =	vld.idx.msk [tilespmem:v13+s10+$0xFFFFFFD0], $0xffff;
	vm1 =	vmor vm1, vm2;
	vm2 =	veq.s32 v16, v63  }
0xa2: {  	vm1 =	vmor vm1, vm2;
	vm2 =	veq.s32 v16, v24  }
0xa3: {  	vm1 =	vmor vm1, vm2;
	vm2 =	veq.s32 v16, v17  }
0xa4: {  	vm1 =	vmor vm1, vm2;
	vm2 =	veq.s32 v16, v25  }
0xa5: {  	vm1 =	vmor vm1, vm2;
	vm2 =	veq.s32 v16, v26  }
0xa6: {  	vm1 =	vmor vm1, vm2;
	vm2 =	veq.s32 v16, v27  }
0xa7: {  	vm1 =	vmor vm1, vm2  }
0xa8: {  	vm1 =	vmneg vm1  }
0xa9: {  	vm1 =	vmor vm1, vm0;
	_ =	sdelay $0x3  }
0xaa: {  	s29 =	sadd.s32 $0xFFFFFFD0, s11  }
0xab: {  	v17 =	vor.u32 s29, v15  }
0xac: {  	[tilespmem:v16+s5+$0x0] =	vst.idx.msk vm1, v17  }
0xad: {  	v16 =	vld [tilespmem:s10+$0xFFFFFFE0]  }
0xae: {  	v17 =	vld.idx.msk [tilespmem:v0+s10+$0xFFFFFFE0], $0xffff  }
0xaf: {  	v28 =	vld.idx.msk [tilespmem:v1+s10+$0xFFFFFFE0], $0xffff  }
0xb0: {  	v29 =	vld.idx.msk [tilespmem:v2+s10+$0xFFFFFFE0], $0xffff  }
0xb1: {  	v30 =	vld.idx.msk [tilespmem:v3+s10+$0xFFFFFFE0], $0xffff  }
0xb2: {  	v31 =	vld.idx.msk [tilespmem:v4+s10+$0xFFFFFFE0], $0xffff  }
0xb3: {  	v32 =	vld.idx.msk [tilespmem:v5+s10+$0xFFFFFFE0], $0xffff  }
0xb4: {  	vm1 =	veq.s32 v16, v17;
	vm2 =	veq.s32 v16, v28;
	v17 =	vld.idx.msk [tilespmem:v6+s10+$0xFFFFFFE0], $0xffff  }
0xb5: {  	v33 =	vld.idx.msk [tilespmem:v7+s10+$0xFFFFFFE0], $0xffff;
	vm1 =	vmor vm1, vm2;
	vm2 =	veq.s32 v16, v29  }
0xb6: {  	v34 =	vld.idx.msk [tilespmem:v8+s10+$0xFFFFFFE0], $0xffff;
	vm1 =	vmor vm1, vm2;
	vm2 =	veq.s32 v16, v30  }
0xb7: {  	v35 =	vld.idx.msk [tilespmem:v9+s10+$0xFFFFFFE0], $0xffff;
	vm1 =	vmor vm1, vm2;
	vm2 =	veq.s32 v16, v31  }
0xb8: {  	v36 =	vld.idx.msk [tilespmem:v10+s10+$0xFFFFFFE0], $0xffff;
	vm1 =	vmor vm1, vm2;
	vm2 =	veq.s32 v16, v32  }
0xb9: {  	vm1 =	vmor vm1, vm2;
	vm2 =	veq.s32 v16, v17;
	v17 =	vld.idx.msk [tilespmem:v11+s10+$0xFFFFFFE0], $0xffff  }
0xba: {  	v37 =	vld.idx.msk [tilespmem:v12+s10+$0xFFFFFFE0], $0xffff;
	vm1 =	vmor vm1, vm2;
	vm2 =	veq.s32 v16, v33  }
0xbb: {  	v38 =	vld.idx.msk [tilespmem:v14+s10+$0xFFFFFFE0], $0xffff;
	vm1 =	vmor vm1, vm2;
	vm2 =	veq.s32 v16, v34  }
0xbc: {  	v39 =	vld.idx.msk [tilespmem:v13+s10+$0xFFFFFFE0], $0xffff;
	vm1 =	vmor vm1, vm2;
	vm2 =	veq.s32 v16, v35  }
0xbd: {  	vm1 =	vmor vm1, vm2;
	vm2 =	veq.s32 v16, v36  }
0xbe: {  	vm1 =	vmor vm1, vm2;
	vm2 =	veq.s32 v16, v17  }
0xbf: {  	vm1 =	vmor vm1, vm2;
	vm2 =	veq.s32 v16, v37  }
0xc0: {  	vm1 =	vmor vm1, vm2;
	vm2 =	veq.s32 v16, v38  }
0xc1: {  	vm1 =	vmor vm1, vm2;
	vm2 =	veq.s32 v16, v39  }
0xc2: {  	vm1 =	vmor vm1, vm2  }
0xc3: {  	vm1 =	vmneg vm1  }
0xc4: {  	vm1 =	vmor vm1, vm0;
	_ =	sdelay $0x3  }
0xc5: {  	s30 =	sadd.s32 $0xFFFFFFE0, s11  }
0xc6: {  	v17 =	vor.u32 s30, v15  }
0xc7: {  	[tilespmem:v16+s5+$0x0] =	vst.idx.msk vm1, v17  }
0xc8: {  	v16 =	vld [tilespmem:s10+$0xFFFFFFF0]  }
0xc9: {  	v17 =	vld.idx.msk [tilespmem:v0+s10+$0xFFFFFFF0], $0xffff  }
0xca: {  	v40 =	vld.idx.msk [tilespmem:v1+s10+$0xFFFFFFF0], $0xffff  }
0xcb: {  	v41 =	vld.idx.msk [tilespmem:v2+s10+$0xFFFFFFF0], $0xffff  }
0xcc: {  	v42 =	vld.idx.msk [tilespmem:v3+s10+$0xFFFFFFF0], $0xffff  }
0xcd: {  	v43 =	vld.idx.msk [tilespmem:v4+s10+$0xFFFFFFF0], $0xffff  }
0xce: {  	v44 =	vld.idx.msk [tilespmem:v5+s10+$0xFFFFFFF0], $0xffff  }
0xcf: {  	vm1 =	veq.s32 v16, v17;
	vm2 =	veq.s32 v16, v40;
	v17 =	vld.idx.msk [tilespmem:v6+s10+$0xFFFFFFF0], $0xffff  }
0xd0: {  	v45 =	vld.idx.msk [tilespmem:v7+s10+$0xFFFFFFF0], $0xffff;
	vm1 =	vmor vm1, vm2;
	vm2 =	veq.s32 v16, v41  }
0xd1: {  	v46 =	vld.idx.msk [tilespmem:v8+s10+$0xFFFFFFF0], $0xffff;
	vm1 =	vmor vm1, vm2;
	vm2 =	veq.s32 v16, v42  }
0xd2: {  	v47 =	vld.idx.msk [tilespmem:v9+s10+$0xFFFFFFF0], $0xffff;
	vm1 =	vmor vm1, vm2;
	vm2 =	veq.s32 v16, v43  }
0xd3: {  	v48 =	vld.idx.msk [tilespmem:v10+s10+$0xFFFFFFF0], $0xffff;
	vm1 =	vmor vm1, vm2;
	vm2 =	veq.s32 v16, v44  }
0xd4: {  	vm1 =	vmor vm1, vm2;
	vm2 =	veq.s32 v16, v17;
	v17 =	vld.idx.msk [tilespmem:v11+s10+$0xFFFFFFF0], $0xffff  }
0xd5: {  	v49 =	vld.idx.msk [tilespmem:v12+s10+$0xFFFFFFF0], $0xffff;
	vm1 =	vmor vm1, vm2;
	vm2 =	veq.s32 v16, v45  }
0xd6: {  	v50 =	vld.idx.msk [tilespmem:v14+s10+$0xFFFFFFF0], $0xffff;
	vm1 =	vmor vm1, vm2;
	vm2 =	veq.s32 v16, v46  }
0xd7: {  	v51 =	vld.idx.msk [tilespmem:v13+s10+$0xFFFFFFF0], $0xffff;
	vm1 =	vmor vm1, vm2;
	vm2 =	veq.s32 v16, v47  }
0xd8: {  	vm1 =	vmor vm1, vm2;
	vm2 =	veq.s32 v16, v48  }
0xd9: {  	vm1 =	vmor vm1, vm2;
	vm2 =	veq.s32 v16, v17  }
0xda: {  	vm1 =	vmor vm1, vm2;
	vm2 =	veq.s32 v16, v49  }
0xdb: {  	vm1 =	vmor vm1, vm2;
	vm2 =	veq.s32 v16, v50  }
0xdc: {  	vm1 =	vmor vm1, vm2;
	vm2 =	veq.s32 v16, v51  }
0xdd: {  	vm1 =	vmor vm1, vm2  }
0xde: {  	vm1 =	vmneg vm1  }
0xdf: {  	vm1 =	vmor vm1, vm0;
	_ =	sdelay $0x3  }
0xe0: {  	s31 =	sadd.s32 $0xFFFFFFF0, s11  }
0xe1: {  	v17 =	vor.u32 s31, v15  }
0xe2: {  	[tilespmem:v16+s5+$0x0] =	vst.idx.msk vm1, v17  }
0xe3: {  	v16 =	vld [tilespmem:s10+$0x0]  }
0xe4: {  	v17 =	vld.idx.msk [tilespmem:v0+s10+$0x0], $0xffff  }
0xe5: {  	v52 =	vld.idx.msk [tilespmem:v1+s10+$0x0], $0xffff  }
0xe6: {  	v53 =	vld.idx.msk [tilespmem:v2+s10+$0x0], $0xffff  }
0xe7: {  	v54 =	vld.idx.msk [tilespmem:v3+s10+$0x0], $0xffff  }
0xe8: {  	v55 =	vld.idx.msk [tilespmem:v4+s10+$0x0], $0xffff  }
0xe9: {  	v56 =	vld.idx.msk [tilespmem:v5+s10+$0x0], $0xffff  }
0xea: {  	vm1 =	veq.s32 v16, v17;
	vm2 =	veq.s32 v16, v52;
	v17 =	vld.idx.msk [tilespmem:v6+s10+$0x0], $0xffff  }
0xeb: {  	v57 =	vld.idx.msk [tilespmem:v7+s10+$0x0], $0xffff;
	vm1 =	vmor vm1, vm2;
	vm2 =	veq.s32 v16, v53  }
0xec: {  	v58 =	vld.idx.msk [tilespmem:v8+s10+$0x0], $0xffff;
	vm1 =	vmor vm1, vm2;
	vm2 =	veq.s32 v16, v54  }
0xed: {  	v59 =	vld.idx.msk [tilespmem:v9+s10+$0x0], $0xffff;
	vm1 =	vmor vm1, vm2;
	vm2 =	veq.s32 v16, v55  }
0xee: {  	v60 =	vld.idx.msk [tilespmem:v10+s10+$0x0], $0xffff;
	vm1 =	vmor vm1, vm2;
	vm2 =	veq.s32 v16, v56  }
0xef: {  	vm1 =	vmor vm1, vm2;
	vm2 =	veq.s32 v16, v17;
	v17 =	vld.idx.msk [tilespmem:v11+s10+$0x0], $0xffff  }
0xf0: {  	v61 =	vld.idx.msk [tilespmem:v12+s10+$0x0], $0xffff;
	vm1 =	vmor vm1, vm2;
	vm2 =	veq.s32 v16, v57  }
0xf1: {  	v62 =	vld.idx.msk [tilespmem:v14+s10+$0x0], $0xffff;
	vm1 =	vmor vm1, vm2;
	vm2 =	veq.s32 v16, v58  }
0xf2: {  	v63 =	vld.idx.msk [tilespmem:v13+s10+$0x0], $0xffff;
	vm1 =	vmor vm1, vm2;
	vm2 =	veq.s32 v16, v59  }
0xf3: {  	vm1 =	vmor vm1, vm2;
	vm2 =	veq.s32 v16, v60  }
0xf4: {  	vm1 =	vmor vm1, vm2;
	vm2 =	veq.s32 v16, v17  }
0xf5: {  	vm1 =	vmor vm1, vm2;
	vm2 =	veq.s32 v16, v61  }
0xf6: {  	vm1 =	vmor vm1, vm2;
	vm2 =	veq.s32 v16, v62  }
0xf7: {  	vm1 =	vmor vm1, vm2;
	vm2 =	veq.s32 v16, v63  }
0xf8: {  	vm1 =	vmor vm1, vm2  }
0xf9: {  	vm1 =	vmneg vm1  }
0xfa: {  	s9 =	sadd.s32 $0x8, s9;
	vm1 =	vmor vm1, vm0  }
0xfb: {  	p0 =	slt.u32 s9, $0x3F8  }
.Ltmp1:
0xfc: {  	_ = 	snop;
	(pc) =	sbr.rel @p0 .LBB2_3-.Ltmp1, $3  }
0xfd: {  	_ =	sdelay $0x1  }
0xfe: {  	v17 =	vor.u32 s11, v15  }
0xff: {  	s12 =	simm.s32 $0x18740;
	s10 =	sadd.s32 $0x80, s10;
	s11 =	sadd.s32 $0x80, s11;
	[tilespmem:v16+s5+$0x0] =	vst.idx.msk vm1, v17  }
0x100: {  	v16 =	vld [tilespmem:s12+$0xFFFFFFC0];
	_ =	sdelay $0x5  }
0x101: {  	v17 =	vld [tilespmem:s12+$0xFFFFFFD0];
	_ =	sdelay $0x1  }
0x102: {  	v16 =	vld.idx.msk [tilespmem:v16+s5+$0x0], $0xffff;
	_ =	sdelay $0x4  }
0x103: {  	[tilespmem:s12+$0xFFFFFFC0] =	vst v16;
	v16 =	vld [tilespmem:s12+$0xFFFFFFE0]  }
0x104: {  	v17 =	vld.idx.msk [tilespmem:v17+s5+$0x0], $0xffff;
	_ =	sdelay $0x4  }
0x105: {  	[tilespmem:s12+$0xFFFFFFD0] =	vst v17;
	v17 =	vld [tilespmem:s12+$0xFFFFFFF0];
	_ =	sdelay $0x1  }
0x106: {  	v16 =	vld.idx.msk [tilespmem:v16+s5+$0x0], $0xffff;
	_ =	sdelay $0x4  }
0x107: {  	[tilespmem:s12+$0xFFFFFFE0] =	vst v16;
	v16 =	vld [tilespmem:s12+$0x0]  }
0x108: {  	v17 =	vld.idx.msk [tilespmem:v17+s5+$0x0], $0xffff;
	_ =	sdelay $0x4  }
0x109: {  	[tilespmem:s12+$0xFFFFFFF0] =	vst v17;
	v17 =	vld [tilespmem:s12+$0x10];
	_ =	sdelay $0x1  }
0x10a: {  	v16 =	vld.idx.msk [tilespmem:v16+s5+$0x0], $0xffff;
	_ =	sdelay $0x4  }
0x10b: {  	v18 =	vld [tilespmem:s12+$0x20];
	[tilespmem:s12+$0x0] =	vst v16  }
0x10c: {  	v16 =	vld.idx.msk [tilespmem:v17+s5+$0x0], $0xffff;
	_ =	sdelay $0x4  }
0x10d: {  	[tilespmem:s12+$0x10] =	vst v16;
	v16 =	vld [tilespmem:s12+$0x30];
	_ =	sdelay $0x1  }
0x10e: {  	v17 =	vld.idx.msk [tilespmem:v18+s5+$0x0], $0xffff;
	_ =	sdelay $0x3  }
0x10f: {  	s9 =	simm.s32 $0x0;
	s10 =	simm.s32 $0x187C0  }
.LBB2_5:
0x110: {  	v18 =	vld [tilespmem:s10+$0xFFFFFFC0];
	s9 =	sadd.s32 $0x8, s9;
	[tilespmem:s12+$0x20] =	vst v17  }
0x111: {  	p0 =	slt.u32 s9, $0x3F8;
	v16 =	vld.idx.msk [tilespmem:v16+s5+$0x0], $0xffff;
	_ =	sdelay $0x5  }
0x112: {  	v17 =	vld [tilespmem:s10+$0xFFFFFFD0];
	[tilespmem:s12+$0x30] =	vst v16;
	s12 =	smov.u32 s10  }
0x113: {  	v16 =	vld.idx.msk [tilespmem:v18+s5+$0x0], $0xffff;
	_ =	sdelay $0x5  }
0x114: {  	[tilespmem:s10+$0xFFFFFFC0] =	vst v16;
	v16 =	vld [tilespmem:s10+$0xFFFFFFE0]  }
0x115: {  	v17 =	vld.idx.msk [tilespmem:v17+s5+$0x0], $0xffff;
	_ =	sdelay $0x5  }
0x116: {  	[tilespmem:s10+$0xFFFFFFD0] =	vst v17;
	v17 =	vld [tilespmem:s10+$0xFFFFFFF0]  }
0x117: {  	v16 =	vld.idx.msk [tilespmem:v16+s5+$0x0], $0xffff;
	_ =	sdelay $0x5  }
0x118: {  	[tilespmem:s10+$0xFFFFFFE0] =	vst v16;
	v16 =	vld [tilespmem:s10+$0x0]  }
0x119: {  	v17 =	vld.idx.msk [tilespmem:v17+s5+$0x0], $0xffff;
	_ =	sdelay $0x5  }
0x11a: {  	[tilespmem:s10+$0xFFFFFFF0] =	vst v17;
	v17 =	vld [tilespmem:s10+$0x10]  }
0x11b: {  	v16 =	vld.idx.msk [tilespmem:v16+s5+$0x0], $0xffff;
	_ =	sdelay $0x5  }
0x11c: {  	[tilespmem:s10+$0x0] =	vst v16;
	v18 =	vld [tilespmem:s10+$0x20]  }
0x11d: {  	v16 =	vld.idx.msk [tilespmem:v17+s5+$0x0], $0xffff;
	_ =	sdelay $0x5  }
0x11e: {  	[tilespmem:s10+$0x10] =	vst v16;
	v16 =	vld [tilespmem:s10+$0x30]  }
0x11f: {  	v17 =	vld.idx.msk [tilespmem:v18+s5+$0x0], $0xffff  }
.Ltmp2:
0x120: {  	(pc) =	sbr.rel @p0 .LBB2_5-.Ltmp2, $2  }
0x121: {  	_ =	sdelay $0x2  }
0x122: {  	s10 =	sadd.s32 $0x80, s10  }
0x123: {  	_ =	sdelay $0x2  }
0x124: {  	[tilespmem:s12+$0x20] =	vst v17  }
0x125: {  	v16 =	vld.idx.msk [tilespmem:v16+s5+$0x0], $0xffff;
	_ =	sdelay $0x2  }
0x126: {  	s8 =	sadd.s32 $0x1, s8  }
0x127: {  	p0 =	sne.s32 s8, s4  }
.Ltmp3:
0x128: {  	[tilespmem:s12+$0x30] =	vst v16;
	(pc) =	sbr.rel @p0 .LBB2_2-.Ltmp3, $4  }
0x129: {  	[hbm4b:s3+s5] =	stream.linear.scatter [tilespmem:s6], [sflag:$0x1], $0x4000, $0x38;
	[tilespmem:$0x1C700] =	vst v63  }
0x12a: {  	_ =	swait.ge [sflag:s7], $0x4000  }
0x12b: {  	[sflag:s7] =	ssyncset.done $0x0  }
0x12c: {  	[sflag:s7] =	ssyncadd.s32 $0xFFFFC000  }
.LBB2_7:
0x12d: {  	_ =	sfence.sel $0x180000  }
0x12e: {  	[bflag:$0x0] =	sbarrier.arrive $0xFFFF  }
0x12f: {  	p0 =	sne.s32 s0, $0x0;
	_ =	strace $0x90000047  }
0x130: {  	s0 =	sadd.s32 @!p0 $0x100000, s1;
	[bflag:$0x2] =	sbarrier.arrive $0xFFFF  }
0x131: {  	[sflag:s0] =	ssyncadd.tile.s32 @!p0 $0x1;
	_ =	shalt  }
.Lfunc_end2:
_tile_overlayer_lowered:
.L_overlay_start_2:
0x132: {  	(tag) =	ssettag $0x2  }
0x133: {  	s0 =	rddreg [dreg:$0x0];
	s2 =	stileid.u32  }
0x134: {  	s1 =	rddreg [dreg:$0x1];
	p0 =	sne.s32 s2, $0x0  }
0x135: {  	s3 =	rddreg [dreg:$0x2];
	[bflag:$0x3] =	sbarrier.arrive $0xFFFF;
	s2 =	simm.s32 @!p0 $0x1C01  }
0x136: {  	[timem:s3], [sflag:s2] =	dma.local @!p0 [hbm:s0], s1  }
0x137: {  	s0 =	simm.s32 @!p0 $0x1  }
0x138: {  	_ =	swait.ge @!p0 [sflag:s0], s1  }
0x139: {  	s1 =	ssub.s32 @!p0 $0x0, s1;
	[sflag:s0] =	ssyncset.done @!p0 $0x0  }
0x13a: {  	[sflag:s0] =	ssyncadd.s32 @!p0 s1  }
0x13b: {  	[bflag:$0x3] =	sbarrier.arrive $0xFFFF  }
0x13c: {  	_ =	shalt  }

</sc_bundles>
